<compile_context>
chip_gen: v7x
topology: tpu7x:2x2x1
jax: 0.10.2.dev20260603
libtpu: 0.0.44.dev20260713+nightly
codegen_flags: <defaults>
</compile_context>

<pallas_src>
import functools

import jax
import jax.numpy as jnp
from jax.experimental import pallas as pl

K = 16
_NEG_SLOPE = 0.2


def _leaky(v):
    return jnp.where(v >= 0, v, _NEG_SLOPE * v)



def _conv_body(posr_ref, pt_ref, ssqr_ref, a_ref, wst_ref, wet_ref,
               *refs, C, R, N, emit_mask, use_mask, k):
    if use_mask:
        wm_in_ref, out_ref = refs
    elif emit_mask:
        out_ref, wm_out_ref = refs
    else:
        (out_ref,) = refs
    i = pl.program_id(1)

    a_rows = a_ref[0, pl.ds(i * R, R), :]
    x_r = a_rows[:, :C]
    pos3_r = a_rows[:, C:C + 3]
    psq_r = a_rows[:, C + 3:C + 4]

    if use_mask:
        w = wm_in_ref[0].astype(jnp.float32)
    else:
        pos_r = posr_ref[0]
        ptm = pt_ref[0]
        pb = pos_r.astype(jnp.bfloat16).astype(jnp.float32)
        tb = ptm.astype(jnp.bfloat16).astype(jnp.float32)
        e = ((pb[:, 0:1] * tb[0:1, :] + pb[:, 1:2] * tb[1:2, :])
             + pb[:, 2:3] * tb[2:3, :])
        d = (psq_r + ssqr_ref[0]) - 2.0 * e
        d = jnp.maximum(d, 0.0)
        iota = jax.lax.broadcasted_iota(jnp.int32, (R, N), 1)
        mask = jnp.zeros((R, N), jnp.float32)
        for _ in range(k):
            dm = jnp.min(d, axis=1, keepdims=True)
            sel = jnp.min(jnp.where(d == dm, iota, N), axis=1, keepdims=True)
            hit = iota == sel
            mask = jnp.maximum(mask, hit.astype(jnp.float32))
            d = jnp.where(hit, jnp.inf, d)
        w = mask * jnp.float32(1.0 / k)
        if emit_mask:
            wm_out_ref[0] = w.astype(jnp.bfloat16)

    agg = jnp.dot(w, a_ref[0], preferred_element_type=jnp.float32)
    agg_x = agg[:, :C]
    agg_p = agg[:, C:C + 3]
    agg_sq = agg[:, C + 3:C + 4]
    rel_mean = pos3_r - agg_p
    meandsq = psq_r - 2.0 * jnp.sum(pos3_r * agg_p, axis=1,
                                    keepdims=True) + agg_sq
    g = jnp.concatenate([agg_x, rel_mean, meandsq], axis=1)
    val = (jnp.dot(x_r, wst_ref[...], preferred_element_type=jnp.float32)
           + jnp.dot(g, wet_ref[...], preferred_element_type=jnp.float32))
    out_ref[0] = _leaky(val)


def _edge_conv(aug, pos_pad, pos_t, ssq_row, w_self, w_edge, *,
               wmask=None, emit_mask=False, R=256, k=K):
    B, N, CA = aug.shape
    C = CA - 4
    Cout = w_self.shape[0]
    R = min(R, N)
    grid = (B, N // R)
    body = functools.partial(_conv_body, C=C, R=R, N=N,
                             emit_mask=emit_mask, use_mask=wmask is not None,
                             k=k)
    in_specs = [
        pl.BlockSpec((1, R, 8), lambda b, i: (b, i, 0)),
        pl.BlockSpec((1, 8, N), lambda b, i: (b, 0, 0)),
        pl.BlockSpec((1, 1, N), lambda b, i: (b, 0, 0)),
        pl.BlockSpec((1, N, CA), lambda b, i: (b, 0, 0)),
        pl.BlockSpec((C, Cout), lambda b, i: (0, 0)),
        pl.BlockSpec((CA, Cout), lambda b, i: (0, 0)),
    ]
    args = [pos_pad, pos_t, ssq_row, aug, w_self.T, w_edge.T]
    out_specs = [pl.BlockSpec((1, R, Cout), lambda b, i: (b, i, 0))]
    out_shapes = [jax.ShapeDtypeStruct((B, N, Cout), jnp.float32)]
    if wmask is not None:
        in_specs.append(pl.BlockSpec((1, R, N), lambda b, i: (b, i, 0)))
        args.append(wmask)
    elif emit_mask:
        out_specs.append(pl.BlockSpec((1, R, N), lambda b, i: (b, i, 0)))
        out_shapes.append(jax.ShapeDtypeStruct((B, N, N), jnp.bfloat16))
    res = pl.pallas_call(
        body,
        grid=grid,
        in_specs=in_specs,
        out_specs=out_specs if len(out_specs) > 1 else out_specs[0],
        out_shape=out_shapes if len(out_shapes) > 1 else out_shapes[0],
    )(*args)
    if emit_mask and wmask is None:
        return res[0], res[1]
    return (res[0] if isinstance(res, (list, tuple)) else res), None



def _red2(a, op):
    r = op(a, axis=2, keepdims=True)
    return op(r, axis=1, keepdims=True)


def _fps_body(pos_ref, idx1_ref, sel1_ref, idx2_ref, sel2_ref, *, N, N1, N2):
    B = pos_ref.shape[0]
    xs = pos_ref[:, 0]
    ys = pos_ref[:, 1]
    zs = pos_ref[:, 2]

    def lin_of(n):
        m = n // 8
        return (jax.lax.broadcasted_iota(jnp.int32, (B, 8, m), 1) * m
                + jax.lax.broadcasted_iota(jnp.int32, (B, 8, m), 2))

    def run(xc, yc, zc, npoint, n):
        lin = lin_of(n)
        lin_sel = lin_of(npoint)

        def body(t, state):
            dists, idxacc, sx, sy, sz, lx, ly, lz = state
            dx = xc - lx
            dy = yc - ly
            dz = zc - lz
            d = (dx * dx + dy * dy) + dz * dz
            dists = jnp.minimum(dists, d)
            maxv = _red2(dists, jnp.max)
            nxt = _red2(jnp.where(dists == maxv, lin, n), jnp.min)
            hit = lin == nxt
            lx = _red2(jnp.where(hit, xc, 0.0), jnp.sum)
            ly = _red2(jnp.where(hit, yc, 0.0), jnp.sum)
            lz = _red2(jnp.where(hit, zc, 0.0), jnp.sum)
            at = lin_sel == t
            idxacc = jnp.where(at, nxt, idxacc)
            sx = jnp.where(at, lx, sx)
            sy = jnp.where(at, ly, sy)
            sz = jnp.where(at, lz, sz)
            return dists, idxacc, sx, sy, sz, lx, ly, lz

        lx0 = xc[:, 0:1, 0:1]
        ly0 = yc[:, 0:1, 0:1]
        lz0 = zc[:, 0:1, 0:1]
        m_sel = npoint // 8
        at0 = lin_sel == 0
        z_i = jnp.zeros((B, 8, m_sel), jnp.int32)
        sx0 = jnp.where(at0, lx0, jnp.zeros((B, 8, m_sel), jnp.float32))
        sy0 = jnp.where(at0, ly0, jnp.zeros((B, 8, m_sel), jnp.float32))
        sz0 = jnp.where(at0, lz0, jnp.zeros((B, 8, m_sel), jnp.float32))
        state = (jnp.full((B, 8, n // 8), 1e10, jnp.float32), z_i,
                 sx0, sy0, sz0, lx0, ly0, lz0)
        state = jax.lax.fori_loop(1, npoint, body, state)
        return state[1], state[2], state[3], state[4]

    idx1, s1x, s1y, s1z = run(xs, ys, zs, N1, N)
    idx1_ref[...] = idx1
    sel1_ref[:, 0] = s1x
    sel1_ref[:, 1] = s1y
    sel1_ref[:, 2] = s1z
    idx2, s2x, s2y, s2z = run(s1x, s1y, s1z, N2, N1)
    idx2_ref[...] = idx2
    sel2_ref[:, 0] = s2x
    sel2_ref[:, 1] = s2y
    sel2_ref[:, 2] = s2z


def _fps_chain(pos_t):
    B, _, N = pos_t.shape
    N1, N2 = N // 2, N // 4
    pos4 = pos_t.reshape(B, 3, 8, N // 8)
    idx1, sel1, idx2, sel2 = pl.pallas_call(
        functools.partial(_fps_body, N=N, N1=N1, N2=N2),
        out_shape=(
            jax.ShapeDtypeStruct((B, 8, N1 // 8), jnp.int32),
            jax.ShapeDtypeStruct((B, 3, 8, N1 // 8), jnp.float32),
            jax.ShapeDtypeStruct((B, 8, N2 // 8), jnp.int32),
            jax.ShapeDtypeStruct((B, 3, 8, N2 // 8), jnp.float32),
        ),
    )(pos4)
    return (idx1.reshape(B, N1), sel1.reshape(B, 3, N1),
            idx2.reshape(B, N2), sel2.reshape(B, 3, N2))



def _up_body(posr_ref, pt_ref, ssqr_ref, fk_ref, fs_ref, wat_ref, wbt_ref,
             b_ref, out_ref, *, R, NK):
    pos_r = posr_ref[0]
    ptm = pt_ref[0]
    psq_r = ((pos_r[:, 0:1] * pos_r[:, 0:1] + pos_r[:, 1:2] * pos_r[:, 1:2])
             + pos_r[:, 2:3] * pos_r[:, 2:3])
    pb = pos_r.astype(jnp.bfloat16).astype(jnp.float32)
    tb = ptm.astype(jnp.bfloat16).astype(jnp.float32)
    e = ((pb[:, 0:1] * tb[0:1, :] + pb[:, 1:2] * tb[1:2, :])
         + pb[:, 2:3] * tb[2:3, :])
    d = (psq_r + ssqr_ref[0]) - 2.0 * e
    d = jnp.maximum(d, 0.0)
    dd = d
    iota = jax.lax.broadcasted_iota(jnp.int32, (R, NK), 1)
    mask = jnp.zeros((R, NK), jnp.float32)
    for _ in range(3):
        dm = jnp.min(dd, axis=1, keepdims=True)
        sel = jnp.min(jnp.where(dd == dm, iota, NK), axis=1, keepdims=True)
        hit = iota == sel
        mask = jnp.maximum(mask, hit.astype(jnp.float32))
        dd = jnp.where(hit, jnp.inf, dd)
    wfull = mask / (d + 1e-8)
    w3 = wfull / jnp.sum(wfull, axis=1, keepdims=True)
    interp = jnp.dot(w3, fk_ref[0], preferred_element_type=jnp.float32)
    val = (jnp.dot(interp, wat_ref[...], preferred_element_type=jnp.float32)
           + jnp.dot(fs_ref[0], wbt_ref[...],
                     preferred_element_type=jnp.float32)
           + b_ref[...])
    out_ref[0] = _leaky(val)


def _upsample(posu_pad, posk_t, ssqk_row, feats_k, feats_skip, w_up, b_up,
              R=512):
    B, NU, _ = posu_pad.shape
    NK = posk_t.shape[2]
    CK = feats_k.shape[2]
    CS = feats_skip.shape[2]
    Cout = w_up.shape[0]
    R = min(R, NU)
    wa_t = w_up[:, :CK].T
    wb_t = w_up[:, CK:].T
    return pl.pallas_call(
        functools.partial(_up_body, R=R, NK=NK),
        grid=(B, NU // R),
        in_specs=[
            pl.BlockSpec((1, R, 8), lambda b, i: (b, i, 0)),
            pl.BlockSpec((1, 8, NK), lambda b, i: (b, 0, 0)),
            pl.BlockSpec((1, 1, NK), lambda b, i: (b, 0, 0)),
            pl.BlockSpec((1, NK, CK), lambda b, i: (b, 0, 0)),
            pl.BlockSpec((1, R, CS), lambda b, i: (b, i, 0)),
            pl.BlockSpec((CK, Cout), lambda b, i: (0, 0)),
            pl.BlockSpec((CS, Cout), lambda b, i: (0, 0)),
            pl.BlockSpec((1, Cout), lambda b, i: (0, 0)),
        ],
        out_specs=pl.BlockSpec((1, R, Cout), lambda b, i: (b, i, 0)),
        out_shape=jax.ShapeDtypeStruct((B, NU, Cout), jnp.float32),
    )(posu_pad, posk_t, ssqk_row, feats_k, feats_skip, wa_t, wb_t,
      b_up[None, :])



def _proj_kernel(f_ref, w_ref, b_ref, o_ref):
    o_ref[...] = jnp.dot(f_ref[...], w_ref[...],
                         preferred_element_type=jnp.float32) + b_ref[...]


def _out_proj(f, w_out, b_out):
    b, n, c = f.shape
    out = pl.pallas_call(
        _proj_kernel,
        out_shape=jax.ShapeDtypeStruct((b * n, w_out.shape[0]), jnp.float32),
    )(f.reshape(b * n, c), w_out.T, b_out[None, :])
    return out.reshape(b, n, w_out.shape[0])



def _bgather(feats, idx):
    return jax.vmap(lambda f, i: f[i])(feats, idx)


def _aug_of(x, pos3):
    ssq = jnp.sum(pos3 * pos3, axis=-1, keepdims=True)
    return jnp.concatenate([x, pos3, ssq], axis=-1), ssq


def _pads(pos3):
    B, N, _ = pos3.shape
    pad = jnp.concatenate(
        [pos3, jnp.zeros((B, N, 5), jnp.float32)], axis=-1)
    return pad, jnp.swapaxes(pad, 1, 2)


def kernel(x, pos, w_self0, w_edge0, w_self1, w_edge1, w_self2, w_edge2,
           w_up1, b_up1, w_self_u1, w_edge_u1, w_up0, b_up0, w_self_u0,
           w_edge_u0, w_out, b_out):
    B, N, _ = pos.shape
    pos0 = pos
    aug0, ssq0 = _aug_of(x, pos0)
    pad0, pt0 = _pads(pos0)
    ssq0r = jnp.swapaxes(ssq0, 1, 2)

    feat0, wm0 = _edge_conv(aug0, pad0, pt0, ssq0r, w_self0, w_edge0,
                            emit_mask=True)

    idx1, pos1_t, idx2, pos2_t = _fps_chain(jnp.swapaxes(pos0, 1, 2)[:, :3, :])
    pos1 = jnp.swapaxes(pos1_t, 1, 2)
    pos2 = jnp.swapaxes(pos2_t, 1, 2)

    feat0_g = _bgather(feat0, idx1)
    aug1, ssq1 = _aug_of(feat0_g, pos1)
    pad1, pt1 = _pads(pos1)
    ssq1r = jnp.swapaxes(ssq1, 1, 2)
    feat1, wm1 = _edge_conv(aug1, pad1, pt1, ssq1r, w_self1, w_edge1,
                            emit_mask=True)

    feat1_g = _bgather(feat1, idx2)
    aug2, ssq2 = _aug_of(feat1_g, pos2)
    pad2, pt2 = _pads(pos2)
    ssq2r = jnp.swapaxes(ssq2, 1, 2)
    feat2, _ = _edge_conv(aug2, pad2, pt2, ssq2r, w_self2, w_edge2)

    fu1 = _upsample(pad1, pt2, ssq2r, feat2, feat1, w_up1, b_up1)
    aug_u1, _ = _aug_of(fu1, pos1)
    fc1, _ = _edge_conv(aug_u1, pad1, pt1, ssq1r, w_self_u1, w_edge_u1,
                        wmask=wm1)

    fu0 = _upsample(pad0, pt1, ssq1r, fc1, feat0, w_up0, b_up0)
    aug_u0, _ = _aug_of(fu0, pos0)
    fc0, _ = _edge_conv(aug_u0, pad0, pt0, ssq0r, w_self_u0, w_edge_u0,
                        wmask=wm0)

    return _out_proj(fc0, w_out, b_out)

# --- scband reference (transcript-rebuilt; emitter-appended) ---
"""Pipeline reference for scband-point-unet-75024488727154 (READ-ONLY COPY).

The authoritative reference and input builder live on the scoring server;
editing this copy changes nothing except your own understanding.
"""

import jax, jax.numpy as jnp
import numpy as np

B, N, IN_CH, BASE, K = 2, 4096, 4, 64, 16

def pairwise_sqdist(a, b):
    aa = jnp.sum(a * a, axis=-1, keepdims=True)
    bb = jnp.sum(b * b, axis=-1)[:, None, :]
    d = aa + bb - 2.0 * jnp.einsum('bnd,bmd->bnm', a, b)
    return jnp.maximum(d, 0.0)

def knn_idx(pos, k):
    d = pairwise_sqdist(pos, pos)
    _, idx = jax.lax.top_k(-d, k)
    return jax.lax.stop_gradient(idx)

def batched_gather(feats, idx):
    return jax.vmap(lambda f, i: f[i])(feats, idx)

def fps(pos, npoint):
    def single(p):
        n = p.shape[0]
        def body(i, state):
            idx, dists, last = state
            d = jnp.sum((p - p[last]) ** 2, axis=-1)
            dists = jnp.minimum(dists, d)
            nxt = jnp.argmax(dists).astype(jnp.int32)
            return (idx.at[i].set(nxt), dists, nxt)
        idx0 = jnp.zeros((npoint,), dtype=jnp.int32)
        d0 = jnp.full((n,), 1e10, dtype=jnp.float32)
        idx, _, _ = jax.lax.fori_loop(1, npoint, body, (idx0, d0, jnp.int32(0)))
        return idx
    return jax.vmap(single)(jax.lax.stop_gradient(pos))

def three_nn(unknown, known):
    d = pairwise_sqdist(unknown, known)
    negd, idx = jax.lax.top_k(-d, 3)
    return jax.lax.stop_gradient(-negd), jax.lax.stop_gradient(idx)

def three_interpolate(feats, idx, weight):
    g = batched_gather(feats, idx)
    return jnp.sum(g * weight[..., None], axis=2)

def geo_edge_conv(x, pos, w_self, w_edge, k, idx=None):
    if idx is None:
        idx = knn_idx(pos, k)
    term_self = x @ w_self.T
    nx = batched_gather(x, idx)
    npos = batched_gather(pos, idx)
    rel = pos[:, :, None, :] - npos
    dsq = jnp.sum(rel ** 2, axis=-1, keepdims=True)
    h = jnp.concatenate([nx, rel, dsq], axis=-1)
    edge = h @ w_edge.T
    return jax.nn.leaky_relu(term_self + jnp.mean(edge, axis=2), 0.2)

def setup_inputs(seed: int = 0):
    key = jax.random.key(seed)
    ks = jax.random.split(key, 20)
    def lin(k, out_d, in_d):
        return jax.random.normal(k, (out_d, in_d), dtype=jnp.float32) / np.sqrt(in_d)
    inp = {}
    inp['x'] = jax.random.normal(ks[0], (B, N, IN_CH), dtype=jnp.float32)
    inp['pos'] = jax.random.uniform(ks[1], (B, N, 3), dtype=jnp.float32)
    inp['w_self0'] = lin(ks[2], BASE, IN_CH)
    inp['w_edge0'] = lin(ks[3], BASE, IN_CH + 4)
    inp['w_self1'] = lin(ks[4], BASE * 2, BASE)
    inp['w_edge1'] = lin(ks[5], BASE * 2, BASE + 4)
    inp['w_self2'] = lin(ks[6], BASE * 4, BASE * 2)
    inp['w_edge2'] = lin(ks[7], BASE * 4, BASE * 2 + 4)
    inp['w_up1'] = lin(ks[8], BASE * 2, BASE * 6)
    inp['b_up1'] = jnp.zeros((BASE * 2,), dtype=jnp.float32)
    inp['w_self_u1'] = lin(ks[9], BASE * 2, BASE * 2)
    inp['w_edge_u1'] = lin(ks[10], BASE * 2, BASE * 2 + 4)
    inp['w_up0'] = lin(ks[11], BASE, BASE * 3)
    inp['b_up0'] = jnp.zeros((BASE,), dtype=jnp.float32)
    inp['w_self_u0'] = lin(ks[12], BASE, BASE)
    inp['w_edge_u0'] = lin(ks[13], BASE, BASE + 4)
    inp['w_out'] = lin(ks[14], 128, BASE)
    inp['b_out'] = jnp.zeros((128,), dtype=jnp.float32)
    return inp

def reference(x, pos, w_self0, w_edge0, w_self1, w_edge1, w_self2, w_edge2, w_up1, b_up1, w_self_u1, w_edge_u1, w_up0, b_up0, w_self_u0, w_edge_u0, w_out, b_out):
    feat0 = geo_edge_conv(x, pos, w_self0, w_edge0, K)
    pos0 = pos
    n1 = pos0.shape[1] // 2
    idx1 = fps(pos0, n1)
    pos1 = batched_gather(pos0, idx1)
    feat0_g = batched_gather(feat0, idx1)
    feat1 = geo_edge_conv(feat0_g, pos1, w_self1, w_edge1, K)
    n2 = pos1.shape[1] // 2
    idx2 = fps(pos1, n2)
    pos2 = batched_gather(pos1, idx2)
    feat1_g = batched_gather(feat1, idx2)
    feat2 = geo_edge_conv(feat1_g, pos2, w_self2, w_edge2, K)
    dist, idx = three_nn(pos1, pos2)
    dr = 1.0 / (dist + 1e-08)
    w = dr / jnp.sum(dr, axis=2, keepdims=True)
    interp2 = three_interpolate(feat2, idx, w)
    f = jnp.concatenate([interp2, feat1], axis=-1)
    f = jax.nn.leaky_relu(f @ w_up1.T + b_up1, 0.2)
    f = geo_edge_conv(f, pos1, w_self_u1, w_edge_u1, K)
    dist, idx = three_nn(pos0, pos1)
    dr = 1.0 / (dist + 1e-08)
    w = dr / jnp.sum(dr, axis=2, keepdims=True)
    interp1 = three_interpolate(f, idx, w)
    f = jnp.concatenate([interp1, feat0], axis=-1)
    f = jax.nn.leaky_relu(f @ w_up0.T + b_up0, 0.2)
    f = geo_edge_conv(f, pos0, w_self_u0, w_edge_u0, K)
    return f @ w_out.T + b_out

if __name__ == "__main__":
    import jax
    _d = setup_inputs()
    print(jax.jit(kernel)(*tuple(_d.values())))

</pallas_src>

<mosaic_0001>
module attributes {stable_mosaic.version = 14 : i64} {
  func.func @_fps_body(%arg0: memref<2x3x8x512xf32, #tpu.memory_space<vmem>>, %arg1: memref<2x8x256xi32, #tpu.memory_space<vmem>>, %arg2: memref<2x3x8x256xf32, #tpu.memory_space<vmem>>, %arg3: memref<2x8x128xi32, #tpu.memory_space<vmem>>, %arg4: memref<2x3x8x128xf32, #tpu.memory_space<vmem>>) attributes {dimension_semantics = [], scalar_prefetch = 0 : i64, scratch_operands = 0 : i64, tpu.core_type = #tpu.core_type<tc>} {
    %get3A = arith.constant 0 : index
    %get3A_0 = arith.constant 0 : index
    %get3A_1 = arith.constant 0 : index
    %get3A_2 = arith.constant 0 : index
    %get3A_3 = vector.load %arg0[%get3A, %get3A_0, %get3A_1, %get3A_2] : memref<2x3x8x512xf32, #tpu.memory_space<vmem>>, vector<2x1x8x512xf32>
    %get3A_4 = vector.shape_cast %get3A_3 : vector<2x1x8x512xf32> to vector<2x8x512xf32>
    %get3A_5 = arith.constant 0 : index
    %get3A_6 = arith.constant 1 : index
    %get3A_7 = arith.constant 0 : index
    %get3A_8 = arith.constant 0 : index
    %get3A_9 = vector.load %arg0[%get3A_5, %get3A_6, %get3A_7, %get3A_8] : memref<2x3x8x512xf32, #tpu.memory_space<vmem>>, vector<2x1x8x512xf32>
    %get3A_10 = vector.shape_cast %get3A_9 : vector<2x1x8x512xf32> to vector<2x8x512xf32>
    %get3A_11 = arith.constant 0 : index
    %get3A_12 = arith.constant 2 : index
    %get3A_13 = arith.constant 0 : index
    %get3A_14 = arith.constant 0 : index
    %get3A_15 = vector.load %arg0[%get3A_11, %get3A_12, %get3A_13, %get3A_14] : memref<2x3x8x512xf32, #tpu.memory_space<vmem>>, vector<2x1x8x512xf32>
    %get3A_16 = vector.shape_cast %get3A_15 : vector<2x1x8x512xf32> to vector<2x8x512xf32>
    %iota3A = tpu.iota {dimensions = array<i32: 1>} : vector<2x8x512xi32>
    %mul3A = arith.constant 512 : i32
    %mul3A_17 = vector.broadcast %mul3A : i32 to vector<2x8x512xi32>
    %mul3A_18 = arith.muli %iota3A, %mul3A_17 : vector<2x8x512xi32>
    %iota3A_19 = tpu.iota {dimensions = array<i32: 2>} : vector<2x8x512xi32>
    %add3A = arith.addi %mul3A_18, %iota3A_19 : vector<2x8x512xi32>
    %iota3A_20 = tpu.iota {dimensions = array<i32: 1>} : vector<2x8x256xi32>
    %mul3A_21 = arith.constant 256 : i32
    %mul3A_22 = vector.broadcast %mul3A_21 : i32 to vector<2x8x256xi32>
    %mul3A_23 = arith.muli %iota3A_20, %mul3A_22 : vector<2x8x256xi32>
    %iota3A_24 = tpu.iota {dimensions = array<i32: 2>} : vector<2x8x256xi32>
    %add3A_25 = arith.addi %mul3A_23, %iota3A_24 : vector<2x8x256xi32>
    %slice3A = vector.extract_strided_slice %get3A_4 {offsets = [0, 0, 0], sizes = [2, 1, 1], strides = [1, 1, 1]} : vector<2x8x512xf32> to vector<2x1x1xf32>
    %slice3A_26 = vector.extract_strided_slice %get3A_10 {offsets = [0, 0, 0], sizes = [2, 1, 1], strides = [1, 1, 1]} : vector<2x8x512xf32> to vector<2x1x1xf32>
    %slice3A_27 = vector.extract_strided_slice %get3A_16 {offsets = [0, 0, 0], sizes = [2, 1, 1], strides = [1, 1, 1]} : vector<2x8x512xf32> to vector<2x1x1xf32>
    %eq3A = arith.constant 0 : i32
    %eq3A_28 = vector.broadcast %eq3A : i32 to vector<2x8x256xi32>
    %eq3A_29 = arith.cmpi eq, %add3A_25, %eq3A_28 : vector<2x8x256xi32>
    %broadcast_in_dim3A = arith.constant 0 : i32
    %broadcast_in_dim3A_30 = vector.broadcast %broadcast_in_dim3A : i32 to vector<2x8x256xi32>
    %broadcast_in_dim3A_31 = arith.constant 0.000000e+00 : f32
    %broadcast_in_dim3A_32 = vector.broadcast %broadcast_in_dim3A_31 : f32 to vector<2x8x256xf32>
    %broadcast_in_dim3A_33 = vector.shape_cast %slice3A : vector<2x1x1xf32> to vector<2x1x1xf32>
    %broadcast_in_dim3A_34 = vector.broadcast %broadcast_in_dim3A_33 : vector<2x1x1xf32> to vector<2x8x256xf32>
    %select_n3A = arith.select %eq3A_29, %broadcast_in_dim3A_34, %broadcast_in_dim3A_32 : vector<2x8x256xi1>, vector<2x8x256xf32>
    %broadcast_in_dim3A_35 = arith.constant 0.000000e+00 : f32
    %broadcast_in_dim3A_36 = vector.broadcast %broadcast_in_dim3A_35 : f32 to vector<2x8x256xf32>
    %broadcast_in_dim3A_37 = vector.shape_cast %slice3A_26 : vector<2x1x1xf32> to vector<2x1x1xf32>
    %broadcast_in_dim3A_38 = vector.broadcast %broadcast_in_dim3A_37 : vector<2x1x1xf32> to vector<2x8x256xf32>
    %select_n3A_39 = arith.select %eq3A_29, %broadcast_in_dim3A_38, %broadcast_in_dim3A_36 : vector<2x8x256xi1>, vector<2x8x256xf32>
    %broadcast_in_dim3A_40 = arith.constant 0.000000e+00 : f32
    %broadcast_in_dim3A_41 = vector.broadcast %broadcast_in_dim3A_40 : f32 to vector<2x8x256xf32>
    %broadcast_in_dim3A_42 = vector.shape_cast %slice3A_27 : vector<2x1x1xf32> to vector<2x1x1xf32>
    %broadcast_in_dim3A_43 = vector.broadcast %broadcast_in_dim3A_42 : vector<2x1x1xf32> to vector<2x8x256xf32>
    %select_n3A_44 = arith.select %eq3A_29, %broadcast_in_dim3A_43, %broadcast_in_dim3A_41 : vector<2x8x256xi1>, vector<2x8x256xf32>
    %broadcast_in_dim3A_45 = arith.constant 1.000000e+10 : f32
    %broadcast_in_dim3A_46 = vector.broadcast %broadcast_in_dim3A_45 : f32 to vector<2x8x512xf32>
    %scan3A = arith.constant 1 : i32
    %scan3A_47 = arith.constant 2047 : i32
    %scan3A_48 = arith.addi %scan3A, %scan3A_47 : i32
    %scan3A_49 = arith.constant 1 : i32
    %scan3A_50:8 = scf.for %scan3A_144 = %scan3A to %scan3A_48 step %scan3A_49 iter_args(%scan3A_145 = %broadcast_in_dim3A_46, %scan3A_146 = %broadcast_in_dim3A_30, %scan3A_147 = %select_n3A, %scan3A_148 = %select_n3A_39, %scan3A_149 = %select_n3A_44, %scan3A_150 = %slice3A, %scan3A_151 = %slice3A_26, %scan3A_152 = %slice3A_27) -> (vector<2x8x512xf32>, vector<2x8x256xi32>, vector<2x8x256xf32>, vector<2x8x256xf32>, vector<2x8x256xf32>, vector<2x1x1xf32>, vector<2x1x1xf32>, vector<2x1x1xf32>)  : i32 {
      %sub3A = vector.broadcast %scan3A_150 : vector<2x1x1xf32> to vector<2x8x512xf32>
      %sub3A_153 = arith.subf %get3A_4, %sub3A : vector<2x8x512xf32>
      %sub3A_154 = vector.broadcast %scan3A_151 : vector<2x1x1xf32> to vector<2x8x512xf32>
      %sub3A_155 = arith.subf %get3A_10, %sub3A_154 : vector<2x8x512xf32>
      %sub3A_156 = vector.broadcast %scan3A_152 : vector<2x1x1xf32> to vector<2x8x512xf32>
      %sub3A_157 = arith.subf %get3A_16, %sub3A_156 : vector<2x8x512xf32>
      %mul3A_158 = arith.mulf %sub3A_153, %sub3A_153 : vector<2x8x512xf32>
      %mul3A_159 = arith.mulf %sub3A_155, %sub3A_155 : vector<2x8x512xf32>
      %add3A_160 = arith.addf %mul3A_158, %mul3A_159 : vector<2x8x512xf32>
      %mul3A_161 = arith.mulf %sub3A_157, %sub3A_157 : vector<2x8x512xf32>
      %add3A_162 = arith.addf %add3A_160, %mul3A_161 : vector<2x8x512xf32>
      %min3A = arith.minimumf %scan3A_145, %add3A_162 : vector<2x8x512xf32>
      %reduce_max3A = arith.constant dense<0xFF800000> : vector<2x8xf32>
      %reduce_max3A_163 = vector.multi_reduction <maximumf>, %min3A, %reduce_max3A [2] : vector<2x8x512xf32> to vector<2x8xf32>
      %broadcast_in_dim3A_164 = vector.shape_cast %reduce_max3A_163 : vector<2x8xf32> to vector<2x8x1xf32>
      %reduce_max3A_165 = arith.constant dense<0xFF800000> : vector<2x1xf32>
      %reduce_max3A_166 = vector.multi_reduction <maximumf>, %broadcast_in_dim3A_164, %reduce_max3A_165 [1] : vector<2x8x1xf32> to vector<2x1xf32>
      %broadcast_in_dim3A_167 = vector.shape_cast %reduce_max3A_166 : vector<2x1xf32> to vector<2x1x1xf32>
      %eq3A_168 = vector.broadcast %broadcast_in_dim3A_167 : vector<2x1x1xf32> to vector<2x8x512xf32>
      %eq3A_169 = arith.cmpf oeq, %min3A, %eq3A_168 : vector<2x8x512xf32>
      %jit3A = arith.constant 4096 : i32
      %broadcast_in_dim3A_170 = vector.broadcast %jit3A : i32 to vector<2x8x512xi32>
      %select_n3A_171 = arith.select %eq3A_169, %add3A, %broadcast_in_dim3A_170 : vector<2x8x512xi1>, vector<2x8x512xi32>
      %reduce_min3A = arith.constant dense<2147483647> : vector<2x8xi32>
      %reduce_min3A_172 = vector.multi_reduction <minsi>, %select_n3A_171, %reduce_min3A [2] : vector<2x8x512xi32> to vector<2x8xi32>
      %broadcast_in_dim3A_173 = vector.shape_cast %reduce_min3A_172 : vector<2x8xi32> to vector<2x8x1xi32>
      %reduce_min3A_174 = arith.constant dense<2147483647> : vector<2x1xi32>
      %reduce_min3A_175 = vector.multi_reduction <minsi>, %broadcast_in_dim3A_173, %reduce_min3A_174 [1] : vector<2x8x1xi32> to vector<2x1xi32>
      %broadcast_in_dim3A_176 = vector.shape_cast %reduce_min3A_175 : vector<2x1xi32> to vector<2x1x1xi32>
      %eq3A_177 = vector.broadcast %broadcast_in_dim3A_176 : vector<2x1x1xi32> to vector<2x8x512xi32>
      %eq3A_178 = arith.cmpi eq, %add3A, %eq3A_177 : vector<2x8x512xi32>
      %jit3A_179 = arith.constant 0.000000e+00 : f32
      %broadcast_in_dim3A_180 = vector.broadcast %jit3A_179 : f32 to vector<2x8x512xf32>
      %select_n3A_181 = arith.select %eq3A_178, %get3A_4, %broadcast_in_dim3A_180 : vector<2x8x512xi1>, vector<2x8x512xf32>
      %reduce_sum3A = arith.constant dense<0.000000e+00> : vector<2x8xf32>
      %reduce_sum3A_182 = vector.multi_reduction <add>, %select_n3A_181, %reduce_sum3A [2] : vector<2x8x512xf32> to vector<2x8xf32>
      %broadcast_in_dim3A_183 = vector.shape_cast %reduce_sum3A_182 : vector<2x8xf32> to vector<2x8x1xf32>
      %reduce_sum3A_184 = arith.constant dense<0.000000e+00> : vector<2x1xf32>
      %reduce_sum3A_185 = vector.multi_reduction <add>, %broadcast_in_dim3A_183, %reduce_sum3A_184 [1] : vector<2x8x1xf32> to vector<2x1xf32>
      %broadcast_in_dim3A_186 = vector.shape_cast %reduce_sum3A_185 : vector<2x1xf32> to vector<2x1x1xf32>
      %jit3A_187 = arith.constant 0.000000e+00 : f32
      %broadcast_in_dim3A_188 = vector.broadcast %jit3A_187 : f32 to vector<2x8x512xf32>
      %select_n3A_189 = arith.select %eq3A_178, %get3A_10, %broadcast_in_dim3A_188 : vector<2x8x512xi1>, vector<2x8x512xf32>
      %reduce_sum3A_190 = arith.constant dense<0.000000e+00> : vector<2x8xf32>
      %reduce_sum3A_191 = vector.multi_reduction <add>, %select_n3A_189, %reduce_sum3A_190 [2] : vector<2x8x512xf32> to vector<2x8xf32>
      %broadcast_in_dim3A_192 = vector.shape_cast %reduce_sum3A_191 : vector<2x8xf32> to vector<2x8x1xf32>
      %reduce_sum3A_193 = arith.constant dense<0.000000e+00> : vector<2x1xf32>
      %reduce_sum3A_194 = vector.multi_reduction <add>, %broadcast_in_dim3A_192, %reduce_sum3A_193 [1] : vector<2x8x1xf32> to vector<2x1xf32>
      %broadcast_in_dim3A_195 = vector.shape_cast %reduce_sum3A_194 : vector<2x1xf32> to vector<2x1x1xf32>
      %jit3A_196 = arith.constant 0.000000e+00 : f32
      %broadcast_in_dim3A_197 = vector.broadcast %jit3A_196 : f32 to vector<2x8x512xf32>
      %select_n3A_198 = arith.select %eq3A_178, %get3A_16, %broadcast_in_dim3A_197 : vector<2x8x512xi1>, vector<2x8x512xf32>
      %reduce_sum3A_199 = arith.constant dense<0.000000e+00> : vector<2x8xf32>
      %reduce_sum3A_200 = vector.multi_reduction <add>, %select_n3A_198, %reduce_sum3A_199 [2] : vector<2x8x512xf32> to vector<2x8xf32>
      %broadcast_in_dim3A_201 = vector.shape_cast %reduce_sum3A_200 : vector<2x8xf32> to vector<2x8x1xf32>
      %reduce_sum3A_202 = arith.constant dense<0.000000e+00> : vector<2x1xf32>
      %reduce_sum3A_203 = vector.multi_reduction <add>, %broadcast_in_dim3A_201, %reduce_sum3A_202 [1] : vector<2x8x1xf32> to vector<2x1xf32>
      %broadcast_in_dim3A_204 = vector.shape_cast %reduce_sum3A_203 : vector<2x1xf32> to vector<2x1x1xf32>
      %eq3A_205 = vector.broadcast %scan3A_144 : i32 to vector<2x8x256xi32>
      %eq3A_206 = arith.cmpi eq, %add3A_25, %eq3A_205 : vector<2x8x256xi32>
      %broadcast_in_dim3A_207 = vector.shape_cast %broadcast_in_dim3A_176 : vector<2x1x1xi32> to vector<2x1x1xi32>
      %broadcast_in_dim3A_208 = vector.broadcast %broadcast_in_dim3A_207 : vector<2x1x1xi32> to vector<2x8x256xi32>
      %select_n3A_209 = arith.select %eq3A_206, %broadcast_in_dim3A_208, %scan3A_146 : vector<2x8x256xi1>, vector<2x8x256xi32>
      %broadcast_in_dim3A_210 = vector.shape_cast %broadcast_in_dim3A_186 : vector<2x1x1xf32> to vector<2x1x1xf32>
      %broadcast_in_dim3A_211 = vector.broadcast %broadcast_in_dim3A_210 : vector<2x1x1xf32> to vector<2x8x256xf32>
      %select_n3A_212 = arith.select %eq3A_206, %broadcast_in_dim3A_211, %scan3A_147 : vector<2x8x256xi1>, vector<2x8x256xf32>
      %broadcast_in_dim3A_213 = vector.shape_cast %broadcast_in_dim3A_195 : vector<2x1x1xf32> to vector<2x1x1xf32>
      %broadcast_in_dim3A_214 = vector.broadcast %broadcast_in_dim3A_213 : vector<2x1x1xf32> to vector<2x8x256xf32>
      %select_n3A_215 = arith.select %eq3A_206, %broadcast_in_dim3A_214, %scan3A_148 : vector<2x8x256xi1>, vector<2x8x256xf32>
      %broadcast_in_dim3A_216 = vector.shape_cast %broadcast_in_dim3A_204 : vector<2x1x1xf32> to vector<2x1x1xf32>
      %broadcast_in_dim3A_217 = vector.broadcast %broadcast_in_dim3A_216 : vector<2x1x1xf32> to vector<2x8x256xf32>
      %select_n3A_218 = arith.select %eq3A_206, %broadcast_in_dim3A_217, %scan3A_149 : vector<2x8x256xi1>, vector<2x8x256xf32>
      scf.yield %min3A, %select_n3A_209, %select_n3A_212, %select_n3A_215, %select_n3A_218, %broadcast_in_dim3A_186, %broadcast_in_dim3A_195, %broadcast_in_dim3A_204 : vector<2x8x512xf32>, vector<2x8x256xi32>, vector<2x8x256xf32>, vector<2x8x256xf32>, vector<2x8x256xf32>, vector<2x1x1xf32>, vector<2x1x1xf32>, vector<2x1x1xf32>
    }
    %scan3A_51 = arith.constant 2047 : i32
    %swap3A = arith.constant 0 : index
    %swap3A_52 = arith.constant 0 : index
    %swap3A_53 = arith.constant 0 : index
    %swap3A_54 = vector.load %arg1[%swap3A, %swap3A_52, %swap3A_53] : memref<2x8x256xi32, #tpu.memory_space<vmem>>, vector<2x8x256xi32>
    tpu.vector_store %arg1[%swap3A, %swap3A_52, %swap3A_53], %scan3A_50#1 {strides = array<i32>} : memref<2x8x256xi32, #tpu.memory_space<vmem>>, vector<2x8x256xi32>,
    %swap3A_55 = arith.constant 0 : index
    %swap3A_56 = arith.constant 0 : index
    %swap3A_57 = arith.constant 0 : index
    %swap3A_58 = arith.constant 0 : index
    %swap3A_59 = vector.load %arg2[%swap3A_55, %swap3A_56, %swap3A_57, %swap3A_58] : memref<2x3x8x256xf32, #tpu.memory_space<vmem>>, vector<2x1x8x256xf32>
    %swap3A_60 = vector.shape_cast %swap3A_59 : vector<2x1x8x256xf32> to vector<2x8x256xf32>
    %swap3A_61 = vector.shape_cast %scan3A_50#2 : vector<2x8x256xf32> to vector<2x1x8x256xf32>
    tpu.vector_store %arg2[%swap3A_55, %swap3A_56, %swap3A_57, %swap3A_58], %swap3A_61 {strides = array<i32>} : memref<2x3x8x256xf32, #tpu.memory_space<vmem>>, vector<2x1x8x256xf32>,
    %swap3A_62 = arith.constant 0 : index
    %swap3A_63 = arith.constant 1 : index
    %swap3A_64 = arith.constant 0 : index
    %swap3A_65 = arith.constant 0 : index
    %swap3A_66 = vector.load %arg2[%swap3A_62, %swap3A_63, %swap3A_64, %swap3A_65] : memref<2x3x8x256xf32, #tpu.memory_space<vmem>>, vector<2x1x8x256xf32>
    %swap3A_67 = vector.shape_cast %swap3A_66 : vector<2x1x8x256xf32> to vector<2x8x256xf32>
    %swap3A_68 = vector.shape_cast %scan3A_50#3 : vector<2x8x256xf32> to vector<2x1x8x256xf32>
    tpu.vector_store %arg2[%swap3A_62, %swap3A_63, %swap3A_64, %swap3A_65], %swap3A_68 {strides = array<i32>} : memref<2x3x8x256xf32, #tpu.memory_space<vmem>>, vector<2x1x8x256xf32>,
    %swap3A_69 = arith.constant 0 : index
    %swap3A_70 = arith.constant 2 : index
    %swap3A_71 = arith.constant 0 : index
    %swap3A_72 = arith.constant 0 : index
    %swap3A_73 = vector.load %arg2[%swap3A_69, %swap3A_70, %swap3A_71, %swap3A_72] : memref<2x3x8x256xf32, #tpu.memory_space<vmem>>, vector<2x1x8x256xf32>
    %swap3A_74 = vector.shape_cast %swap3A_73 : vector<2x1x8x256xf32> to vector<2x8x256xf32>
    %swap3A_75 = vector.shape_cast %scan3A_50#4 : vector<2x8x256xf32> to vector<2x1x8x256xf32>
    tpu.vector_store %arg2[%swap3A_69, %swap3A_70, %swap3A_71, %swap3A_72], %swap3A_75 {strides = array<i32>} : memref<2x3x8x256xf32, #tpu.memory_space<vmem>>, vector<2x1x8x256xf32>,
    %iota3A_76 = tpu.iota {dimensions = array<i32: 1>} : vector<2x8x256xi32>
    %mul3A_77 = arith.constant 256 : i32
    %mul3A_78 = vector.broadcast %mul3A_77 : i32 to vector<2x8x256xi32>
    %mul3A_79 = arith.muli %iota3A_76, %mul3A_78 : vector<2x8x256xi32>
    %iota3A_80 = tpu.iota {dimensions = array<i32: 2>} : vector<2x8x256xi32>
    %add3A_81 = arith.addi %mul3A_79, %iota3A_80 : vector<2x8x256xi32>
    %iota3A_82 = tpu.iota {dimensions = array<i32: 1>} : vector<2x8x128xi32>
    %mul3A_83 = arith.constant 128 : i32
    %mul3A_84 = vector.broadcast %mul3A_83 : i32 to vector<2x8x128xi32>
    %mul3A_85 = arith.muli %iota3A_82, %mul3A_84 : vector<2x8x128xi32>
    %iota3A_86 = tpu.iota {dimensions = array<i32: 2>} : vector<2x8x128xi32>
    %add3A_87 = arith.addi %mul3A_85, %iota3A_86 : vector<2x8x128xi32>
    %slice3A_88 = vector.extract_strided_slice %scan3A_50#2 {offsets = [0, 0, 0], sizes = [2, 1, 1], strides = [1, 1, 1]} : vector<2x8x256xf32> to vector<2x1x1xf32>
    %slice3A_89 = vector.extract_strided_slice %scan3A_50#3 {offsets = [0, 0, 0], sizes = [2, 1, 1], strides = [1, 1, 1]} : vector<2x8x256xf32> to vector<2x1x1xf32>
    %slice3A_90 = vector.extract_strided_slice %scan3A_50#4 {offsets = [0, 0, 0], sizes = [2, 1, 1], strides = [1, 1, 1]} : vector<2x8x256xf32> to vector<2x1x1xf32>
    %eq3A_91 = arith.constant 0 : i32
    %eq3A_92 = vector.broadcast %eq3A_91 : i32 to vector<2x8x128xi32>
    %eq3A_93 = arith.cmpi eq, %add3A_87, %eq3A_92 : vector<2x8x128xi32>
    %broadcast_in_dim3A_94 = arith.constant 0 : i32
    %broadcast_in_dim3A_95 = vector.broadcast %broadcast_in_dim3A_94 : i32 to vector<2x8x128xi32>
    %broadcast_in_dim3A_96 = arith.constant 0.000000e+00 : f32
    %broadcast_in_dim3A_97 = vector.broadcast %broadcast_in_dim3A_96 : f32 to vector<2x8x128xf32>
    %broadcast_in_dim3A_98 = vector.shape_cast %slice3A_88 : vector<2x1x1xf32> to vector<2x1x1xf32>
    %broadcast_in_dim3A_99 = vector.broadcast %broadcast_in_dim3A_98 : vector<2x1x1xf32> to vector<2x8x128xf32>
    %select_n3A_100 = arith.select %eq3A_93, %broadcast_in_dim3A_99, %broadcast_in_dim3A_97 : vector<2x8x128xi1>, vector<2x8x128xf32>
    %broadcast_in_dim3A_101 = arith.constant 0.000000e+00 : f32
    %broadcast_in_dim3A_102 = vector.broadcast %broadcast_in_dim3A_101 : f32 to vector<2x8x128xf32>
    %broadcast_in_dim3A_103 = vector.shape_cast %slice3A_89 : vector<2x1x1xf32> to vector<2x1x1xf32>
    %broadcast_in_dim3A_104 = vector.broadcast %broadcast_in_dim3A_103 : vector<2x1x1xf32> to vector<2x8x128xf32>
    %select_n3A_105 = arith.select %eq3A_93, %broadcast_in_dim3A_104, %broadcast_in_dim3A_102 : vector<2x8x128xi1>, vector<2x8x128xf32>
    %broadcast_in_dim3A_106 = arith.constant 0.000000e+00 : f32
    %broadcast_in_dim3A_107 = vector.broadcast %broadcast_in_dim3A_106 : f32 to vector<2x8x128xf32>
    %broadcast_in_dim3A_108 = vector.shape_cast %slice3A_90 : vector<2x1x1xf32> to vector<2x1x1xf32>
    %broadcast_in_dim3A_109 = vector.broadcast %broadcast_in_dim3A_108 : vector<2x1x1xf32> to vector<2x8x128xf32>
    %select_n3A_110 = arith.select %eq3A_93, %broadcast_in_dim3A_109, %broadcast_in_dim3A_107 : vector<2x8x128xi1>, vector<2x8x128xf32>
    %broadcast_in_dim3A_111 = arith.constant 1.000000e+10 : f32
    %broadcast_in_dim3A_112 = vector.broadcast %broadcast_in_dim3A_111 : f32 to vector<2x8x256xf32>
    %scan3A_113 = arith.constant 1 : i32
    %scan3A_114 = arith.constant 1023 : i32
    %scan3A_115 = arith.addi %scan3A_113, %scan3A_114 : i32
    %scan3A_116 = arith.constant 1 : i32
    %scan3A_117:8 = scf.for %scan3A_144 = %scan3A_113 to %scan3A_115 step %scan3A_116 iter_args(%scan3A_145 = %broadcast_in_dim3A_112, %scan3A_146 = %broadcast_in_dim3A_95, %scan3A_147 = %select_n3A_100, %scan3A_148 = %select_n3A_105, %scan3A_149 = %select_n3A_110, %scan3A_150 = %slice3A_88, %scan3A_151 = %slice3A_89, %scan3A_152 = %slice3A_90) -> (vector<2x8x256xf32>, vector<2x8x128xi32>, vector<2x8x128xf32>, vector<2x8x128xf32>, vector<2x8x128xf32>, vector<2x1x1xf32>, vector<2x1x1xf32>, vector<2x1x1xf32>)  : i32 {
      %sub3A = vector.broadcast %scan3A_150 : vector<2x1x1xf32> to vector<2x8x256xf32>
      %sub3A_153 = arith.subf %scan3A_50#2, %sub3A : vector<2x8x256xf32>
      %sub3A_154 = vector.broadcast %scan3A_151 : vector<2x1x1xf32> to vector<2x8x256xf32>
      %sub3A_155 = arith.subf %scan3A_50#3, %sub3A_154 : vector<2x8x256xf32>
      %sub3A_156 = vector.broadcast %scan3A_152 : vector<2x1x1xf32> to vector<2x8x256xf32>
      %sub3A_157 = arith.subf %scan3A_50#4, %sub3A_156 : vector<2x8x256xf32>
      %mul3A_158 = arith.mulf %sub3A_153, %sub3A_153 : vector<2x8x256xf32>
      %mul3A_159 = arith.mulf %sub3A_155, %sub3A_155 : vector<2x8x256xf32>
      %add3A_160 = arith.addf %mul3A_158, %mul3A_159 : vector<2x8x256xf32>
      %mul3A_161 = arith.mulf %sub3A_157, %sub3A_157 : vector<2x8x256xf32>
      %add3A_162 = arith.addf %add3A_160, %mul3A_161 : vector<2x8x256xf32>
      %min3A = arith.minimumf %scan3A_145, %add3A_162 : vector<2x8x256xf32>
      %reduce_max3A = arith.constant dense<0xFF800000> : vector<2x8xf32>
      %reduce_max3A_163 = vector.multi_reduction <maximumf>, %min3A, %reduce_max3A [2] : vector<2x8x256xf32> to vector<2x8xf32>
      %broadcast_in_dim3A_164 = vector.shape_cast %reduce_max3A_163 : vector<2x8xf32> to vector<2x8x1xf32>
      %reduce_max3A_165 = arith.constant dense<0xFF800000> : vector<2x1xf32>
      %reduce_max3A_166 = vector.multi_reduction <maximumf>, %broadcast_in_dim3A_164, %reduce_max3A_165 [1] : vector<2x8x1xf32> to vector<2x1xf32>
      %broadcast_in_dim3A_167 = vector.shape_cast %reduce_max3A_166 : vector<2x1xf32> to vector<2x1x1xf32>
      %eq3A_168 = vector.broadcast %broadcast_in_dim3A_167 : vector<2x1x1xf32> to vector<2x8x256xf32>
      %eq3A_169 = arith.cmpf oeq, %min3A, %eq3A_168 : vector<2x8x256xf32>
      %jit3A = arith.constant 2048 : i32
      %broadcast_in_dim3A_170 = vector.broadcast %jit3A : i32 to vector<2x8x256xi32>
      %select_n3A_171 = arith.select %eq3A_169, %add3A_81, %broadcast_in_dim3A_170 : vector<2x8x256xi1>, vector<2x8x256xi32>
      %reduce_min3A = arith.constant dense<2147483647> : vector<2x8xi32>
      %reduce_min3A_172 = vector.multi_reduction <minsi>, %select_n3A_171, %reduce_min3A [2] : vector<2x8x256xi32> to vector<2x8xi32>
      %broadcast_in_dim3A_173 = vector.shape_cast %reduce_min3A_172 : vector<2x8xi32> to vector<2x8x1xi32>
      %reduce_min3A_174 = arith.constant dense<2147483647> : vector<2x1xi32>
      %reduce_min3A_175 = vector.multi_reduction <minsi>, %broadcast_in_dim3A_173, %reduce_min3A_174 [1] : vector<2x8x1xi32> to vector<2x1xi32>
      %broadcast_in_dim3A_176 = vector.shape_cast %reduce_min3A_175 : vector<2x1xi32> to vector<2x1x1xi32>
      %eq3A_177 = vector.broadcast %broadcast_in_dim3A_176 : vector<2x1x1xi32> to vector<2x8x256xi32>
      %eq3A_178 = arith.cmpi eq, %add3A_81, %eq3A_177 : vector<2x8x256xi32>
      %jit3A_179 = arith.constant 0.000000e+00 : f32
      %broadcast_in_dim3A_180 = vector.broadcast %jit3A_179 : f32 to vector<2x8x256xf32>
      %select_n3A_181 = arith.select %eq3A_178, %scan3A_50#2, %broadcast_in_dim3A_180 : vector<2x8x256xi1>, vector<2x8x256xf32>
      %reduce_sum3A = arith.constant dense<0.000000e+00> : vector<2x8xf32>
      %reduce_sum3A_182 = vector.multi_reduction <add>, %select_n3A_181, %reduce_sum3A [2] : vector<2x8x256xf32> to vector<2x8xf32>
      %broadcast_in_dim3A_183 = vector.shape_cast %reduce_sum3A_182 : vector<2x8xf32> to vector<2x8x1xf32>
      %reduce_sum3A_184 = arith.constant dense<0.000000e+00> : vector<2x1xf32>
      %reduce_sum3A_185 = vector.multi_reduction <add>, %broadcast_in_dim3A_183, %reduce_sum3A_184 [1] : vector<2x8x1xf32> to vector<2x1xf32>
      %broadcast_in_dim3A_186 = vector.shape_cast %reduce_sum3A_185 : vector<2x1xf32> to vector<2x1x1xf32>
      %jit3A_187 = arith.constant 0.000000e+00 : f32
      %broadcast_in_dim3A_188 = vector.broadcast %jit3A_187 : f32 to vector<2x8x256xf32>
      %select_n3A_189 = arith.select %eq3A_178, %scan3A_50#3, %broadcast_in_dim3A_188 : vector<2x8x256xi1>, vector<2x8x256xf32>
      %reduce_sum3A_190 = arith.constant dense<0.000000e+00> : vector<2x8xf32>
      %reduce_sum3A_191 = vector.multi_reduction <add>, %select_n3A_189, %reduce_sum3A_190 [2] : vector<2x8x256xf32> to vector<2x8xf32>
      %broadcast_in_dim3A_192 = vector.shape_cast %reduce_sum3A_191 : vector<2x8xf32> to vector<2x8x1xf32>
      %reduce_sum3A_193 = arith.constant dense<0.000000e+00> : vector<2x1xf32>
      %reduce_sum3A_194 = vector.multi_reduction <add>, %broadcast_in_dim3A_192, %reduce_sum3A_193 [1] : vector<2x8x1xf32> to vector<2x1xf32>
      %broadcast_in_dim3A_195 = vector.shape_cast %reduce_sum3A_194 : vector<2x1xf32> to vector<2x1x1xf32>
      %jit3A_196 = arith.constant 0.000000e+00 : f32
      %broadcast_in_dim3A_197 = vector.broadcast %jit3A_196 : f32 to vector<2x8x256xf32>
      %select_n3A_198 = arith.select %eq3A_178, %scan3A_50#4, %broadcast_in_dim3A_197 : vector<2x8x256xi1>, vector<2x8x256xf32>
      %reduce_sum3A_199 = arith.constant dense<0.000000e+00> : vector<2x8xf32>
      %reduce_sum3A_200 = vector.multi_reduction <add>, %select_n3A_198, %reduce_sum3A_199 [2] : vector<2x8x256xf32> to vector<2x8xf32>
      %broadcast_in_dim3A_201 = vector.shape_cast %reduce_sum3A_200 : vector<2x8xf32> to vector<2x8x1xf32>
      %reduce_sum3A_202 = arith.constant dense<0.000000e+00> : vector<2x1xf32>
      %reduce_sum3A_203 = vector.multi_reduction <add>, %broadcast_in_dim3A_201, %reduce_sum3A_202 [1] : vector<2x8x1xf32> to vector<2x1xf32>
      %broadcast_in_dim3A_204 = vector.shape_cast %reduce_sum3A_203 : vector<2x1xf32> to vector<2x1x1xf32>
      %eq3A_205 = vector.broadcast %scan3A_144 : i32 to vector<2x8x128xi32>
      %eq3A_206 = arith.cmpi eq, %add3A_87, %eq3A_205 : vector<2x8x128xi32>
      %broadcast_in_dim3A_207 = vector.shape_cast %broadcast_in_dim3A_176 : vector<2x1x1xi32> to vector<2x1x1xi32>
      %broadcast_in_dim3A_208 = vector.broadcast %broadcast_in_dim3A_207 : vector<2x1x1xi32> to vector<2x8x128xi32>
      %select_n3A_209 = arith.select %eq3A_206, %broadcast_in_dim3A_208, %scan3A_146 : vector<2x8x128xi1>, vector<2x8x128xi32>
      %broadcast_in_dim3A_210 = vector.shape_cast %broadcast_in_dim3A_186 : vector<2x1x1xf32> to vector<2x1x1xf32>
      %broadcast_in_dim3A_211 = vector.broadcast %broadcast_in_dim3A_210 : vector<2x1x1xf32> to vector<2x8x128xf32>
      %select_n3A_212 = arith.select %eq3A_206, %broadcast_in_dim3A_211, %scan3A_147 : vector<2x8x128xi1>, vector<2x8x128xf32>
      %broadcast_in_dim3A_213 = vector.shape_cast %broadcast_in_dim3A_195 : vector<2x1x1xf32> to vector<2x1x1xf32>
      %broadcast_in_dim3A_214 = vector.broadcast %broadcast_in_dim3A_213 : vector<2x1x1xf32> to vector<2x8x128xf32>
      %select_n3A_215 = arith.select %eq3A_206, %broadcast_in_dim3A_214, %scan3A_148 : vector<2x8x128xi1>, vector<2x8x128xf32>
      %broadcast_in_dim3A_216 = vector.shape_cast %broadcast_in_dim3A_204 : vector<2x1x1xf32> to vector<2x1x1xf32>
      %broadcast_in_dim3A_217 = vector.broadcast %broadcast_in_dim3A_216 : vector<2x1x1xf32> to vector<2x8x128xf32>
      %select_n3A_218 = arith.select %eq3A_206, %broadcast_in_dim3A_217, %scan3A_149 : vector<2x8x128xi1>, vector<2x8x128xf32>
      scf.yield %min3A, %select_n3A_209, %select_n3A_212, %select_n3A_215, %select_n3A_218, %broadcast_in_dim3A_186, %broadcast_in_dim3A_195, %broadcast_in_dim3A_204 : vector<2x8x256xf32>, vector<2x8x128xi32>, vector<2x8x128xf32>, vector<2x8x128xf32>, vector<2x8x128xf32>, vector<2x1x1xf32>, vector<2x1x1xf32>, vector<2x1x1xf32>
    }
    %scan3A_118 = arith.constant 1023 : i32
    %swap3A_119 = arith.constant 0 : index
    %swap3A_120 = arith.constant 0 : index
    %swap3A_121 = arith.constant 0 : index
    %swap3A_122 = vector.load %arg3[%swap3A_119, %swap3A_120, %swap3A_121] : memref<2x8x128xi32, #tpu.memory_space<vmem>>, vector<2x8x128xi32>
    tpu.vector_store %arg3[%swap3A_119, %swap3A_120, %swap3A_121], %scan3A_117#1 {strides = array<i32>} : memref<2x8x128xi32, #tpu.memory_space<vmem>>, vector<2x8x128xi32>,
    %swap3A_123 = arith.constant 0 : index
    %swap3A_124 = arith.constant 0 : index
    %swap3A_125 = arith.constant 0 : index
    %swap3A_126 = arith.constant 0 : index
    %swap3A_127 = vector.load %arg4[%swap3A_123, %swap3A_124, %swap3A_125, %swap3A_126] : memref<2x3x8x128xf32, #tpu.memory_space<vmem>>, vector<2x1x8x128xf32>
    %swap3A_128 = vector.shape_cast %swap3A_127 : vector<2x1x8x128xf32> to vector<2x8x128xf32>
    %swap3A_129 = vector.shape_cast %scan3A_117#2 : vector<2x8x128xf32> to vector<2x1x8x128xf32>
    tpu.vector_store %arg4[%swap3A_123, %swap3A_124, %swap3A_125, %swap3A_126], %swap3A_129 {strides = array<i32>} : memref<2x3x8x128xf32, #tpu.memory_space<vmem>>, vector<2x1x8x128xf32>,
    %swap3A_130 = arith.constant 0 : index
    %swap3A_131 = arith.constant 1 : index
    %swap3A_132 = arith.constant 0 : index
    %swap3A_133 = arith.constant 0 : index
    %swap3A_134 = vector.load %arg4[%swap3A_130, %swap3A_131, %swap3A_132, %swap3A_133] : memref<2x3x8x128xf32, #tpu.memory_space<vmem>>, vector<2x1x8x128xf32>
    %swap3A_135 = vector.shape_cast %swap3A_134 : vector<2x1x8x128xf32> to vector<2x8x128xf32>
    %swap3A_136 = vector.shape_cast %scan3A_117#3 : vector<2x8x128xf32> to vector<2x1x8x128xf32>
    tpu.vector_store %arg4[%swap3A_130, %swap3A_131, %swap3A_132, %swap3A_133], %swap3A_136 {strides = array<i32>} : memref<2x3x8x128xf32, #tpu.memory_space<vmem>>, vector<2x1x8x128xf32>,
    %swap3A_137 = arith.constant 0 : index
    %swap3A_138 = arith.constant 2 : index
    %swap3A_139 = arith.constant 0 : index
    %swap3A_140 = arith.constant 0 : index
    %swap3A_141 = vector.load %arg4[%swap3A_137, %swap3A_138, %swap3A_139, %swap3A_140] : memref<2x3x8x128xf32, #tpu.memory_space<vmem>>, vector<2x1x8x128xf32>
    %swap3A_142 = vector.shape_cast %swap3A_141 : vector<2x1x8x128xf32> to vector<2x8x128xf32>
    %swap3A_143 = vector.shape_cast %scan3A_117#4 : vector<2x8x128xf32> to vector<2x1x8x128xf32>
    tpu.vector_store %arg4[%swap3A_137, %swap3A_138, %swap3A_139, %swap3A_140], %swap3A_143 {strides = array<i32>} : memref<2x3x8x128xf32, #tpu.memory_space<vmem>>, vector<2x1x8x128xf32>,
    return
  }
}

module attributes {stable_mosaic.version = 14 : i64} {
  func.func @_conv_body(%arg0: i32, %arg1: i32, %arg2: memref<1x256x8xf32, #tpu.memory_space<vmem>>, %arg3: memref<1x8x4096xf32, #tpu.memory_space<vmem>>, %arg4: memref<1x1x4096xf32, #tpu.memory_space<vmem>>, %arg5: memref<1x4096x8xf32, #tpu.memory_space<vmem>>, %arg6: memref<4x64xf32, #tpu.memory_space<vmem>>, %arg7: memref<8x64xf32, #tpu.memory_space<vmem>>, %arg8: memref<1x256x64xf32, #tpu.memory_space<vmem>>, %arg9: memref<1x256x4096xbf16, #tpu.memory_space<vmem>>) attributes {dimension_semantics = [#tpu.dimension_semantics<arbitrary>, #tpu.dimension_semantics<arbitrary>], iteration_bounds = array<i64: 2, 16>, scalar_prefetch = 0 : i64, scratch_operands = 0 : i64, tpu.core_type = #tpu.core_type<tc>, window_params = [{transform_indices = @transform_0, window_bounds = array<i64: 1, 256, 8>}, {transform_indices = @transform_1, window_bounds = array<i64: 1, 8, 4096>}, {transform_indices = @transform_2, window_bounds = array<i64: 1, 1, 4096>}, {transform_indices = @transform_3, window_bounds = array<i64: 1, 4096, 8>}, {pipeline_mode = #tpu.pipeline_mode<synchronous>, transform_indices = @transform_4, window_bounds = array<i64: 4, 64>}, {pipeline_mode = #tpu.pipeline_mode<synchronous>, transform_indices = @transform_5, window_bounds = array<i64: 8, 64>}, {transform_indices = @transform_6, window_bounds = array<i64: 1, 256, 64>}, {transform_indices = @transform_7, window_bounds = array<i64: 1, 256, 4096>}]} {
    %mul3A = arith.constant 256 : i32
    %mul3A_0 = arith.muli %arg1, %mul3A : i32
    %get3A = arith.constant 0 : index
    %get3A_1 = arith.index_cast %mul3A_0 : i32 to index
    %get3A_2 = arith.constant 0 : index
    %get3A_3 = vector.load %arg5[%get3A, %get3A_1, %get3A_2] : memref<1x4096x8xf32, #tpu.memory_space<vmem>>, vector<1x256x8xf32>
    %get3A_4 = vector.shape_cast %get3A_3 : vector<1x256x8xf32> to vector<256x8xf32>
    %slice3A = vector.extract_strided_slice %get3A_4 {offsets = [0, 0], sizes = [256, 4], strides = [1, 1]} : vector<256x8xf32> to vector<256x4xf32>
    %slice3A_5 = vector.extract_strided_slice %get3A_4 {offsets = [0, 4], sizes = [256, 3], strides = [1, 1]} : vector<256x8xf32> to vector<256x3xf32>
    %slice3A_6 = vector.extract_strided_slice %get3A_4 {offsets = [0, 7], sizes = [256, 1], strides = [1, 1]} : vector<256x8xf32> to vector<256x1xf32>
    %get3A_7 = arith.constant 0 : index
    %get3A_8 = arith.constant 0 : index
    %get3A_9 = arith.constant 0 : index
    %get3A_10 = vector.load %arg2[%get3A_7, %get3A_8, %get3A_9] : memref<1x256x8xf32, #tpu.memory_space<vmem>>, vector<1x256x8xf32>
    %get3A_11 = vector.shape_cast %get3A_10 : vector<1x256x8xf32> to vector<256x8xf32>
    %get3A_12 = arith.constant 0 : index
    %get3A_13 = arith.constant 0 : index
    %get3A_14 = arith.constant 0 : index
    %get3A_15 = vector.load %arg3[%get3A_12, %get3A_13, %get3A_14] : memref<1x8x4096xf32, #tpu.memory_space<vmem>>, vector<1x8x4096xf32>
    %get3A_16 = vector.shape_cast %get3A_15 : vector<1x8x4096xf32> to vector<8x4096xf32>
    %convert_element_type3A = arith.truncf %get3A_11 : vector<256x8xf32> to vector<256x8xbf16>
    %convert_element_type3A_17 = arith.extf %convert_element_type3A : vector<256x8xbf16> to vector<256x8xf32>
    %convert_element_type3A_18 = arith.truncf %get3A_16 : vector<8x4096xf32> to vector<8x4096xbf16>
    %convert_element_type3A_19 = arith.extf %convert_element_type3A_18 : vector<8x4096xbf16> to vector<8x4096xf32>
    %slice3A_20 = vector.extract_strided_slice %convert_element_type3A_17 {offsets = [0, 0], sizes = [256, 1], strides = [1, 1]} : vector<256x8xf32> to vector<256x1xf32>
    %slice3A_21 = vector.extract_strided_slice %convert_element_type3A_19 {offsets = [0, 0], sizes = [1, 4096], strides = [1, 1]} : vector<8x4096xf32> to vector<1x4096xf32>
    %mul3A_22 = vector.broadcast %slice3A_20 : vector<256x1xf32> to vector<256x4096xf32>
    %mul3A_23 = vector.broadcast %slice3A_21 : vector<1x4096xf32> to vector<256x4096xf32>
    %mul3A_24 = arith.mulf %mul3A_22, %mul3A_23 : vector<256x4096xf32>
    %slice3A_25 = vector.extract_strided_slice %convert_element_type3A_17 {offsets = [0, 1], sizes = [256, 1], strides = [1, 1]} : vector<256x8xf32> to vector<256x1xf32>
    %slice3A_26 = vector.extract_strided_slice %convert_element_type3A_19 {offsets = [1, 0], sizes = [1, 4096], strides = [1, 1]} : vector<8x4096xf32> to vector<1x4096xf32>
    %mul3A_27 = vector.broadcast %slice3A_25 : vector<256x1xf32> to vector<256x4096xf32>
    %mul3A_28 = vector.broadcast %slice3A_26 : vector<1x4096xf32> to vector<256x4096xf32>
    %mul3A_29 = arith.mulf %mul3A_27, %mul3A_28 : vector<256x4096xf32>
    %add3A = arith.addf %mul3A_24, %mul3A_29 : vector<256x4096xf32>
    %slice3A_30 = vector.extract_strided_slice %convert_element_type3A_17 {offsets = [0, 2], sizes = [256, 1], strides = [1, 1]} : vector<256x8xf32> to vector<256x1xf32>
    %slice3A_31 = vector.extract_strided_slice %convert_element_type3A_19 {offsets = [2, 0], sizes = [1, 4096], strides = [1, 1]} : vector<8x4096xf32> to vector<1x4096xf32>
    %mul3A_32 = vector.broadcast %slice3A_30 : vector<256x1xf32> to vector<256x4096xf32>
    %mul3A_33 = vector.broadcast %slice3A_31 : vector<1x4096xf32> to vector<256x4096xf32>
    %mul3A_34 = arith.mulf %mul3A_32, %mul3A_33 : vector<256x4096xf32>
    %add3A_35 = arith.addf %add3A, %mul3A_34 : vector<256x4096xf32>
    %get3A_36 = arith.constant 0 : index
    %get3A_37 = arith.constant 0 : index
    %get3A_38 = arith.constant 0 : index
    %get3A_39 = vector.load %arg4[%get3A_36, %get3A_37, %get3A_38] : memref<1x1x4096xf32, #tpu.memory_space<vmem>>, vector<1x1x4096xf32>
    %get3A_40 = vector.shape_cast %get3A_39 : vector<1x1x4096xf32> to vector<1x4096xf32>
    %add3A_41 = vector.broadcast %slice3A_6 : vector<256x1xf32> to vector<256x4096xf32>
    %add3A_42 = vector.broadcast %get3A_40 : vector<1x4096xf32> to vector<256x4096xf32>
    %add3A_43 = arith.addf %add3A_41, %add3A_42 : vector<256x4096xf32>
    %mul3A_44 = arith.constant 2.000000e+00 : f32
    %mul3A_45 = vector.broadcast %mul3A_44 : f32 to vector<256x4096xf32>
    %mul3A_46 = arith.mulf %mul3A_45, %add3A_35 : vector<256x4096xf32>
    %sub3A = arith.subf %add3A_43, %mul3A_46 : vector<256x4096xf32>
    %max3A = arith.constant 0.000000e+00 : f32
    %max3A_47 = vector.broadcast %max3A : f32 to vector<256x4096xf32>
    %max3A_48 = arith.maximumf %sub3A, %max3A_47 : vector<256x4096xf32>
    %iota3A = tpu.iota {dimensions = array<i32: 1>} : vector<256x4096xi32>
    %broadcast_in_dim3A = arith.constant 0.000000e+00 : f32
    %broadcast_in_dim3A_49 = vector.broadcast %broadcast_in_dim3A : f32 to vector<256x4096xf32>
    %reduce_min3A = arith.constant dense<0x7F800000> : vector<256xf32>
    %reduce_min3A_50 = vector.multi_reduction <minimumf>, %max3A_48, %reduce_min3A [1] : vector<256x4096xf32> to vector<256xf32>
    %broadcast_in_dim3A_51 = vector.shape_cast %reduce_min3A_50 : vector<256xf32> to vector<256x1xf32>
    %eq3A = vector.broadcast %broadcast_in_dim3A_51 : vector<256x1xf32> to vector<256x4096xf32>
    %eq3A_52 = arith.cmpf oeq, %max3A_48, %eq3A : vector<256x4096xf32>
    %jit3A = arith.constant 4096 : i32
    %broadcast_in_dim3A_53 = vector.broadcast %jit3A : i32 to vector<256x4096xi32>
    %select_n3A = arith.select %eq3A_52, %iota3A, %broadcast_in_dim3A_53 : vector<256x4096xi1>, vector<256x4096xi32>
    %reduce_min3A_54 = arith.constant dense<2147483647> : vector<256xi32>
    %reduce_min3A_55 = vector.multi_reduction <minsi>, %select_n3A, %reduce_min3A_54 [1] : vector<256x4096xi32> to vector<256xi32>
    %broadcast_in_dim3A_56 = vector.shape_cast %reduce_min3A_55 : vector<256xi32> to vector<256x1xi32>
    %eq3A_57 = vector.broadcast %broadcast_in_dim3A_56 : vector<256x1xi32> to vector<256x4096xi32>
    %eq3A_58 = arith.cmpi eq, %iota3A, %eq3A_57 : vector<256x4096xi32>
    %convert_element_type3A_59 = arith.extui %eq3A_58 : vector<256x4096xi1> to vector<256x4096xi32>
    %convert_element_type3A_60 = arith.sitofp %convert_element_type3A_59 : vector<256x4096xi32> to vector<256x4096xf32>
    %max3A_61 = arith.maximumf %broadcast_in_dim3A_49, %convert_element_type3A_60 : vector<256x4096xf32>
    %jit3A_62 = arith.constant 0x7F800000 : f32
    %broadcast_in_dim3A_63 = vector.broadcast %jit3A_62 : f32 to vector<256x4096xf32>
    %select_n3A_64 = arith.select %eq3A_58, %broadcast_in_dim3A_63, %max3A_48 : vector<256x4096xi1>, vector<256x4096xf32>
    %reduce_min3A_65 = arith.constant dense<0x7F800000> : vector<256xf32>
    %reduce_min3A_66 = vector.multi_reduction <minimumf>, %select_n3A_64, %reduce_min3A_65 [1] : vector<256x4096xf32> to vector<256xf32>
    %broadcast_in_dim3A_67 = vector.shape_cast %reduce_min3A_66 : vector<256xf32> to vector<256x1xf32>
    %eq3A_68 = vector.broadcast %broadcast_in_dim3A_67 : vector<256x1xf32> to vector<256x4096xf32>
    %eq3A_69 = arith.cmpf oeq, %select_n3A_64, %eq3A_68 : vector<256x4096xf32>
    %jit3A_70 = arith.constant 4096 : i32
    %broadcast_in_dim3A_71 = vector.broadcast %jit3A_70 : i32 to vector<256x4096xi32>
    %select_n3A_72 = arith.select %eq3A_69, %iota3A, %broadcast_in_dim3A_71 : vector<256x4096xi1>, vector<256x4096xi32>
    %reduce_min3A_73 = arith.constant dense<2147483647> : vector<256xi32>
    %reduce_min3A_74 = vector.multi_reduction <minsi>, %select_n3A_72, %reduce_min3A_73 [1] : vector<256x4096xi32> to vector<256xi32>
    %broadcast_in_dim3A_75 = vector.shape_cast %reduce_min3A_74 : vector<256xi32> to vector<256x1xi32>
    %eq3A_76 = vector.broadcast %broadcast_in_dim3A_75 : vector<256x1xi32> to vector<256x4096xi32>
    %eq3A_77 = arith.cmpi eq, %iota3A, %eq3A_76 : vector<256x4096xi32>
    %convert_element_type3A_78 = arith.extui %eq3A_77 : vector<256x4096xi1> to vector<256x4096xi32>
    %convert_element_type3A_79 = arith.sitofp %convert_element_type3A_78 : vector<256x4096xi32> to vector<256x4096xf32>
    %max3A_80 = arith.maximumf %max3A_61, %convert_element_type3A_79 : vector<256x4096xf32>
    %jit3A_81 = arith.constant 0x7F800000 : f32
    %broadcast_in_dim3A_82 = vector.broadcast %jit3A_81 : f32 to vector<256x4096xf32>
    %select_n3A_83 = arith.select %eq3A_77, %broadcast_in_dim3A_82, %select_n3A_64 : vector<256x4096xi1>, vector<256x4096xf32>
    %reduce_min3A_84 = arith.constant dense<0x7F800000> : vector<256xf32>
    %reduce_min3A_85 = vector.multi_reduction <minimumf>, %select_n3A_83, %reduce_min3A_84 [1] : vector<256x4096xf32> to vector<256xf32>
    %broadcast_in_dim3A_86 = vector.shape_cast %reduce_min3A_85 : vector<256xf32> to vector<256x1xf32>
    %eq3A_87 = vector.broadcast %broadcast_in_dim3A_86 : vector<256x1xf32> to vector<256x4096xf32>
    %eq3A_88 = arith.cmpf oeq, %select_n3A_83, %eq3A_87 : vector<256x4096xf32>
    %jit3A_89 = arith.constant 4096 : i32
    %broadcast_in_dim3A_90 = vector.broadcast %jit3A_89 : i32 to vector<256x4096xi32>
    %select_n3A_91 = arith.select %eq3A_88, %iota3A, %broadcast_in_dim3A_90 : vector<256x4096xi1>, vector<256x4096xi32>
    %reduce_min3A_92 = arith.constant dense<2147483647> : vector<256xi32>
    %reduce_min3A_93 = vector.multi_reduction <minsi>, %select_n3A_91, %reduce_min3A_92 [1] : vector<256x4096xi32> to vector<256xi32>
    %broadcast_in_dim3A_94 = vector.shape_cast %reduce_min3A_93 : vector<256xi32> to vector<256x1xi32>
    %eq3A_95 = vector.broadcast %broadcast_in_dim3A_94 : vector<256x1xi32> to vector<256x4096xi32>
    %eq3A_96 = arith.cmpi eq, %iota3A, %eq3A_95 : vector<256x4096xi32>
    %convert_element_type3A_97 = arith.extui %eq3A_96 : vector<256x4096xi1> to vector<256x4096xi32>
    %convert_element_type3A_98 = arith.sitofp %convert_element_type3A_97 : vector<256x4096xi32> to vector<256x4096xf32>
    %max3A_99 = arith.maximumf %max3A_80, %convert_element_type3A_98 : vector<256x4096xf32>
    %jit3A_100 = arith.constant 0x7F800000 : f32
    %broadcast_in_dim3A_101 = vector.broadcast %jit3A_100 : f32 to vector<256x4096xf32>
    %select_n3A_102 = arith.select %eq3A_96, %broadcast_in_dim3A_101, %select_n3A_83 : vector<256x4096xi1>, vector<256x4096xf32>
    %reduce_min3A_103 = arith.constant dense<0x7F800000> : vector<256xf32>
    %reduce_min3A_104 = vector.multi_reduction <minimumf>, %select_n3A_102, %reduce_min3A_103 [1] : vector<256x4096xf32> to vector<256xf32>
    %broadcast_in_dim3A_105 = vector.shape_cast %reduce_min3A_104 : vector<256xf32> to vector<256x1xf32>
    %eq3A_106 = vector.broadcast %broadcast_in_dim3A_105 : vector<256x1xf32> to vector<256x4096xf32>
    %eq3A_107 = arith.cmpf oeq, %select_n3A_102, %eq3A_106 : vector<256x4096xf32>
    %jit3A_108 = arith.constant 4096 : i32
    %broadcast_in_dim3A_109 = vector.broadcast %jit3A_108 : i32 to vector<256x4096xi32>
    %select_n3A_110 = arith.select %eq3A_107, %iota3A, %broadcast_in_dim3A_109 : vector<256x4096xi1>, vector<256x4096xi32>
    %reduce_min3A_111 = arith.constant dense<2147483647> : vector<256xi32>
    %reduce_min3A_112 = vector.multi_reduction <minsi>, %select_n3A_110, %reduce_min3A_111 [1] : vector<256x4096xi32> to vector<256xi32>
    %broadcast_in_dim3A_113 = vector.shape_cast %reduce_min3A_112 : vector<256xi32> to vector<256x1xi32>
    %eq3A_114 = vector.broadcast %broadcast_in_dim3A_113 : vector<256x1xi32> to vector<256x4096xi32>
    %eq3A_115 = arith.cmpi eq, %iota3A, %eq3A_114 : vector<256x4096xi32>
    %convert_element_type3A_116 = arith.extui %eq3A_115 : vector<256x4096xi1> to vector<256x4096xi32>
    %convert_element_type3A_117 = arith.sitofp %convert_element_type3A_116 : vector<256x4096xi32> to vector<256x4096xf32>
    %max3A_118 = arith.maximumf %max3A_99, %convert_element_type3A_117 : vector<256x4096xf32>
    %jit3A_119 = arith.constant 0x7F800000 : f32
    %broadcast_in_dim3A_120 = vector.broadcast %jit3A_119 : f32 to vector<256x4096xf32>
    %select_n3A_121 = arith.select %eq3A_115, %broadcast_in_dim3A_120, %select_n3A_102 : vector<256x4096xi1>, vector<256x4096xf32>
    %reduce_min3A_122 = arith.constant dense<0x7F800000> : vector<256xf32>
    %reduce_min3A_123 = vector.multi_reduction <minimumf>, %select_n3A_121, %reduce_min3A_122 [1] : vector<256x4096xf32> to vector<256xf32>
    %broadcast_in_dim3A_124 = vector.shape_cast %reduce_min3A_123 : vector<256xf32> to vector<256x1xf32>
    %eq3A_125 = vector.broadcast %broadcast_in_dim3A_124 : vector<256x1xf32> to vector<256x4096xf32>
    %eq3A_126 = arith.cmpf oeq, %select_n3A_121, %eq3A_125 : vector<256x4096xf32>
    %jit3A_127 = arith.constant 4096 : i32
    %broadcast_in_dim3A_128 = vector.broadcast %jit3A_127 : i32 to vector<256x4096xi32>
    %select_n3A_129 = arith.select %eq3A_126, %iota3A, %broadcast_in_dim3A_128 : vector<256x4096xi1>, vector<256x4096xi32>
    %reduce_min3A_130 = arith.constant dense<2147483647> : vector<256xi32>
    %reduce_min3A_131 = vector.multi_reduction <minsi>, %select_n3A_129, %reduce_min3A_130 [1] : vector<256x4096xi32> to vector<256xi32>
    %broadcast_in_dim3A_132 = vector.shape_cast %reduce_min3A_131 : vector<256xi32> to vector<256x1xi32>
    %eq3A_133 = vector.broadcast %broadcast_in_dim3A_132 : vector<256x1xi32> to vector<256x4096xi32>
    %eq3A_134 = arith.cmpi eq, %iota3A, %eq3A_133 : vector<256x4096xi32>
    %convert_element_type3A_135 = arith.extui %eq3A_134 : vector<256x4096xi1> to vector<256x4096xi32>
    %convert_element_type3A_136 = arith.sitofp %convert_element_type3A_135 : vector<256x4096xi32> to vector<256x4096xf32>
    %max3A_137 = arith.maximumf %max3A_118, %convert_element_type3A_136 : vector<256x4096xf32>
    %jit3A_138 = arith.constant 0x7F800000 : f32
    %broadcast_in_dim3A_139 = vector.broadcast %jit3A_138 : f32 to vector<256x4096xf32>
    %select_n3A_140 = arith.select %eq3A_134, %broadcast_in_dim3A_139, %select_n3A_121 : vector<256x4096xi1>, vector<256x4096xf32>
    %reduce_min3A_141 = arith.constant dense<0x7F800000> : vector<256xf32>
    %reduce_min3A_142 = vector.multi_reduction <minimumf>, %select_n3A_140, %reduce_min3A_141 [1] : vector<256x4096xf32> to vector<256xf32>
    %broadcast_in_dim3A_143 = vector.shape_cast %reduce_min3A_142 : vector<256xf32> to vector<256x1xf32>
    %eq3A_144 = vector.broadcast %broadcast_in_dim3A_143 : vector<256x1xf32> to vector<256x4096xf32>
    %eq3A_145 = arith.cmpf oeq, %select_n3A_140, %eq3A_144 : vector<256x4096xf32>
    %jit3A_146 = arith.constant 4096 : i32
    %broadcast_in_dim3A_147 = vector.broadcast %jit3A_146 : i32 to vector<256x4096xi32>
    %select_n3A_148 = arith.select %eq3A_145, %iota3A, %broadcast_in_dim3A_147 : vector<256x4096xi1>, vector<256x4096xi32>
    %reduce_min3A_149 = arith.constant dense<2147483647> : vector<256xi32>
    %reduce_min3A_150 = vector.multi_reduction <minsi>, %select_n3A_148, %reduce_min3A_149 [1] : vector<256x4096xi32> to vector<256xi32>
    %broadcast_in_dim3A_151 = vector.shape_cast %reduce_min3A_150 : vector<256xi32> to vector<256x1xi32>
    %eq3A_152 = vector.broadcast %broadcast_in_dim3A_151 : vector<256x1xi32> to vector<256x4096xi32>
    %eq3A_153 = arith.cmpi eq, %iota3A, %eq3A_152 : vector<256x4096xi32>
    %convert_element_type3A_154 = arith.extui %eq3A_153 : vector<256x4096xi1> to vector<256x4096xi32>
    %convert_element_type3A_155 = arith.sitofp %convert_element_type3A_154 : vector<256x4096xi32> to vector<256x4096xf32>
    %max3A_156 = arith.maximumf %max3A_137, %convert_element_type3A_155 : vector<256x4096xf32>
    %jit3A_157 = arith.constant 0x7F800000 : f32
    %broadcast_in_dim3A_158 = vector.broadcast %jit3A_157 : f32 to vector<256x4096xf32>
    %select_n3A_159 = arith.select %eq3A_153, %broadcast_in_dim3A_158, %select_n3A_140 : vector<256x4096xi1>, vector<256x4096xf32>
    %reduce_min3A_160 = arith.constant dense<0x7F800000> : vector<256xf32>
    %reduce_min3A_161 = vector.multi_reduction <minimumf>, %select_n3A_159, %reduce_min3A_160 [1] : vector<256x4096xf32> to vector<256xf32>
    %broadcast_in_dim3A_162 = vector.shape_cast %reduce_min3A_161 : vector<256xf32> to vector<256x1xf32>
    %eq3A_163 = vector.broadcast %broadcast_in_dim3A_162 : vector<256x1xf32> to vector<256x4096xf32>
    %eq3A_164 = arith.cmpf oeq, %select_n3A_159, %eq3A_163 : vector<256x4096xf32>
    %jit3A_165 = arith.constant 4096 : i32
    %broadcast_in_dim3A_166 = vector.broadcast %jit3A_165 : i32 to vector<256x4096xi32>
    %select_n3A_167 = arith.select %eq3A_164, %iota3A, %broadcast_in_dim3A_166 : vector<256x4096xi1>, vector<256x4096xi32>
    %reduce_min3A_168 = arith.constant dense<2147483647> : vector<256xi32>
    %reduce_min3A_169 = vector.multi_reduction <minsi>, %select_n3A_167, %reduce_min3A_168 [1] : vector<256x4096xi32> to vector<256xi32>
    %broadcast_in_dim3A_170 = vector.shape_cast %reduce_min3A_169 : vector<256xi32> to vector<256x1xi32>
    %eq3A_171 = vector.broadcast %broadcast_in_dim3A_170 : vector<256x1xi32> to vector<256x4096xi32>
    %eq3A_172 = arith.cmpi eq, %iota3A, %eq3A_171 : vector<256x4096xi32>
    %convert_element_type3A_173 = arith.extui %eq3A_172 : vector<256x4096xi1> to vector<256x4096xi32>
    %convert_element_type3A_174 = arith.sitofp %convert_element_type3A_173 : vector<256x4096xi32> to vector<256x4096xf32>
    %max3A_175 = arith.maximumf %max3A_156, %convert_element_type3A_174 : vector<256x4096xf32>
    %jit3A_176 = arith.constant 0x7F800000 : f32
    %broadcast_in_dim3A_177 = vector.broadcast %jit3A_176 : f32 to vector<256x4096xf32>
    %select_n3A_178 = arith.select %eq3A_172, %broadcast_in_dim3A_177, %select_n3A_159 : vector<256x4096xi1>, vector<256x4096xf32>
    %reduce_min3A_179 = arith.constant dense<0x7F800000> : vector<256xf32>
    %reduce_min3A_180 = vector.multi_reduction <minimumf>, %select_n3A_178, %reduce_min3A_179 [1] : vector<256x4096xf32> to vector<256xf32>
    %broadcast_in_dim3A_181 = vector.shape_cast %reduce_min3A_180 : vector<256xf32> to vector<256x1xf32>
    %eq3A_182 = vector.broadcast %broadcast_in_dim3A_181 : vector<256x1xf32> to vector<256x4096xf32>
    %eq3A_183 = arith.cmpf oeq, %select_n3A_178, %eq3A_182 : vector<256x4096xf32>
    %jit3A_184 = arith.constant 4096 : i32
    %broadcast_in_dim3A_185 = vector.broadcast %jit3A_184 : i32 to vector<256x4096xi32>
    %select_n3A_186 = arith.select %eq3A_183, %iota3A, %broadcast_in_dim3A_185 : vector<256x4096xi1>, vector<256x4096xi32>
    %reduce_min3A_187 = arith.constant dense<2147483647> : vector<256xi32>
    %reduce_min3A_188 = vector.multi_reduction <minsi>, %select_n3A_186, %reduce_min3A_187 [1] : vector<256x4096xi32> to vector<256xi32>
    %broadcast_in_dim3A_189 = vector.shape_cast %reduce_min3A_188 : vector<256xi32> to vector<256x1xi32>
    %eq3A_190 = vector.broadcast %broadcast_in_dim3A_189 : vector<256x1xi32> to vector<256x4096xi32>
    %eq3A_191 = arith.cmpi eq, %iota3A, %eq3A_190 : vector<256x4096xi32>
    %convert_element_type3A_192 = arith.extui %eq3A_191 : vector<256x4096xi1> to vector<256x4096xi32>
    %convert_element_type3A_193 = arith.sitofp %convert_element_type3A_192 : vector<256x4096xi32> to vector<256x4096xf32>
    %max3A_194 = arith.maximumf %max3A_175, %convert_element_type3A_193 : vector<256x4096xf32>
    %jit3A_195 = arith.constant 0x7F800000 : f32
    %broadcast_in_dim3A_196 = vector.broadcast %jit3A_195 : f32 to vector<256x4096xf32>
    %select_n3A_197 = arith.select %eq3A_191, %broadcast_in_dim3A_196, %select_n3A_178 : vector<256x4096xi1>, vector<256x4096xf32>
    %reduce_min3A_198 = arith.constant dense<0x7F800000> : vector<256xf32>
    %reduce_min3A_199 = vector.multi_reduction <minimumf>, %select_n3A_197, %reduce_min3A_198 [1] : vector<256x4096xf32> to vector<256xf32>
    %broadcast_in_dim3A_200 = vector.shape_cast %reduce_min3A_199 : vector<256xf32> to vector<256x1xf32>
    %eq3A_201 = vector.broadcast %broadcast_in_dim3A_200 : vector<256x1xf32> to vector<256x4096xf32>
    %eq3A_202 = arith.cmpf oeq, %select_n3A_197, %eq3A_201 : vector<256x4096xf32>
    %jit3A_203 = arith.constant 4096 : i32
    %broadcast_in_dim3A_204 = vector.broadcast %jit3A_203 : i32 to vector<256x4096xi32>
    %select_n3A_205 = arith.select %eq3A_202, %iota3A, %broadcast_in_dim3A_204 : vector<256x4096xi1>, vector<256x4096xi32>
    %reduce_min3A_206 = arith.constant dense<2147483647> : vector<256xi32>
    %reduce_min3A_207 = vector.multi_reduction <minsi>, %select_n3A_205, %reduce_min3A_206 [1] : vector<256x4096xi32> to vector<256xi32>
    %broadcast_in_dim3A_208 = vector.shape_cast %reduce_min3A_207 : vector<256xi32> to vector<256x1xi32>
    %eq3A_209 = vector.broadcast %broadcast_in_dim3A_208 : vector<256x1xi32> to vector<256x4096xi32>
    %eq3A_210 = arith.cmpi eq, %iota3A, %eq3A_209 : vector<256x4096xi32>
    %convert_element_type3A_211 = arith.extui %eq3A_210 : vector<256x4096xi1> to vector<256x4096xi32>
    %convert_element_type3A_212 = arith.sitofp %convert_element_type3A_211 : vector<256x4096xi32> to vector<256x4096xf32>
    %max3A_213 = arith.maximumf %max3A_194, %convert_element_type3A_212 : vector<256x4096xf32>
    %jit3A_214 = arith.constant 0x7F800000 : f32
    %broadcast_in_dim3A_215 = vector.broadcast %jit3A_214 : f32 to vector<256x4096xf32>
    %select_n3A_216 = arith.select %eq3A_210, %broadcast_in_dim3A_215, %select_n3A_197 : vector<256x4096xi1>, vector<256x4096xf32>
    %reduce_min3A_217 = arith.constant dense<0x7F800000> : vector<256xf32>
    %reduce_min3A_218 = vector.multi_reduction <minimumf>, %select_n3A_216, %reduce_min3A_217 [1] : vector<256x4096xf32> to vector<256xf32>
    %broadcast_in_dim3A_219 = vector.shape_cast %reduce_min3A_218 : vector<256xf32> to vector<256x1xf32>
    %eq3A_220 = vector.broadcast %broadcast_in_dim3A_219 : vector<256x1xf32> to vector<256x4096xf32>
    %eq3A_221 = arith.cmpf oeq, %select_n3A_216, %eq3A_220 : vector<256x4096xf32>
    %jit3A_222 = arith.constant 4096 : i32
    %broadcast_in_dim3A_223 = vector.broadcast %jit3A_222 : i32 to vector<256x4096xi32>
    %select_n3A_224 = arith.select %eq3A_221, %iota3A, %broadcast_in_dim3A_223 : vector<256x4096xi1>, vector<256x4096xi32>
    %reduce_min3A_225 = arith.constant dense<2147483647> : vector<256xi32>
    %reduce_min3A_226 = vector.multi_reduction <minsi>, %select_n3A_224, %reduce_min3A_225 [1] : vector<256x4096xi32> to vector<256xi32>
    %broadcast_in_dim3A_227 = vector.shape_cast %reduce_min3A_226 : vector<256xi32> to vector<256x1xi32>
    %eq3A_228 = vector.broadcast %broadcast_in_dim3A_227 : vector<256x1xi32> to vector<256x4096xi32>
    %eq3A_229 = arith.cmpi eq, %iota3A, %eq3A_228 : vector<256x4096xi32>
    %convert_element_type3A_230 = arith.extui %eq3A_229 : vector<256x4096xi1> to vector<256x4096xi32>
    %convert_element_type3A_231 = arith.sitofp %convert_element_type3A_230 : vector<256x4096xi32> to vector<256x4096xf32>
    %max3A_232 = arith.maximumf %max3A_213, %convert_element_type3A_231 : vector<256x4096xf32>
    %jit3A_233 = arith.constant 0x7F800000 : f32
    %broadcast_in_dim3A_234 = vector.broadcast %jit3A_233 : f32 to vector<256x4096xf32>
    %select_n3A_235 = arith.select %eq3A_229, %broadcast_in_dim3A_234, %select_n3A_216 : vector<256x4096xi1>, vector<256x4096xf32>
    %reduce_min3A_236 = arith.constant dense<0x7F800000> : vector<256xf32>
    %reduce_min3A_237 = vector.multi_reduction <minimumf>, %select_n3A_235, %reduce_min3A_236 [1] : vector<256x4096xf32> to vector<256xf32>
    %broadcast_in_dim3A_238 = vector.shape_cast %reduce_min3A_237 : vector<256xf32> to vector<256x1xf32>
    %eq3A_239 = vector.broadcast %broadcast_in_dim3A_238 : vector<256x1xf32> to vector<256x4096xf32>
    %eq3A_240 = arith.cmpf oeq, %select_n3A_235, %eq3A_239 : vector<256x4096xf32>
    %jit3A_241 = arith.constant 4096 : i32
    %broadcast_in_dim3A_242 = vector.broadcast %jit3A_241 : i32 to vector<256x4096xi32>
    %select_n3A_243 = arith.select %eq3A_240, %iota3A, %broadcast_in_dim3A_242 : vector<256x4096xi1>, vector<256x4096xi32>
    %reduce_min3A_244 = arith.constant dense<2147483647> : vector<256xi32>
    %reduce_min3A_245 = vector.multi_reduction <minsi>, %select_n3A_243, %reduce_min3A_244 [1] : vector<256x4096xi32> to vector<256xi32>
    %broadcast_in_dim3A_246 = vector.shape_cast %reduce_min3A_245 : vector<256xi32> to vector<256x1xi32>
    %eq3A_247 = vector.broadcast %broadcast_in_dim3A_246 : vector<256x1xi32> to vector<256x4096xi32>
    %eq3A_248 = arith.cmpi eq, %iota3A, %eq3A_247 : vector<256x4096xi32>
    %convert_element_type3A_249 = arith.extui %eq3A_248 : vector<256x4096xi1> to vector<256x4096xi32>
    %convert_element_type3A_250 = arith.sitofp %convert_element_type3A_249 : vector<256x4096xi32> to vector<256x4096xf32>
    %max3A_251 = arith.maximumf %max3A_232, %convert_element_type3A_250 : vector<256x4096xf32>
    %jit3A_252 = arith.constant 0x7F800000 : f32
    %broadcast_in_dim3A_253 = vector.broadcast %jit3A_252 : f32 to vector<256x4096xf32>
    %select_n3A_254 = arith.select %eq3A_248, %broadcast_in_dim3A_253, %select_n3A_235 : vector<256x4096xi1>, vector<256x4096xf32>
    %reduce_min3A_255 = arith.constant dense<0x7F800000> : vector<256xf32>
    %reduce_min3A_256 = vector.multi_reduction <minimumf>, %select_n3A_254, %reduce_min3A_255 [1] : vector<256x4096xf32> to vector<256xf32>
    %broadcast_in_dim3A_257 = vector.shape_cast %reduce_min3A_256 : vector<256xf32> to vector<256x1xf32>
    %eq3A_258 = vector.broadcast %broadcast_in_dim3A_257 : vector<256x1xf32> to vector<256x4096xf32>
    %eq3A_259 = arith.cmpf oeq, %select_n3A_254, %eq3A_258 : vector<256x4096xf32>
    %jit3A_260 = arith.constant 4096 : i32
    %broadcast_in_dim3A_261 = vector.broadcast %jit3A_260 : i32 to vector<256x4096xi32>
    %select_n3A_262 = arith.select %eq3A_259, %iota3A, %broadcast_in_dim3A_261 : vector<256x4096xi1>, vector<256x4096xi32>
    %reduce_min3A_263 = arith.constant dense<2147483647> : vector<256xi32>
    %reduce_min3A_264 = vector.multi_reduction <minsi>, %select_n3A_262, %reduce_min3A_263 [1] : vector<256x4096xi32> to vector<256xi32>
    %broadcast_in_dim3A_265 = vector.shape_cast %reduce_min3A_264 : vector<256xi32> to vector<256x1xi32>
    %eq3A_266 = vector.broadcast %broadcast_in_dim3A_265 : vector<256x1xi32> to vector<256x4096xi32>
    %eq3A_267 = arith.cmpi eq, %iota3A, %eq3A_266 : vector<256x4096xi32>
    %convert_element_type3A_268 = arith.extui %eq3A_267 : vector<256x4096xi1> to vector<256x4096xi32>
    %convert_element_type3A_269 = arith.sitofp %convert_element_type3A_268 : vector<256x4096xi32> to vector<256x4096xf32>
    %max3A_270 = arith.maximumf %max3A_251, %convert_element_type3A_269 : vector<256x4096xf32>
    %jit3A_271 = arith.constant 0x7F800000 : f32
    %broadcast_in_dim3A_272 = vector.broadcast %jit3A_271 : f32 to vector<256x4096xf32>
    %select_n3A_273 = arith.select %eq3A_267, %broadcast_in_dim3A_272, %select_n3A_254 : vector<256x4096xi1>, vector<256x4096xf32>
    %reduce_min3A_274 = arith.constant dense<0x7F800000> : vector<256xf32>
    %reduce_min3A_275 = vector.multi_reduction <minimumf>, %select_n3A_273, %reduce_min3A_274 [1] : vector<256x4096xf32> to vector<256xf32>
    %broadcast_in_dim3A_276 = vector.shape_cast %reduce_min3A_275 : vector<256xf32> to vector<256x1xf32>
    %eq3A_277 = vector.broadcast %broadcast_in_dim3A_276 : vector<256x1xf32> to vector<256x4096xf32>
    %eq3A_278 = arith.cmpf oeq, %select_n3A_273, %eq3A_277 : vector<256x4096xf32>
    %jit3A_279 = arith.constant 4096 : i32
    %broadcast_in_dim3A_280 = vector.broadcast %jit3A_279 : i32 to vector<256x4096xi32>
    %select_n3A_281 = arith.select %eq3A_278, %iota3A, %broadcast_in_dim3A_280 : vector<256x4096xi1>, vector<256x4096xi32>
    %reduce_min3A_282 = arith.constant dense<2147483647> : vector<256xi32>
    %reduce_min3A_283 = vector.multi_reduction <minsi>, %select_n3A_281, %reduce_min3A_282 [1] : vector<256x4096xi32> to vector<256xi32>
    %broadcast_in_dim3A_284 = vector.shape_cast %reduce_min3A_283 : vector<256xi32> to vector<256x1xi32>
    %eq3A_285 = vector.broadcast %broadcast_in_dim3A_284 : vector<256x1xi32> to vector<256x4096xi32>
    %eq3A_286 = arith.cmpi eq, %iota3A, %eq3A_285 : vector<256x4096xi32>
    %convert_element_type3A_287 = arith.extui %eq3A_286 : vector<256x4096xi1> to vector<256x4096xi32>
    %convert_element_type3A_288 = arith.sitofp %convert_element_type3A_287 : vector<256x4096xi32> to vector<256x4096xf32>
    %max3A_289 = arith.maximumf %max3A_270, %convert_element_type3A_288 : vector<256x4096xf32>
    %jit3A_290 = arith.constant 0x7F800000 : f32
    %broadcast_in_dim3A_291 = vector.broadcast %jit3A_290 : f32 to vector<256x4096xf32>
    %select_n3A_292 = arith.select %eq3A_286, %broadcast_in_dim3A_291, %select_n3A_273 : vector<256x4096xi1>, vector<256x4096xf32>
    %reduce_min3A_293 = arith.constant dense<0x7F800000> : vector<256xf32>
    %reduce_min3A_294 = vector.multi_reduction <minimumf>, %select_n3A_292, %reduce_min3A_293 [1] : vector<256x4096xf32> to vector<256xf32>
    %broadcast_in_dim3A_295 = vector.shape_cast %reduce_min3A_294 : vector<256xf32> to vector<256x1xf32>
    %eq3A_296 = vector.broadcast %broadcast_in_dim3A_295 : vector<256x1xf32> to vector<256x4096xf32>
    %eq3A_297 = arith.cmpf oeq, %select_n3A_292, %eq3A_296 : vector<256x4096xf32>
    %jit3A_298 = arith.constant 4096 : i32
    %broadcast_in_dim3A_299 = vector.broadcast %jit3A_298 : i32 to vector<256x4096xi32>
    %select_n3A_300 = arith.select %eq3A_297, %iota3A, %broadcast_in_dim3A_299 : vector<256x4096xi1>, vector<256x4096xi32>
    %reduce_min3A_301 = arith.constant dense<2147483647> : vector<256xi32>
    %reduce_min3A_302 = vector.multi_reduction <minsi>, %select_n3A_300, %reduce_min3A_301 [1] : vector<256x4096xi32> to vector<256xi32>
    %broadcast_in_dim3A_303 = vector.shape_cast %reduce_min3A_302 : vector<256xi32> to vector<256x1xi32>
    %eq3A_304 = vector.broadcast %broadcast_in_dim3A_303 : vector<256x1xi32> to vector<256x4096xi32>
    %eq3A_305 = arith.cmpi eq, %iota3A, %eq3A_304 : vector<256x4096xi32>
    %convert_element_type3A_306 = arith.extui %eq3A_305 : vector<256x4096xi1> to vector<256x4096xi32>
    %convert_element_type3A_307 = arith.sitofp %convert_element_type3A_306 : vector<256x4096xi32> to vector<256x4096xf32>
    %max3A_308 = arith.maximumf %max3A_289, %convert_element_type3A_307 : vector<256x4096xf32>
    %jit3A_309 = arith.constant 0x7F800000 : f32
    %broadcast_in_dim3A_310 = vector.broadcast %jit3A_309 : f32 to vector<256x4096xf32>
    %select_n3A_311 = arith.select %eq3A_305, %broadcast_in_dim3A_310, %select_n3A_292 : vector<256x4096xi1>, vector<256x4096xf32>
    %reduce_min3A_312 = arith.constant dense<0x7F800000> : vector<256xf32>
    %reduce_min3A_313 = vector.multi_reduction <minimumf>, %select_n3A_311, %reduce_min3A_312 [1] : vector<256x4096xf32> to vector<256xf32>
    %broadcast_in_dim3A_314 = vector.shape_cast %reduce_min3A_313 : vector<256xf32> to vector<256x1xf32>
    %eq3A_315 = vector.broadcast %broadcast_in_dim3A_314 : vector<256x1xf32> to vector<256x4096xf32>
    %eq3A_316 = arith.cmpf oeq, %select_n3A_311, %eq3A_315 : vector<256x4096xf32>
    %jit3A_317 = arith.constant 4096 : i32
    %broadcast_in_dim3A_318 = vector.broadcast %jit3A_317 : i32 to vector<256x4096xi32>
    %select_n3A_319 = arith.select %eq3A_316, %iota3A, %broadcast_in_dim3A_318 : vector<256x4096xi1>, vector<256x4096xi32>
    %reduce_min3A_320 = arith.constant dense<2147483647> : vector<256xi32>
    %reduce_min3A_321 = vector.multi_reduction <minsi>, %select_n3A_319, %reduce_min3A_320 [1] : vector<256x4096xi32> to vector<256xi32>
    %broadcast_in_dim3A_322 = vector.shape_cast %reduce_min3A_321 : vector<256xi32> to vector<256x1xi32>
    %eq3A_323 = vector.broadcast %broadcast_in_dim3A_322 : vector<256x1xi32> to vector<256x4096xi32>
    %eq3A_324 = arith.cmpi eq, %iota3A, %eq3A_323 : vector<256x4096xi32>
    %convert_element_type3A_325 = arith.extui %eq3A_324 : vector<256x4096xi1> to vector<256x4096xi32>
    %convert_element_type3A_326 = arith.sitofp %convert_element_type3A_325 : vector<256x4096xi32> to vector<256x4096xf32>
    %max3A_327 = arith.maximumf %max3A_308, %convert_element_type3A_326 : vector<256x4096xf32>
    %jit3A_328 = arith.constant 0x7F800000 : f32
    %broadcast_in_dim3A_329 = vector.broadcast %jit3A_328 : f32 to vector<256x4096xf32>
    %select_n3A_330 = arith.select %eq3A_324, %broadcast_in_dim3A_329, %select_n3A_311 : vector<256x4096xi1>, vector<256x4096xf32>
    %reduce_min3A_331 = arith.constant dense<0x7F800000> : vector<256xf32>
    %reduce_min3A_332 = vector.multi_reduction <minimumf>, %select_n3A_330, %reduce_min3A_331 [1] : vector<256x4096xf32> to vector<256xf32>
    %broadcast_in_dim3A_333 = vector.shape_cast %reduce_min3A_332 : vector<256xf32> to vector<256x1xf32>
    %eq3A_334 = vector.broadcast %broadcast_in_dim3A_333 : vector<256x1xf32> to vector<256x4096xf32>
    %eq3A_335 = arith.cmpf oeq, %select_n3A_330, %eq3A_334 : vector<256x4096xf32>
    %jit3A_336 = arith.constant 4096 : i32
    %broadcast_in_dim3A_337 = vector.broadcast %jit3A_336 : i32 to vector<256x4096xi32>
    %select_n3A_338 = arith.select %eq3A_335, %iota3A, %broadcast_in_dim3A_337 : vector<256x4096xi1>, vector<256x4096xi32>
    %reduce_min3A_339 = arith.constant dense<2147483647> : vector<256xi32>
    %reduce_min3A_340 = vector.multi_reduction <minsi>, %select_n3A_338, %reduce_min3A_339 [1] : vector<256x4096xi32> to vector<256xi32>
    %broadcast_in_dim3A_341 = vector.shape_cast %reduce_min3A_340 : vector<256xi32> to vector<256x1xi32>
    %eq3A_342 = vector.broadcast %broadcast_in_dim3A_341 : vector<256x1xi32> to vector<256x4096xi32>
    %eq3A_343 = arith.cmpi eq, %iota3A, %eq3A_342 : vector<256x4096xi32>
    %convert_element_type3A_344 = arith.extui %eq3A_343 : vector<256x4096xi1> to vector<256x4096xi32>
    %convert_element_type3A_345 = arith.sitofp %convert_element_type3A_344 : vector<256x4096xi32> to vector<256x4096xf32>
    %max3A_346 = arith.maximumf %max3A_327, %convert_element_type3A_345 : vector<256x4096xf32>
    %mul3A_347 = arith.constant 6.250000e-02 : f32
    %mul3A_348 = vector.broadcast %mul3A_347 : f32 to vector<256x4096xf32>
    %mul3A_349 = arith.mulf %max3A_346, %mul3A_348 : vector<256x4096xf32>
    %convert_element_type3A_350 = arith.truncf %mul3A_349 : vector<256x4096xf32> to vector<256x4096xbf16>
    %swap3A = arith.constant 0 : index
    %swap3A_351 = arith.constant 0 : index
    %swap3A_352 = arith.constant 0 : index
    %swap3A_353 = vector.load %arg9[%swap3A, %swap3A_351, %swap3A_352] : memref<1x256x4096xbf16, #tpu.memory_space<vmem>>, vector<1x256x4096xbf16>
    %swap3A_354 = vector.shape_cast %swap3A_353 : vector<1x256x4096xbf16> to vector<256x4096xbf16>
    %swap3A_355 = vector.shape_cast %convert_element_type3A_350 : vector<256x4096xbf16> to vector<1x256x4096xbf16>
    tpu.vector_store %arg9[%swap3A, %swap3A_351, %swap3A_352], %swap3A_355 {strides = array<i32>} : memref<1x256x4096xbf16, #tpu.memory_space<vmem>>, vector<1x256x4096xbf16>,
    %get3A_356 = arith.constant 0 : index
    %get3A_357 = arith.constant 0 : index
    %get3A_358 = arith.constant 0 : index
    %get3A_359 = vector.load %arg5[%get3A_356, %get3A_357, %get3A_358] : memref<1x4096x8xf32, #tpu.memory_space<vmem>>, vector<1x4096x8xf32>
    %get3A_360 = vector.shape_cast %get3A_359 : vector<1x4096x8xf32> to vector<4096x8xf32>
    %dot_general3A = arith.constant dense<0.000000e+00> : vector<256x8xf32>
    %dot_general3A_361 = tpu.matmul %mul3A_349, %get3A_360, %dot_general3A {dimension_numbers = #tpu.dot_dimension_numbers<[1], [0], [0], [1], [0, 0, 1, 1], [], []>, transpose_lhs_hint = false} : vector<256x4096xf32>, vector<4096x8xf32>, vector<256x8xf32> -> vector<256x8xf32>
    %slice3A_362 = vector.extract_strided_slice %dot_general3A_361 {offsets = [0, 0], sizes = [256, 4], strides = [1, 1]} : vector<256x8xf32> to vector<256x4xf32>
    %slice3A_363 = vector.extract_strided_slice %dot_general3A_361 {offsets = [0, 4], sizes = [256, 3], strides = [1, 1]} : vector<256x8xf32> to vector<256x3xf32>
    %slice3A_364 = vector.extract_strided_slice %dot_general3A_361 {offsets = [0, 7], sizes = [256, 1], strides = [1, 1]} : vector<256x8xf32> to vector<256x1xf32>
    %sub3A_365 = arith.subf %slice3A_5, %slice3A_363 : vector<256x3xf32>
    %mul3A_366 = arith.mulf %slice3A_5, %slice3A_363 : vector<256x3xf32>
    %reduce_sum3A = arith.constant dense<0.000000e+00> : vector<256xf32>
    %reduce_sum3A_367 = vector.multi_reduction <add>, %mul3A_366, %reduce_sum3A [1] : vector<256x3xf32> to vector<256xf32>
    %broadcast_in_dim3A_368 = vector.shape_cast %reduce_sum3A_367 : vector<256xf32> to vector<256x1xf32>
    %mul3A_369 = arith.constant 2.000000e+00 : f32
    %mul3A_370 = vector.broadcast %mul3A_369 : f32 to vector<256x1xf32>
    %mul3A_371 = arith.mulf %mul3A_370, %broadcast_in_dim3A_368 : vector<256x1xf32>
    %sub3A_372 = arith.subf %slice3A_6, %mul3A_371 : vector<256x1xf32>
    %add3A_373 = arith.addf %sub3A_372, %slice3A_364 : vector<256x1xf32>
    %concatenate3A = tpu.concatenate %slice3A_362, %sub3A_365, %add3A_373 in 1 : vector<256x4xf32>, vector<256x3xf32>, vector<256x1xf32> -> vector<256x8xf32>
    %get3A_374 = arith.constant 0 : index
    %get3A_375 = arith.constant 0 : index
    %get3A_376 = vector.load %arg6[%get3A_374, %get3A_375] : memref<4x64xf32, #tpu.memory_space<vmem>>, vector<4x64xf32>
    %dot_general3A_377 = arith.constant dense<0.000000e+00> : vector<256x64xf32>
    %dot_general3A_378 = tpu.matmul %slice3A, %get3A_376, %dot_general3A_377 {dimension_numbers = #tpu.dot_dimension_numbers<[1], [0], [0], [1], [0, 0, 1, 1], [], []>, transpose_lhs_hint = false} : vector<256x4xf32>, vector<4x64xf32>, vector<256x64xf32> -> vector<256x64xf32>
    %get3A_379 = arith.constant 0 : index
    %get3A_380 = arith.constant 0 : index
    %get3A_381 = vector.load %arg7[%get3A_379, %get3A_380] : memref<8x64xf32, #tpu.memory_space<vmem>>, vector<8x64xf32>
    %dot_general3A_382 = arith.constant dense<0.000000e+00> : vector<256x64xf32>
    %dot_general3A_383 = tpu.matmul %concatenate3A, %get3A_381, %dot_general3A_382 {dimension_numbers = #tpu.dot_dimension_numbers<[1], [0], [0], [1], [0, 0, 1, 1], [], []>, transpose_lhs_hint = false} : vector<256x8xf32>, vector<8x64xf32>, vector<256x64xf32> -> vector<256x64xf32>
    %add3A_384 = arith.addf %dot_general3A_378, %dot_general3A_383 : vector<256x64xf32>
    %ge3A = arith.constant 0.000000e+00 : f32
    %ge3A_385 = vector.broadcast %ge3A : f32 to vector<256x64xf32>
    %ge3A_386 = arith.cmpf oge, %add3A_384, %ge3A_385 : vector<256x64xf32>
    %mul3A_387 = arith.constant 2.000000e-01 : f32
    %mul3A_388 = vector.broadcast %mul3A_387 : f32 to vector<256x64xf32>
    %mul3A_389 = arith.mulf %mul3A_388, %add3A_384 : vector<256x64xf32>
    %select_n3A_390 = arith.select %ge3A_386, %add3A_384, %mul3A_389 : vector<256x64xi1>, vector<256x64xf32>
    %swap3A_391 = arith.constant 0 : index
    %swap3A_392 = arith.constant 0 : index
    %swap3A_393 = arith.constant 0 : index
    %swap3A_394 = vector.load %arg8[%swap3A_391, %swap3A_392, %swap3A_393] : memref<1x256x64xf32, #tpu.memory_space<vmem>>, vector<1x256x64xf32>
    %swap3A_395 = vector.shape_cast %swap3A_394 : vector<1x256x64xf32> to vector<256x64xf32>
    %swap3A_396 = vector.shape_cast %select_n3A_390 : vector<256x64xf32> to vector<1x256x64xf32>
    tpu.vector_store %arg8[%swap3A_391, %swap3A_392, %swap3A_393], %swap3A_396 {strides = array<i32>} : memref<1x256x64xf32, #tpu.memory_space<vmem>>, vector<1x256x64xf32>,
    return
  }
  func.func @transform_0(%arg0: i32, %arg1: i32) -> (i32, i32, i32) {
    %c0_i32 = arith.constant 0 : i32
    %c0_i32_0 = arith.constant 0 : i32
    return %arg0, %arg1, %c0_i32 : i32, i32, i32
  }
  func.func @transform_1(%arg0: i32, %arg1: i32) -> (i32, i32, i32) {
    %c0_i32 = arith.constant 0 : i32
    %c0_i32_0 = arith.constant 0 : i32
    %c0_i32_1 = arith.constant 0 : i32
    return %arg0, %c0_i32, %c0_i32_0 : i32, i32, i32
  }
  func.func @transform_2(%arg0: i32, %arg1: i32) -> (i32, i32, i32) {
    %c0_i32 = arith.constant 0 : i32
    %c0_i32_0 = arith.constant 0 : i32
    %c0_i32_1 = arith.constant 0 : i32
    return %arg0, %c0_i32, %c0_i32_0 : i32, i32, i32
  }
  func.func @transform_3(%arg0: i32, %arg1: i32) -> (i32, i32, i32) {
    %c0_i32 = arith.constant 0 : i32
    %c0_i32_0 = arith.constant 0 : i32
    %c0_i32_1 = arith.constant 0 : i32
    return %arg0, %c0_i32, %c0_i32_0 : i32, i32, i32
  }
  func.func @transform_4(%arg0: i32, %arg1: i32) -> (i32, i32) {
    %c0_i32 = arith.constant 0 : i32
    %c0_i32_0 = arith.constant 0 : i32
    %c0_i32_1 = arith.constant 0 : i32
    return %c0_i32, %c0_i32_0 : i32, i32
  }
  func.func @transform_5(%arg0: i32, %arg1: i32) -> (i32, i32) {
    %c0_i32 = arith.constant 0 : i32
    %c0_i32_0 = arith.constant 0 : i32
    %c0_i32_1 = arith.constant 0 : i32
    return %c0_i32, %c0_i32_0 : i32, i32
  }
  func.func @transform_6(%arg0: i32, %arg1: i32) -> (i32, i32, i32) {
    %c0_i32 = arith.constant 0 : i32
    %c0_i32_0 = arith.constant 0 : i32
    return %arg0, %arg1, %c0_i32 : i32, i32, i32
  }
  func.func @transform_7(%arg0: i32, %arg1: i32) -> (i32, i32, i32) {
    %c0_i32 = arith.constant 0 : i32
    %c0_i32_0 = arith.constant 0 : i32
    return %arg0, %arg1, %c0_i32 : i32, i32, i32
  }
}

module attributes {stable_mosaic.version = 14 : i64} {
  func.func @_conv_body(%arg0: i32, %arg1: i32, %arg2: memref<1x256x8xf32, #tpu.memory_space<vmem>>, %arg3: memref<1x8x2048xf32, #tpu.memory_space<vmem>>, %arg4: memref<1x1x2048xf32, #tpu.memory_space<vmem>>, %arg5: memref<1x2048x68xf32, #tpu.memory_space<vmem>>, %arg6: memref<64x128xf32, #tpu.memory_space<vmem>>, %arg7: memref<68x128xf32, #tpu.memory_space<vmem>>, %arg8: memref<1x256x128xf32, #tpu.memory_space<vmem>>, %arg9: memref<1x256x2048xbf16, #tpu.memory_space<vmem>>) attributes {dimension_semantics = [#tpu.dimension_semantics<arbitrary>, #tpu.dimension_semantics<arbitrary>], iteration_bounds = array<i64: 2, 8>, scalar_prefetch = 0 : i64, scratch_operands = 0 : i64, tpu.core_type = #tpu.core_type<tc>, window_params = [{transform_indices = @transform_0, window_bounds = array<i64: 1, 256, 8>}, {transform_indices = @transform_1, window_bounds = array<i64: 1, 8, 2048>}, {transform_indices = @transform_2, window_bounds = array<i64: 1, 1, 2048>}, {transform_indices = @transform_3, window_bounds = array<i64: 1, 2048, 68>}, {pipeline_mode = #tpu.pipeline_mode<synchronous>, transform_indices = @transform_4, window_bounds = array<i64: 64, 128>}, {pipeline_mode = #tpu.pipeline_mode<synchronous>, transform_indices = @transform_5, window_bounds = array<i64: 68, 128>}, {transform_indices = @transform_6, window_bounds = array<i64: 1, 256, 128>}, {transform_indices = @transform_7, window_bounds = array<i64: 1, 256, 2048>}]} {
    %mul3A = arith.constant 256 : i32
    %mul3A_0 = arith.muli %arg1, %mul3A : i32
    %get3A = arith.constant 0 : index
    %get3A_1 = arith.index_cast %mul3A_0 : i32 to index
    %get3A_2 = arith.constant 0 : index
    %get3A_3 = vector.load %arg5[%get3A, %get3A_1, %get3A_2] : memref<1x2048x68xf32, #tpu.memory_space<vmem>>, vector<1x256x68xf32>
    %get3A_4 = vector.shape_cast %get3A_3 : vector<1x256x68xf32> to vector<256x68xf32>
    %slice3A = vector.extract_strided_slice %get3A_4 {offsets = [0, 0], sizes = [256, 64], strides = [1, 1]} : vector<256x68xf32> to vector<256x64xf32>
    %slice3A_5 = vector.extract_strided_slice %get3A_4 {offsets = [0, 64], sizes = [256, 3], strides = [1, 1]} : vector<256x68xf32> to vector<256x3xf32>
    %slice3A_6 = vector.extract_strided_slice %get3A_4 {offsets = [0, 67], sizes = [256, 1], strides = [1, 1]} : vector<256x68xf32> to vector<256x1xf32>
    %get3A_7 = arith.constant 0 : index
    %get3A_8 = arith.constant 0 : index
    %get3A_9 = arith.constant 0 : index
    %get3A_10 = vector.load %arg2[%get3A_7, %get3A_8, %get3A_9] : memref<1x256x8xf32, #tpu.memory_space<vmem>>, vector<1x256x8xf32>
    %get3A_11 = vector.shape_cast %get3A_10 : vector<1x256x8xf32> to vector<256x8xf32>
    %get3A_12 = arith.constant 0 : index
    %get3A_13 = arith.constant 0 : index
    %get3A_14 = arith.constant 0 : index
    %get3A_15 = vector.load %arg3[%get3A_12, %get3A_13, %get3A_14] : memref<1x8x2048xf32, #tpu.memory_space<vmem>>, vector<1x8x2048xf32>
    %get3A_16 = vector.shape_cast %get3A_15 : vector<1x8x2048xf32> to vector<8x2048xf32>
    %convert_element_type3A = arith.truncf %get3A_11 : vector<256x8xf32> to vector<256x8xbf16>
    %convert_element_type3A_17 = arith.extf %convert_element_type3A : vector<256x8xbf16> to vector<256x8xf32>
    %convert_element_type3A_18 = arith.truncf %get3A_16 : vector<8x2048xf32> to vector<8x2048xbf16>
    %convert_element_type3A_19 = arith.extf %convert_element_type3A_18 : vector<8x2048xbf16> to vector<8x2048xf32>
    %slice3A_20 = vector.extract_strided_slice %convert_element_type3A_17 {offsets = [0, 0], sizes = [256, 1], strides = [1, 1]} : vector<256x8xf32> to vector<256x1xf32>
    %slice3A_21 = vector.extract_strided_slice %convert_element_type3A_19 {offsets = [0, 0], sizes = [1, 2048], strides = [1, 1]} : vector<8x2048xf32> to vector<1x2048xf32>
    %mul3A_22 = vector.broadcast %slice3A_20 : vector<256x1xf32> to vector<256x2048xf32>
    %mul3A_23 = vector.broadcast %slice3A_21 : vector<1x2048xf32> to vector<256x2048xf32>
    %mul3A_24 = arith.mulf %mul3A_22, %mul3A_23 : vector<256x2048xf32>
    %slice3A_25 = vector.extract_strided_slice %convert_element_type3A_17 {offsets = [0, 1], sizes = [256, 1], strides = [1, 1]} : vector<256x8xf32> to vector<256x1xf32>
    %slice3A_26 = vector.extract_strided_slice %convert_element_type3A_19 {offsets = [1, 0], sizes = [1, 2048], strides = [1, 1]} : vector<8x2048xf32> to vector<1x2048xf32>
    %mul3A_27 = vector.broadcast %slice3A_25 : vector<256x1xf32> to vector<256x2048xf32>
    %mul3A_28 = vector.broadcast %slice3A_26 : vector<1x2048xf32> to vector<256x2048xf32>
    %mul3A_29 = arith.mulf %mul3A_27, %mul3A_28 : vector<256x2048xf32>
    %add3A = arith.addf %mul3A_24, %mul3A_29 : vector<256x2048xf32>
    %slice3A_30 = vector.extract_strided_slice %convert_element_type3A_17 {offsets = [0, 2], sizes = [256, 1], strides = [1, 1]} : vector<256x8xf32> to vector<256x1xf32>
    %slice3A_31 = vector.extract_strided_slice %convert_element_type3A_19 {offsets = [2, 0], sizes = [1, 2048], strides = [1, 1]} : vector<8x2048xf32> to vector<1x2048xf32>
    %mul3A_32 = vector.broadcast %slice3A_30 : vector<256x1xf32> to vector<256x2048xf32>
    %mul3A_33 = vector.broadcast %slice3A_31 : vector<1x2048xf32> to vector<256x2048xf32>
    %mul3A_34 = arith.mulf %mul3A_32, %mul3A_33 : vector<256x2048xf32>
    %add3A_35 = arith.addf %add3A, %mul3A_34 : vector<256x2048xf32>
    %get3A_36 = arith.constant 0 : index
    %get3A_37 = arith.constant 0 : index
    %get3A_38 = arith.constant 0 : index
    %get3A_39 = vector.load %arg4[%get3A_36, %get3A_37, %get3A_38] : memref<1x1x2048xf32, #tpu.memory_space<vmem>>, vector<1x1x2048xf32>
    %get3A_40 = vector.shape_cast %get3A_39 : vector<1x1x2048xf32> to vector<1x2048xf32>
    %add3A_41 = vector.broadcast %slice3A_6 : vector<256x1xf32> to vector<256x2048xf32>
    %add3A_42 = vector.broadcast %get3A_40 : vector<1x2048xf32> to vector<256x2048xf32>
    %add3A_43 = arith.addf %add3A_41, %add3A_42 : vector<256x2048xf32>
    %mul3A_44 = arith.constant 2.000000e+00 : f32
    %mul3A_45 = vector.broadcast %mul3A_44 : f32 to vector<256x2048xf32>
    %mul3A_46 = arith.mulf %mul3A_45, %add3A_35 : vector<256x2048xf32>
    %sub3A = arith.subf %add3A_43, %mul3A_46 : vector<256x2048xf32>
    %max3A = arith.constant 0.000000e+00 : f32
    %max3A_47 = vector.broadcast %max3A : f32 to vector<256x2048xf32>
    %max3A_48 = arith.maximumf %sub3A, %max3A_47 : vector<256x2048xf32>
    %iota3A = tpu.iota {dimensions = array<i32: 1>} : vector<256x2048xi32>
    %broadcast_in_dim3A = arith.constant 0.000000e+00 : f32
    %broadcast_in_dim3A_49 = vector.broadcast %broadcast_in_dim3A : f32 to vector<256x2048xf32>
    %reduce_min3A = arith.constant dense<0x7F800000> : vector<256xf32>
    %reduce_min3A_50 = vector.multi_reduction <minimumf>, %max3A_48, %reduce_min3A [1] : vector<256x2048xf32> to vector<256xf32>
    %broadcast_in_dim3A_51 = vector.shape_cast %reduce_min3A_50 : vector<256xf32> to vector<256x1xf32>
    %eq3A = vector.broadcast %broadcast_in_dim3A_51 : vector<256x1xf32> to vector<256x2048xf32>
    %eq3A_52 = arith.cmpf oeq, %max3A_48, %eq3A : vector<256x2048xf32>
    %jit3A = arith.constant 2048 : i32
    %broadcast_in_dim3A_53 = vector.broadcast %jit3A : i32 to vector<256x2048xi32>
    %select_n3A = arith.select %eq3A_52, %iota3A, %broadcast_in_dim3A_53 : vector<256x2048xi1>, vector<256x2048xi32>
    %reduce_min3A_54 = arith.constant dense<2147483647> : vector<256xi32>
    %reduce_min3A_55 = vector.multi_reduction <minsi>, %select_n3A, %reduce_min3A_54 [1] : vector<256x2048xi32> to vector<256xi32>
    %broadcast_in_dim3A_56 = vector.shape_cast %reduce_min3A_55 : vector<256xi32> to vector<256x1xi32>
    %eq3A_57 = vector.broadcast %broadcast_in_dim3A_56 : vector<256x1xi32> to vector<256x2048xi32>
    %eq3A_58 = arith.cmpi eq, %iota3A, %eq3A_57 : vector<256x2048xi32>
    %convert_element_type3A_59 = arith.extui %eq3A_58 : vector<256x2048xi1> to vector<256x2048xi32>
    %convert_element_type3A_60 = arith.sitofp %convert_element_type3A_59 : vector<256x2048xi32> to vector<256x2048xf32>
    %max3A_61 = arith.maximumf %broadcast_in_dim3A_49, %convert_element_type3A_60 : vector<256x2048xf32>
    %jit3A_62 = arith.constant 0x7F800000 : f32
    %broadcast_in_dim3A_63 = vector.broadcast %jit3A_62 : f32 to vector<256x2048xf32>
    %select_n3A_64 = arith.select %eq3A_58, %broadcast_in_dim3A_63, %max3A_48 : vector<256x2048xi1>, vector<256x2048xf32>
    %reduce_min3A_65 = arith.constant dense<0x7F800000> : vector<256xf32>
    %reduce_min3A_66 = vector.multi_reduction <minimumf>, %select_n3A_64, %reduce_min3A_65 [1] : vector<256x2048xf32> to vector<256xf32>
    %broadcast_in_dim3A_67 = vector.shape_cast %reduce_min3A_66 : vector<256xf32> to vector<256x1xf32>
    %eq3A_68 = vector.broadcast %broadcast_in_dim3A_67 : vector<256x1xf32> to vector<256x2048xf32>
    %eq3A_69 = arith.cmpf oeq, %select_n3A_64, %eq3A_68 : vector<256x2048xf32>
    %jit3A_70 = arith.constant 2048 : i32
    %broadcast_in_dim3A_71 = vector.broadcast %jit3A_70 : i32 to vector<256x2048xi32>
    %select_n3A_72 = arith.select %eq3A_69, %iota3A, %broadcast_in_dim3A_71 : vector<256x2048xi1>, vector<256x2048xi32>
    %reduce_min3A_73 = arith.constant dense<2147483647> : vector<256xi32>
    %reduce_min3A_74 = vector.multi_reduction <minsi>, %select_n3A_72, %reduce_min3A_73 [1] : vector<256x2048xi32> to vector<256xi32>
    %broadcast_in_dim3A_75 = vector.shape_cast %reduce_min3A_74 : vector<256xi32> to vector<256x1xi32>
    %eq3A_76 = vector.broadcast %broadcast_in_dim3A_75 : vector<256x1xi32> to vector<256x2048xi32>
    %eq3A_77 = arith.cmpi eq, %iota3A, %eq3A_76 : vector<256x2048xi32>
    %convert_element_type3A_78 = arith.extui %eq3A_77 : vector<256x2048xi1> to vector<256x2048xi32>
    %convert_element_type3A_79 = arith.sitofp %convert_element_type3A_78 : vector<256x2048xi32> to vector<256x2048xf32>
    %max3A_80 = arith.maximumf %max3A_61, %convert_element_type3A_79 : vector<256x2048xf32>
    %jit3A_81 = arith.constant 0x7F800000 : f32
    %broadcast_in_dim3A_82 = vector.broadcast %jit3A_81 : f32 to vector<256x2048xf32>
    %select_n3A_83 = arith.select %eq3A_77, %broadcast_in_dim3A_82, %select_n3A_64 : vector<256x2048xi1>, vector<256x2048xf32>
    %reduce_min3A_84 = arith.constant dense<0x7F800000> : vector<256xf32>
    %reduce_min3A_85 = vector.multi_reduction <minimumf>, %select_n3A_83, %reduce_min3A_84 [1] : vector<256x2048xf32> to vector<256xf32>
    %broadcast_in_dim3A_86 = vector.shape_cast %reduce_min3A_85 : vector<256xf32> to vector<256x1xf32>
    %eq3A_87 = vector.broadcast %broadcast_in_dim3A_86 : vector<256x1xf32> to vector<256x2048xf32>
    %eq3A_88 = arith.cmpf oeq, %select_n3A_83, %eq3A_87 : vector<256x2048xf32>
    %jit3A_89 = arith.constant 2048 : i32
    %broadcast_in_dim3A_90 = vector.broadcast %jit3A_89 : i32 to vector<256x2048xi32>
    %select_n3A_91 = arith.select %eq3A_88, %iota3A, %broadcast_in_dim3A_90 : vector<256x2048xi1>, vector<256x2048xi32>
    %reduce_min3A_92 = arith.constant dense<2147483647> : vector<256xi32>
    %reduce_min3A_93 = vector.multi_reduction <minsi>, %select_n3A_91, %reduce_min3A_92 [1] : vector<256x2048xi32> to vector<256xi32>
    %broadcast_in_dim3A_94 = vector.shape_cast %reduce_min3A_93 : vector<256xi32> to vector<256x1xi32>
    %eq3A_95 = vector.broadcast %broadcast_in_dim3A_94 : vector<256x1xi32> to vector<256x2048xi32>
    %eq3A_96 = arith.cmpi eq, %iota3A, %eq3A_95 : vector<256x2048xi32>
    %convert_element_type3A_97 = arith.extui %eq3A_96 : vector<256x2048xi1> to vector<256x2048xi32>
    %convert_element_type3A_98 = arith.sitofp %convert_element_type3A_97 : vector<256x2048xi32> to vector<256x2048xf32>
    %max3A_99 = arith.maximumf %max3A_80, %convert_element_type3A_98 : vector<256x2048xf32>
    %jit3A_100 = arith.constant 0x7F800000 : f32
    %broadcast_in_dim3A_101 = vector.broadcast %jit3A_100 : f32 to vector<256x2048xf32>
    %select_n3A_102 = arith.select %eq3A_96, %broadcast_in_dim3A_101, %select_n3A_83 : vector<256x2048xi1>, vector<256x2048xf32>
    %reduce_min3A_103 = arith.constant dense<0x7F800000> : vector<256xf32>
    %reduce_min3A_104 = vector.multi_reduction <minimumf>, %select_n3A_102, %reduce_min3A_103 [1] : vector<256x2048xf32> to vector<256xf32>
    %broadcast_in_dim3A_105 = vector.shape_cast %reduce_min3A_104 : vector<256xf32> to vector<256x1xf32>
    %eq3A_106 = vector.broadcast %broadcast_in_dim3A_105 : vector<256x1xf32> to vector<256x2048xf32>
    %eq3A_107 = arith.cmpf oeq, %select_n3A_102, %eq3A_106 : vector<256x2048xf32>
    %jit3A_108 = arith.constant 2048 : i32
    %broadcast_in_dim3A_109 = vector.broadcast %jit3A_108 : i32 to vector<256x2048xi32>
    %select_n3A_110 = arith.select %eq3A_107, %iota3A, %broadcast_in_dim3A_109 : vector<256x2048xi1>, vector<256x2048xi32>
    %reduce_min3A_111 = arith.constant dense<2147483647> : vector<256xi32>
    %reduce_min3A_112 = vector.multi_reduction <minsi>, %select_n3A_110, %reduce_min3A_111 [1] : vector<256x2048xi32> to vector<256xi32>
    %broadcast_in_dim3A_113 = vector.shape_cast %reduce_min3A_112 : vector<256xi32> to vector<256x1xi32>
    %eq3A_114 = vector.broadcast %broadcast_in_dim3A_113 : vector<256x1xi32> to vector<256x2048xi32>
    %eq3A_115 = arith.cmpi eq, %iota3A, %eq3A_114 : vector<256x2048xi32>
    %convert_element_type3A_116 = arith.extui %eq3A_115 : vector<256x2048xi1> to vector<256x2048xi32>
    %convert_element_type3A_117 = arith.sitofp %convert_element_type3A_116 : vector<256x2048xi32> to vector<256x2048xf32>
    %max3A_118 = arith.maximumf %max3A_99, %convert_element_type3A_117 : vector<256x2048xf32>
    %jit3A_119 = arith.constant 0x7F800000 : f32
    %broadcast_in_dim3A_120 = vector.broadcast %jit3A_119 : f32 to vector<256x2048xf32>
    %select_n3A_121 = arith.select %eq3A_115, %broadcast_in_dim3A_120, %select_n3A_102 : vector<256x2048xi1>, vector<256x2048xf32>
    %reduce_min3A_122 = arith.constant dense<0x7F800000> : vector<256xf32>
    %reduce_min3A_123 = vector.multi_reduction <minimumf>, %select_n3A_121, %reduce_min3A_122 [1] : vector<256x2048xf32> to vector<256xf32>
    %broadcast_in_dim3A_124 = vector.shape_cast %reduce_min3A_123 : vector<256xf32> to vector<256x1xf32>
    %eq3A_125 = vector.broadcast %broadcast_in_dim3A_124 : vector<256x1xf32> to vector<256x2048xf32>
    %eq3A_126 = arith.cmpf oeq, %select_n3A_121, %eq3A_125 : vector<256x2048xf32>
    %jit3A_127 = arith.constant 2048 : i32
    %broadcast_in_dim3A_128 = vector.broadcast %jit3A_127 : i32 to vector<256x2048xi32>
    %select_n3A_129 = arith.select %eq3A_126, %iota3A, %broadcast_in_dim3A_128 : vector<256x2048xi1>, vector<256x2048xi32>
    %reduce_min3A_130 = arith.constant dense<2147483647> : vector<256xi32>
    %reduce_min3A_131 = vector.multi_reduction <minsi>, %select_n3A_129, %reduce_min3A_130 [1] : vector<256x2048xi32> to vector<256xi32>
    %broadcast_in_dim3A_132 = vector.shape_cast %reduce_min3A_131 : vector<256xi32> to vector<256x1xi32>
    %eq3A_133 = vector.broadcast %broadcast_in_dim3A_132 : vector<256x1xi32> to vector<256x2048xi32>
    %eq3A_134 = arith.cmpi eq, %iota3A, %eq3A_133 : vector<256x2048xi32>
    %convert_element_type3A_135 = arith.extui %eq3A_134 : vector<256x2048xi1> to vector<256x2048xi32>
    %convert_element_type3A_136 = arith.sitofp %convert_element_type3A_135 : vector<256x2048xi32> to vector<256x2048xf32>
    %max3A_137 = arith.maximumf %max3A_118, %convert_element_type3A_136 : vector<256x2048xf32>
    %jit3A_138 = arith.constant 0x7F800000 : f32
    %broadcast_in_dim3A_139 = vector.broadcast %jit3A_138 : f32 to vector<256x2048xf32>
    %select_n3A_140 = arith.select %eq3A_134, %broadcast_in_dim3A_139, %select_n3A_121 : vector<256x2048xi1>, vector<256x2048xf32>
    %reduce_min3A_141 = arith.constant dense<0x7F800000> : vector<256xf32>
    %reduce_min3A_142 = vector.multi_reduction <minimumf>, %select_n3A_140, %reduce_min3A_141 [1] : vector<256x2048xf32> to vector<256xf32>
    %broadcast_in_dim3A_143 = vector.shape_cast %reduce_min3A_142 : vector<256xf32> to vector<256x1xf32>
    %eq3A_144 = vector.broadcast %broadcast_in_dim3A_143 : vector<256x1xf32> to vector<256x2048xf32>
    %eq3A_145 = arith.cmpf oeq, %select_n3A_140, %eq3A_144 : vector<256x2048xf32>
    %jit3A_146 = arith.constant 2048 : i32
    %broadcast_in_dim3A_147 = vector.broadcast %jit3A_146 : i32 to vector<256x2048xi32>
    %select_n3A_148 = arith.select %eq3A_145, %iota3A, %broadcast_in_dim3A_147 : vector<256x2048xi1>, vector<256x2048xi32>
    %reduce_min3A_149 = arith.constant dense<2147483647> : vector<256xi32>
    %reduce_min3A_150 = vector.multi_reduction <minsi>, %select_n3A_148, %reduce_min3A_149 [1] : vector<256x2048xi32> to vector<256xi32>
    %broadcast_in_dim3A_151 = vector.shape_cast %reduce_min3A_150 : vector<256xi32> to vector<256x1xi32>
    %eq3A_152 = vector.broadcast %broadcast_in_dim3A_151 : vector<256x1xi32> to vector<256x2048xi32>
    %eq3A_153 = arith.cmpi eq, %iota3A, %eq3A_152 : vector<256x2048xi32>
    %convert_element_type3A_154 = arith.extui %eq3A_153 : vector<256x2048xi1> to vector<256x2048xi32>
    %convert_element_type3A_155 = arith.sitofp %convert_element_type3A_154 : vector<256x2048xi32> to vector<256x2048xf32>
    %max3A_156 = arith.maximumf %max3A_137, %convert_element_type3A_155 : vector<256x2048xf32>
    %jit3A_157 = arith.constant 0x7F800000 : f32
    %broadcast_in_dim3A_158 = vector.broadcast %jit3A_157 : f32 to vector<256x2048xf32>
    %select_n3A_159 = arith.select %eq3A_153, %broadcast_in_dim3A_158, %select_n3A_140 : vector<256x2048xi1>, vector<256x2048xf32>
    %reduce_min3A_160 = arith.constant dense<0x7F800000> : vector<256xf32>
    %reduce_min3A_161 = vector.multi_reduction <minimumf>, %select_n3A_159, %reduce_min3A_160 [1] : vector<256x2048xf32> to vector<256xf32>
    %broadcast_in_dim3A_162 = vector.shape_cast %reduce_min3A_161 : vector<256xf32> to vector<256x1xf32>
    %eq3A_163 = vector.broadcast %broadcast_in_dim3A_162 : vector<256x1xf32> to vector<256x2048xf32>
    %eq3A_164 = arith.cmpf oeq, %select_n3A_159, %eq3A_163 : vector<256x2048xf32>
    %jit3A_165 = arith.constant 2048 : i32
    %broadcast_in_dim3A_166 = vector.broadcast %jit3A_165 : i32 to vector<256x2048xi32>
    %select_n3A_167 = arith.select %eq3A_164, %iota3A, %broadcast_in_dim3A_166 : vector<256x2048xi1>, vector<256x2048xi32>
    %reduce_min3A_168 = arith.constant dense<2147483647> : vector<256xi32>
    %reduce_min3A_169 = vector.multi_reduction <minsi>, %select_n3A_167, %reduce_min3A_168 [1] : vector<256x2048xi32> to vector<256xi32>
    %broadcast_in_dim3A_170 = vector.shape_cast %reduce_min3A_169 : vector<256xi32> to vector<256x1xi32>
    %eq3A_171 = vector.broadcast %broadcast_in_dim3A_170 : vector<256x1xi32> to vector<256x2048xi32>
    %eq3A_172 = arith.cmpi eq, %iota3A, %eq3A_171 : vector<256x2048xi32>
    %convert_element_type3A_173 = arith.extui %eq3A_172 : vector<256x2048xi1> to vector<256x2048xi32>
    %convert_element_type3A_174 = arith.sitofp %convert_element_type3A_173 : vector<256x2048xi32> to vector<256x2048xf32>
    %max3A_175 = arith.maximumf %max3A_156, %convert_element_type3A_174 : vector<256x2048xf32>
    %jit3A_176 = arith.constant 0x7F800000 : f32
    %broadcast_in_dim3A_177 = vector.broadcast %jit3A_176 : f32 to vector<256x2048xf32>
    %select_n3A_178 = arith.select %eq3A_172, %broadcast_in_dim3A_177, %select_n3A_159 : vector<256x2048xi1>, vector<256x2048xf32>
    %reduce_min3A_179 = arith.constant dense<0x7F800000> : vector<256xf32>
    %reduce_min3A_180 = vector.multi_reduction <minimumf>, %select_n3A_178, %reduce_min3A_179 [1] : vector<256x2048xf32> to vector<256xf32>
    %broadcast_in_dim3A_181 = vector.shape_cast %reduce_min3A_180 : vector<256xf32> to vector<256x1xf32>
    %eq3A_182 = vector.broadcast %broadcast_in_dim3A_181 : vector<256x1xf32> to vector<256x2048xf32>
    %eq3A_183 = arith.cmpf oeq, %select_n3A_178, %eq3A_182 : vector<256x2048xf32>
    %jit3A_184 = arith.constant 2048 : i32
    %broadcast_in_dim3A_185 = vector.broadcast %jit3A_184 : i32 to vector<256x2048xi32>
    %select_n3A_186 = arith.select %eq3A_183, %iota3A, %broadcast_in_dim3A_185 : vector<256x2048xi1>, vector<256x2048xi32>
    %reduce_min3A_187 = arith.constant dense<2147483647> : vector<256xi32>
    %reduce_min3A_188 = vector.multi_reduction <minsi>, %select_n3A_186, %reduce_min3A_187 [1] : vector<256x2048xi32> to vector<256xi32>
    %broadcast_in_dim3A_189 = vector.shape_cast %reduce_min3A_188 : vector<256xi32> to vector<256x1xi32>
    %eq3A_190 = vector.broadcast %broadcast_in_dim3A_189 : vector<256x1xi32> to vector<256x2048xi32>
    %eq3A_191 = arith.cmpi eq, %iota3A, %eq3A_190 : vector<256x2048xi32>
    %convert_element_type3A_192 = arith.extui %eq3A_191 : vector<256x2048xi1> to vector<256x2048xi32>
    %convert_element_type3A_193 = arith.sitofp %convert_element_type3A_192 : vector<256x2048xi32> to vector<256x2048xf32>
    %max3A_194 = arith.maximumf %max3A_175, %convert_element_type3A_193 : vector<256x2048xf32>
    %jit3A_195 = arith.constant 0x7F800000 : f32
    %broadcast_in_dim3A_196 = vector.broadcast %jit3A_195 : f32 to vector<256x2048xf32>
    %select_n3A_197 = arith.select %eq3A_191, %broadcast_in_dim3A_196, %select_n3A_178 : vector<256x2048xi1>, vector<256x2048xf32>
    %reduce_min3A_198 = arith.constant dense<0x7F800000> : vector<256xf32>
    %reduce_min3A_199 = vector.multi_reduction <minimumf>, %select_n3A_197, %reduce_min3A_198 [1] : vector<256x2048xf32> to vector<256xf32>
    %broadcast_in_dim3A_200 = vector.shape_cast %reduce_min3A_199 : vector<256xf32> to vector<256x1xf32>
    %eq3A_201 = vector.broadcast %broadcast_in_dim3A_200 : vector<256x1xf32> to vector<256x2048xf32>
    %eq3A_202 = arith.cmpf oeq, %select_n3A_197, %eq3A_201 : vector<256x2048xf32>
    %jit3A_203 = arith.constant 2048 : i32
    %broadcast_in_dim3A_204 = vector.broadcast %jit3A_203 : i32 to vector<256x2048xi32>
    %select_n3A_205 = arith.select %eq3A_202, %iota3A, %broadcast_in_dim3A_204 : vector<256x2048xi1>, vector<256x2048xi32>
    %reduce_min3A_206 = arith.constant dense<2147483647> : vector<256xi32>
    %reduce_min3A_207 = vector.multi_reduction <minsi>, %select_n3A_205, %reduce_min3A_206 [1] : vector<256x2048xi32> to vector<256xi32>
    %broadcast_in_dim3A_208 = vector.shape_cast %reduce_min3A_207 : vector<256xi32> to vector<256x1xi32>
    %eq3A_209 = vector.broadcast %broadcast_in_dim3A_208 : vector<256x1xi32> to vector<256x2048xi32>
    %eq3A_210 = arith.cmpi eq, %iota3A, %eq3A_209 : vector<256x2048xi32>
    %convert_element_type3A_211 = arith.extui %eq3A_210 : vector<256x2048xi1> to vector<256x2048xi32>
    %convert_element_type3A_212 = arith.sitofp %convert_element_type3A_211 : vector<256x2048xi32> to vector<256x2048xf32>
    %max3A_213 = arith.maximumf %max3A_194, %convert_element_type3A_212 : vector<256x2048xf32>
    %jit3A_214 = arith.constant 0x7F800000 : f32
    %broadcast_in_dim3A_215 = vector.broadcast %jit3A_214 : f32 to vector<256x2048xf32>
    %select_n3A_216 = arith.select %eq3A_210, %broadcast_in_dim3A_215, %select_n3A_197 : vector<256x2048xi1>, vector<256x2048xf32>
    %reduce_min3A_217 = arith.constant dense<0x7F800000> : vector<256xf32>
    %reduce_min3A_218 = vector.multi_reduction <minimumf>, %select_n3A_216, %reduce_min3A_217 [1] : vector<256x2048xf32> to vector<256xf32>
    %broadcast_in_dim3A_219 = vector.shape_cast %reduce_min3A_218 : vector<256xf32> to vector<256x1xf32>
    %eq3A_220 = vector.broadcast %broadcast_in_dim3A_219 : vector<256x1xf32> to vector<256x2048xf32>
    %eq3A_221 = arith.cmpf oeq, %select_n3A_216, %eq3A_220 : vector<256x2048xf32>
    %jit3A_222 = arith.constant 2048 : i32
    %broadcast_in_dim3A_223 = vector.broadcast %jit3A_222 : i32 to vector<256x2048xi32>
    %select_n3A_224 = arith.select %eq3A_221, %iota3A, %broadcast_in_dim3A_223 : vector<256x2048xi1>, vector<256x2048xi32>
    %reduce_min3A_225 = arith.constant dense<2147483647> : vector<256xi32>
    %reduce_min3A_226 = vector.multi_reduction <minsi>, %select_n3A_224, %reduce_min3A_225 [1] : vector<256x2048xi32> to vector<256xi32>
    %broadcast_in_dim3A_227 = vector.shape_cast %reduce_min3A_226 : vector<256xi32> to vector<256x1xi32>
    %eq3A_228 = vector.broadcast %broadcast_in_dim3A_227 : vector<256x1xi32> to vector<256x2048xi32>
    %eq3A_229 = arith.cmpi eq, %iota3A, %eq3A_228 : vector<256x2048xi32>
    %convert_element_type3A_230 = arith.extui %eq3A_229 : vector<256x2048xi1> to vector<256x2048xi32>
    %convert_element_type3A_231 = arith.sitofp %convert_element_type3A_230 : vector<256x2048xi32> to vector<256x2048xf32>
    %max3A_232 = arith.maximumf %max3A_213, %convert_element_type3A_231 : vector<256x2048xf32>
    %jit3A_233 = arith.constant 0x7F800000 : f32
    %broadcast_in_dim3A_234 = vector.broadcast %jit3A_233 : f32 to vector<256x2048xf32>
    %select_n3A_235 = arith.select %eq3A_229, %broadcast_in_dim3A_234, %select_n3A_216 : vector<256x2048xi1>, vector<256x2048xf32>
    %reduce_min3A_236 = arith.constant dense<0x7F800000> : vector<256xf32>
    %reduce_min3A_237 = vector.multi_reduction <minimumf>, %select_n3A_235, %reduce_min3A_236 [1] : vector<256x2048xf32> to vector<256xf32>
    %broadcast_in_dim3A_238 = vector.shape_cast %reduce_min3A_237 : vector<256xf32> to vector<256x1xf32>
    %eq3A_239 = vector.broadcast %broadcast_in_dim3A_238 : vector<256x1xf32> to vector<256x2048xf32>
    %eq3A_240 = arith.cmpf oeq, %select_n3A_235, %eq3A_239 : vector<256x2048xf32>
    %jit3A_241 = arith.constant 2048 : i32
    %broadcast_in_dim3A_242 = vector.broadcast %jit3A_241 : i32 to vector<256x2048xi32>
    %select_n3A_243 = arith.select %eq3A_240, %iota3A, %broadcast_in_dim3A_242 : vector<256x2048xi1>, vector<256x2048xi32>
    %reduce_min3A_244 = arith.constant dense<2147483647> : vector<256xi32>
    %reduce_min3A_245 = vector.multi_reduction <minsi>, %select_n3A_243, %reduce_min3A_244 [1] : vector<256x2048xi32> to vector<256xi32>
    %broadcast_in_dim3A_246 = vector.shape_cast %reduce_min3A_245 : vector<256xi32> to vector<256x1xi32>
    %eq3A_247 = vector.broadcast %broadcast_in_dim3A_246 : vector<256x1xi32> to vector<256x2048xi32>
    %eq3A_248 = arith.cmpi eq, %iota3A, %eq3A_247 : vector<256x2048xi32>
    %convert_element_type3A_249 = arith.extui %eq3A_248 : vector<256x2048xi1> to vector<256x2048xi32>
    %convert_element_type3A_250 = arith.sitofp %convert_element_type3A_249 : vector<256x2048xi32> to vector<256x2048xf32>
    %max3A_251 = arith.maximumf %max3A_232, %convert_element_type3A_250 : vector<256x2048xf32>
    %jit3A_252 = arith.constant 0x7F800000 : f32
    %broadcast_in_dim3A_253 = vector.broadcast %jit3A_252 : f32 to vector<256x2048xf32>
    %select_n3A_254 = arith.select %eq3A_248, %broadcast_in_dim3A_253, %select_n3A_235 : vector<256x2048xi1>, vector<256x2048xf32>
    %reduce_min3A_255 = arith.constant dense<0x7F800000> : vector<256xf32>
    %reduce_min3A_256 = vector.multi_reduction <minimumf>, %select_n3A_254, %reduce_min3A_255 [1] : vector<256x2048xf32> to vector<256xf32>
    %broadcast_in_dim3A_257 = vector.shape_cast %reduce_min3A_256 : vector<256xf32> to vector<256x1xf32>
    %eq3A_258 = vector.broadcast %broadcast_in_dim3A_257 : vector<256x1xf32> to vector<256x2048xf32>
    %eq3A_259 = arith.cmpf oeq, %select_n3A_254, %eq3A_258 : vector<256x2048xf32>
    %jit3A_260 = arith.constant 2048 : i32
    %broadcast_in_dim3A_261 = vector.broadcast %jit3A_260 : i32 to vector<256x2048xi32>
    %select_n3A_262 = arith.select %eq3A_259, %iota3A, %broadcast_in_dim3A_261 : vector<256x2048xi1>, vector<256x2048xi32>
    %reduce_min3A_263 = arith.constant dense<2147483647> : vector<256xi32>
    %reduce_min3A_264 = vector.multi_reduction <minsi>, %select_n3A_262, %reduce_min3A_263 [1] : vector<256x2048xi32> to vector<256xi32>
    %broadcast_in_dim3A_265 = vector.shape_cast %reduce_min3A_264 : vector<256xi32> to vector<256x1xi32>
    %eq3A_266 = vector.broadcast %broadcast_in_dim3A_265 : vector<256x1xi32> to vector<256x2048xi32>
    %eq3A_267 = arith.cmpi eq, %iota3A, %eq3A_266 : vector<256x2048xi32>
    %convert_element_type3A_268 = arith.extui %eq3A_267 : vector<256x2048xi1> to vector<256x2048xi32>
    %convert_element_type3A_269 = arith.sitofp %convert_element_type3A_268 : vector<256x2048xi32> to vector<256x2048xf32>
    %max3A_270 = arith.maximumf %max3A_251, %convert_element_type3A_269 : vector<256x2048xf32>
    %jit3A_271 = arith.constant 0x7F800000 : f32
    %broadcast_in_dim3A_272 = vector.broadcast %jit3A_271 : f32 to vector<256x2048xf32>
    %select_n3A_273 = arith.select %eq3A_267, %broadcast_in_dim3A_272, %select_n3A_254 : vector<256x2048xi1>, vector<256x2048xf32>
    %reduce_min3A_274 = arith.constant dense<0x7F800000> : vector<256xf32>
    %reduce_min3A_275 = vector.multi_reduction <minimumf>, %select_n3A_273, %reduce_min3A_274 [1] : vector<256x2048xf32> to vector<256xf32>
    %broadcast_in_dim3A_276 = vector.shape_cast %reduce_min3A_275 : vector<256xf32> to vector<256x1xf32>
    %eq3A_277 = vector.broadcast %broadcast_in_dim3A_276 : vector<256x1xf32> to vector<256x2048xf32>
    %eq3A_278 = arith.cmpf oeq, %select_n3A_273, %eq3A_277 : vector<256x2048xf32>
    %jit3A_279 = arith.constant 2048 : i32
    %broadcast_in_dim3A_280 = vector.broadcast %jit3A_279 : i32 to vector<256x2048xi32>
    %select_n3A_281 = arith.select %eq3A_278, %iota3A, %broadcast_in_dim3A_280 : vector<256x2048xi1>, vector<256x2048xi32>
    %reduce_min3A_282 = arith.constant dense<2147483647> : vector<256xi32>
    %reduce_min3A_283 = vector.multi_reduction <minsi>, %select_n3A_281, %reduce_min3A_282 [1] : vector<256x2048xi32> to vector<256xi32>
    %broadcast_in_dim3A_284 = vector.shape_cast %reduce_min3A_283 : vector<256xi32> to vector<256x1xi32>
    %eq3A_285 = vector.broadcast %broadcast_in_dim3A_284 : vector<256x1xi32> to vector<256x2048xi32>
    %eq3A_286 = arith.cmpi eq, %iota3A, %eq3A_285 : vector<256x2048xi32>
    %convert_element_type3A_287 = arith.extui %eq3A_286 : vector<256x2048xi1> to vector<256x2048xi32>
    %convert_element_type3A_288 = arith.sitofp %convert_element_type3A_287 : vector<256x2048xi32> to vector<256x2048xf32>
    %max3A_289 = arith.maximumf %max3A_270, %convert_element_type3A_288 : vector<256x2048xf32>
    %jit3A_290 = arith.constant 0x7F800000 : f32
    %broadcast_in_dim3A_291 = vector.broadcast %jit3A_290 : f32 to vector<256x2048xf32>
    %select_n3A_292 = arith.select %eq3A_286, %broadcast_in_dim3A_291, %select_n3A_273 : vector<256x2048xi1>, vector<256x2048xf32>
    %reduce_min3A_293 = arith.constant dense<0x7F800000> : vector<256xf32>
    %reduce_min3A_294 = vector.multi_reduction <minimumf>, %select_n3A_292, %reduce_min3A_293 [1] : vector<256x2048xf32> to vector<256xf32>
    %broadcast_in_dim3A_295 = vector.shape_cast %reduce_min3A_294 : vector<256xf32> to vector<256x1xf32>
    %eq3A_296 = vector.broadcast %broadcast_in_dim3A_295 : vector<256x1xf32> to vector<256x2048xf32>
    %eq3A_297 = arith.cmpf oeq, %select_n3A_292, %eq3A_296 : vector<256x2048xf32>
    %jit3A_298 = arith.constant 2048 : i32
    %broadcast_in_dim3A_299 = vector.broadcast %jit3A_298 : i32 to vector<256x2048xi32>
    %select_n3A_300 = arith.select %eq3A_297, %iota3A, %broadcast_in_dim3A_299 : vector<256x2048xi1>, vector<256x2048xi32>
    %reduce_min3A_301 = arith.constant dense<2147483647> : vector<256xi32>
    %reduce_min3A_302 = vector.multi_reduction <minsi>, %select_n3A_300, %reduce_min3A_301 [1] : vector<256x2048xi32> to vector<256xi32>
    %broadcast_in_dim3A_303 = vector.shape_cast %reduce_min3A_302 : vector<256xi32> to vector<256x1xi32>
    %eq3A_304 = vector.broadcast %broadcast_in_dim3A_303 : vector<256x1xi32> to vector<256x2048xi32>
    %eq3A_305 = arith.cmpi eq, %iota3A, %eq3A_304 : vector<256x2048xi32>
    %convert_element_type3A_306 = arith.extui %eq3A_305 : vector<256x2048xi1> to vector<256x2048xi32>
    %convert_element_type3A_307 = arith.sitofp %convert_element_type3A_306 : vector<256x2048xi32> to vector<256x2048xf32>
    %max3A_308 = arith.maximumf %max3A_289, %convert_element_type3A_307 : vector<256x2048xf32>
    %jit3A_309 = arith.constant 0x7F800000 : f32
    %broadcast_in_dim3A_310 = vector.broadcast %jit3A_309 : f32 to vector<256x2048xf32>
    %select_n3A_311 = arith.select %eq3A_305, %broadcast_in_dim3A_310, %select_n3A_292 : vector<256x2048xi1>, vector<256x2048xf32>
    %reduce_min3A_312 = arith.constant dense<0x7F800000> : vector<256xf32>
    %reduce_min3A_313 = vector.multi_reduction <minimumf>, %select_n3A_311, %reduce_min3A_312 [1] : vector<256x2048xf32> to vector<256xf32>
    %broadcast_in_dim3A_314 = vector.shape_cast %reduce_min3A_313 : vector<256xf32> to vector<256x1xf32>
    %eq3A_315 = vector.broadcast %broadcast_in_dim3A_314 : vector<256x1xf32> to vector<256x2048xf32>
    %eq3A_316 = arith.cmpf oeq, %select_n3A_311, %eq3A_315 : vector<256x2048xf32>
    %jit3A_317 = arith.constant 2048 : i32
    %broadcast_in_dim3A_318 = vector.broadcast %jit3A_317 : i32 to vector<256x2048xi32>
    %select_n3A_319 = arith.select %eq3A_316, %iota3A, %broadcast_in_dim3A_318 : vector<256x2048xi1>, vector<256x2048xi32>
    %reduce_min3A_320 = arith.constant dense<2147483647> : vector<256xi32>
    %reduce_min3A_321 = vector.multi_reduction <minsi>, %select_n3A_319, %reduce_min3A_320 [1] : vector<256x2048xi32> to vector<256xi32>
    %broadcast_in_dim3A_322 = vector.shape_cast %reduce_min3A_321 : vector<256xi32> to vector<256x1xi32>
    %eq3A_323 = vector.broadcast %broadcast_in_dim3A_322 : vector<256x1xi32> to vector<256x2048xi32>
    %eq3A_324 = arith.cmpi eq, %iota3A, %eq3A_323 : vector<256x2048xi32>
    %convert_element_type3A_325 = arith.extui %eq3A_324 : vector<256x2048xi1> to vector<256x2048xi32>
    %convert_element_type3A_326 = arith.sitofp %convert_element_type3A_325 : vector<256x2048xi32> to vector<256x2048xf32>
    %max3A_327 = arith.maximumf %max3A_308, %convert_element_type3A_326 : vector<256x2048xf32>
    %jit3A_328 = arith.constant 0x7F800000 : f32
    %broadcast_in_dim3A_329 = vector.broadcast %jit3A_328 : f32 to vector<256x2048xf32>
    %select_n3A_330 = arith.select %eq3A_324, %broadcast_in_dim3A_329, %select_n3A_311 : vector<256x2048xi1>, vector<256x2048xf32>
    %reduce_min3A_331 = arith.constant dense<0x7F800000> : vector<256xf32>
    %reduce_min3A_332 = vector.multi_reduction <minimumf>, %select_n3A_330, %reduce_min3A_331 [1] : vector<256x2048xf32> to vector<256xf32>
    %broadcast_in_dim3A_333 = vector.shape_cast %reduce_min3A_332 : vector<256xf32> to vector<256x1xf32>
    %eq3A_334 = vector.broadcast %broadcast_in_dim3A_333 : vector<256x1xf32> to vector<256x2048xf32>
    %eq3A_335 = arith.cmpf oeq, %select_n3A_330, %eq3A_334 : vector<256x2048xf32>
    %jit3A_336 = arith.constant 2048 : i32
    %broadcast_in_dim3A_337 = vector.broadcast %jit3A_336 : i32 to vector<256x2048xi32>
    %select_n3A_338 = arith.select %eq3A_335, %iota3A, %broadcast_in_dim3A_337 : vector<256x2048xi1>, vector<256x2048xi32>
    %reduce_min3A_339 = arith.constant dense<2147483647> : vector<256xi32>
    %reduce_min3A_340 = vector.multi_reduction <minsi>, %select_n3A_338, %reduce_min3A_339 [1] : vector<256x2048xi32> to vector<256xi32>
    %broadcast_in_dim3A_341 = vector.shape_cast %reduce_min3A_340 : vector<256xi32> to vector<256x1xi32>
    %eq3A_342 = vector.broadcast %broadcast_in_dim3A_341 : vector<256x1xi32> to vector<256x2048xi32>
    %eq3A_343 = arith.cmpi eq, %iota3A, %eq3A_342 : vector<256x2048xi32>
    %convert_element_type3A_344 = arith.extui %eq3A_343 : vector<256x2048xi1> to vector<256x2048xi32>
    %convert_element_type3A_345 = arith.sitofp %convert_element_type3A_344 : vector<256x2048xi32> to vector<256x2048xf32>
    %max3A_346 = arith.maximumf %max3A_327, %convert_element_type3A_345 : vector<256x2048xf32>
    %mul3A_347 = arith.constant 6.250000e-02 : f32
    %mul3A_348 = vector.broadcast %mul3A_347 : f32 to vector<256x2048xf32>
    %mul3A_349 = arith.mulf %max3A_346, %mul3A_348 : vector<256x2048xf32>
    %convert_element_type3A_350 = arith.truncf %mul3A_349 : vector<256x2048xf32> to vector<256x2048xbf16>
    %swap3A = arith.constant 0 : index
    %swap3A_351 = arith.constant 0 : index
    %swap3A_352 = arith.constant 0 : index
    %swap3A_353 = vector.load %arg9[%swap3A, %swap3A_351, %swap3A_352] : memref<1x256x2048xbf16, #tpu.memory_space<vmem>>, vector<1x256x2048xbf16>
    %swap3A_354 = vector.shape_cast %swap3A_353 : vector<1x256x2048xbf16> to vector<256x2048xbf16>
    %swap3A_355 = vector.shape_cast %convert_element_type3A_350 : vector<256x2048xbf16> to vector<1x256x2048xbf16>
    tpu.vector_store %arg9[%swap3A, %swap3A_351, %swap3A_352], %swap3A_355 {strides = array<i32>} : memref<1x256x2048xbf16, #tpu.memory_space<vmem>>, vector<1x256x2048xbf16>,
    %get3A_356 = arith.constant 0 : index
    %get3A_357 = arith.constant 0 : index
    %get3A_358 = arith.constant 0 : index
    %get3A_359 = vector.load %arg5[%get3A_356, %get3A_357, %get3A_358] : memref<1x2048x68xf32, #tpu.memory_space<vmem>>, vector<1x2048x68xf32>
    %get3A_360 = vector.shape_cast %get3A_359 : vector<1x2048x68xf32> to vector<2048x68xf32>
    %dot_general3A = arith.constant dense<0.000000e+00> : vector<256x68xf32>
    %dot_general3A_361 = tpu.matmul %mul3A_349, %get3A_360, %dot_general3A {dimension_numbers = #tpu.dot_dimension_numbers<[1], [0], [0], [1], [0, 0, 1, 1], [], []>, transpose_lhs_hint = false} : vector<256x2048xf32>, vector<2048x68xf32>, vector<256x68xf32> -> vector<256x68xf32>
    %slice3A_362 = vector.extract_strided_slice %dot_general3A_361 {offsets = [0, 0], sizes = [256, 64], strides = [1, 1]} : vector<256x68xf32> to vector<256x64xf32>
    %slice3A_363 = vector.extract_strided_slice %dot_general3A_361 {offsets = [0, 64], sizes = [256, 3], strides = [1, 1]} : vector<256x68xf32> to vector<256x3xf32>
    %slice3A_364 = vector.extract_strided_slice %dot_general3A_361 {offsets = [0, 67], sizes = [256, 1], strides = [1, 1]} : vector<256x68xf32> to vector<256x1xf32>
    %sub3A_365 = arith.subf %slice3A_5, %slice3A_363 : vector<256x3xf32>
    %mul3A_366 = arith.mulf %slice3A_5, %slice3A_363 : vector<256x3xf32>
    %reduce_sum3A = arith.constant dense<0.000000e+00> : vector<256xf32>
    %reduce_sum3A_367 = vector.multi_reduction <add>, %mul3A_366, %reduce_sum3A [1] : vector<256x3xf32> to vector<256xf32>
    %broadcast_in_dim3A_368 = vector.shape_cast %reduce_sum3A_367 : vector<256xf32> to vector<256x1xf32>
    %mul3A_369 = arith.constant 2.000000e+00 : f32
    %mul3A_370 = vector.broadcast %mul3A_369 : f32 to vector<256x1xf32>
    %mul3A_371 = arith.mulf %mul3A_370, %broadcast_in_dim3A_368 : vector<256x1xf32>
    %sub3A_372 = arith.subf %slice3A_6, %mul3A_371 : vector<256x1xf32>
    %add3A_373 = arith.addf %sub3A_372, %slice3A_364 : vector<256x1xf32>
    %concatenate3A = tpu.concatenate %slice3A_362, %sub3A_365, %add3A_373 in 1 : vector<256x64xf32>, vector<256x3xf32>, vector<256x1xf32> -> vector<256x68xf32>
    %get3A_374 = arith.constant 0 : index
    %get3A_375 = arith.constant 0 : index
    %get3A_376 = vector.load %arg6[%get3A_374, %get3A_375] : memref<64x128xf32, #tpu.memory_space<vmem>>, vector<64x128xf32>
    %dot_general3A_377 = arith.constant dense<0.000000e+00> : vector<256x128xf32>
    %dot_general3A_378 = tpu.matmul %slice3A, %get3A_376, %dot_general3A_377 {dimension_numbers = #tpu.dot_dimension_numbers<[1], [0], [0], [1], [0, 0, 1, 1], [], []>, transpose_lhs_hint = false} : vector<256x64xf32>, vector<64x128xf32>, vector<256x128xf32> -> vector<256x128xf32>
    %get3A_379 = arith.constant 0 : index
    %get3A_380 = arith.constant 0 : index
    %get3A_381 = vector.load %arg7[%get3A_379, %get3A_380] : memref<68x128xf32, #tpu.memory_space<vmem>>, vector<68x128xf32>
    %dot_general3A_382 = arith.constant dense<0.000000e+00> : vector<256x128xf32>
    %dot_general3A_383 = tpu.matmul %concatenate3A, %get3A_381, %dot_general3A_382 {dimension_numbers = #tpu.dot_dimension_numbers<[1], [0], [0], [1], [0, 0, 1, 1], [], []>, transpose_lhs_hint = false} : vector<256x68xf32>, vector<68x128xf32>, vector<256x128xf32> -> vector<256x128xf32>
    %add3A_384 = arith.addf %dot_general3A_378, %dot_general3A_383 : vector<256x128xf32>
    %ge3A = arith.constant 0.000000e+00 : f32
    %ge3A_385 = vector.broadcast %ge3A : f32 to vector<256x128xf32>
    %ge3A_386 = arith.cmpf oge, %add3A_384, %ge3A_385 : vector<256x128xf32>
    %mul3A_387 = arith.constant 2.000000e-01 : f32
    %mul3A_388 = vector.broadcast %mul3A_387 : f32 to vector<256x128xf32>
    %mul3A_389 = arith.mulf %mul3A_388, %add3A_384 : vector<256x128xf32>
    %select_n3A_390 = arith.select %ge3A_386, %add3A_384, %mul3A_389 : vector<256x128xi1>, vector<256x128xf32>
    %swap3A_391 = arith.constant 0 : index
    %swap3A_392 = arith.constant 0 : index
    %swap3A_393 = arith.constant 0 : index
    %swap3A_394 = vector.load %arg8[%swap3A_391, %swap3A_392, %swap3A_393] : memref<1x256x128xf32, #tpu.memory_space<vmem>>, vector<1x256x128xf32>
    %swap3A_395 = vector.shape_cast %swap3A_394 : vector<1x256x128xf32> to vector<256x128xf32>
    %swap3A_396 = vector.shape_cast %select_n3A_390 : vector<256x128xf32> to vector<1x256x128xf32>
    tpu.vector_store %arg8[%swap3A_391, %swap3A_392, %swap3A_393], %swap3A_396 {strides = array<i32>} : memref<1x256x128xf32, #tpu.memory_space<vmem>>, vector<1x256x128xf32>,
    return
  }
  func.func @transform_0(%arg0: i32, %arg1: i32) -> (i32, i32, i32) {
    %c0_i32 = arith.constant 0 : i32
    %c0_i32_0 = arith.constant 0 : i32
    return %arg0, %arg1, %c0_i32 : i32, i32, i32
  }
  func.func @transform_1(%arg0: i32, %arg1: i32) -> (i32, i32, i32) {
    %c0_i32 = arith.constant 0 : i32
    %c0_i32_0 = arith.constant 0 : i32
    %c0_i32_1 = arith.constant 0 : i32
    return %arg0, %c0_i32, %c0_i32_0 : i32, i32, i32
  }
  func.func @transform_2(%arg0: i32, %arg1: i32) -> (i32, i32, i32) {
    %c0_i32 = arith.constant 0 : i32
    %c0_i32_0 = arith.constant 0 : i32
    %c0_i32_1 = arith.constant 0 : i32
    return %arg0, %c0_i32, %c0_i32_0 : i32, i32, i32
  }
  func.func @transform_3(%arg0: i32, %arg1: i32) -> (i32, i32, i32) {
    %c0_i32 = arith.constant 0 : i32
    %c0_i32_0 = arith.constant 0 : i32
    %c0_i32_1 = arith.constant 0 : i32
    return %arg0, %c0_i32, %c0_i32_0 : i32, i32, i32
  }
  func.func @transform_4(%arg0: i32, %arg1: i32) -> (i32, i32) {
    %c0_i32 = arith.constant 0 : i32
    %c0_i32_0 = arith.constant 0 : i32
    %c0_i32_1 = arith.constant 0 : i32
    return %c0_i32, %c0_i32_0 : i32, i32
  }
  func.func @transform_5(%arg0: i32, %arg1: i32) -> (i32, i32) {
    %c0_i32 = arith.constant 0 : i32
    %c0_i32_0 = arith.constant 0 : i32
    %c0_i32_1 = arith.constant 0 : i32
    return %c0_i32, %c0_i32_0 : i32, i32
  }
  func.func @transform_6(%arg0: i32, %arg1: i32) -> (i32, i32, i32) {
    %c0_i32 = arith.constant 0 : i32
    %c0_i32_0 = arith.constant 0 : i32
    return %arg0, %arg1, %c0_i32 : i32, i32, i32
  }
  func.func @transform_7(%arg0: i32, %arg1: i32) -> (i32, i32, i32) {
    %c0_i32 = arith.constant 0 : i32
    %c0_i32_0 = arith.constant 0 : i32
    return %arg0, %arg1, %c0_i32 : i32, i32, i32
  }
}

module attributes {stable_mosaic.version = 14 : i64} {
  func.func @_conv_body(%arg0: i32, %arg1: i32, %arg2: memref<1x256x8xf32, #tpu.memory_space<vmem>>, %arg3: memref<1x8x1024xf32, #tpu.memory_space<vmem>>, %arg4: memref<1x1x1024xf32, #tpu.memory_space<vmem>>, %arg5: memref<1x1024x132xf32, #tpu.memory_space<vmem>>, %arg6: memref<128x256xf32, #tpu.memory_space<vmem>>, %arg7: memref<132x256xf32, #tpu.memory_space<vmem>>, %arg8: memref<1x256x256xf32, #tpu.memory_space<vmem>>) attributes {dimension_semantics = [#tpu.dimension_semantics<arbitrary>, #tpu.dimension_semantics<arbitrary>], iteration_bounds = array<i64: 2, 4>, scalar_prefetch = 0 : i64, scratch_operands = 0 : i64, tpu.core_type = #tpu.core_type<tc>, window_params = [{transform_indices = @transform_0, window_bounds = array<i64: 1, 256, 8>}, {transform_indices = @transform_1, window_bounds = array<i64: 1, 8, 1024>}, {transform_indices = @transform_2, window_bounds = array<i64: 1, 1, 1024>}, {transform_indices = @transform_3, window_bounds = array<i64: 1, 1024, 132>}, {pipeline_mode = #tpu.pipeline_mode<synchronous>, transform_indices = @transform_4, window_bounds = array<i64: 128, 256>}, {pipeline_mode = #tpu.pipeline_mode<synchronous>, transform_indices = @transform_5, window_bounds = array<i64: 132, 256>}, {transform_indices = @transform_6, window_bounds = array<i64: 1, 256, 256>}]} {
    %mul3A = arith.constant 256 : i32
    %mul3A_0 = arith.muli %arg1, %mul3A : i32
    %get3A = arith.constant 0 : index
    %get3A_1 = arith.index_cast %mul3A_0 : i32 to index
    %get3A_2 = arith.constant 0 : index
    %get3A_3 = vector.load %arg5[%get3A, %get3A_1, %get3A_2] : memref<1x1024x132xf32, #tpu.memory_space<vmem>>, vector<1x256x132xf32>
    %get3A_4 = vector.shape_cast %get3A_3 : vector<1x256x132xf32> to vector<256x132xf32>
    %slice3A = vector.extract_strided_slice %get3A_4 {offsets = [0, 0], sizes = [256, 128], strides = [1, 1]} : vector<256x132xf32> to vector<256x128xf32>
    %slice3A_5 = vector.extract_strided_slice %get3A_4 {offsets = [0, 128], sizes = [256, 3], strides = [1, 1]} : vector<256x132xf32> to vector<256x3xf32>
    %slice3A_6 = vector.extract_strided_slice %get3A_4 {offsets = [0, 131], sizes = [256, 1], strides = [1, 1]} : vector<256x132xf32> to vector<256x1xf32>
    %get3A_7 = arith.constant 0 : index
    %get3A_8 = arith.constant 0 : index
    %get3A_9 = arith.constant 0 : index
    %get3A_10 = vector.load %arg2[%get3A_7, %get3A_8, %get3A_9] : memref<1x256x8xf32, #tpu.memory_space<vmem>>, vector<1x256x8xf32>
    %get3A_11 = vector.shape_cast %get3A_10 : vector<1x256x8xf32> to vector<256x8xf32>
    %get3A_12 = arith.constant 0 : index
    %get3A_13 = arith.constant 0 : index
    %get3A_14 = arith.constant 0 : index
    %get3A_15 = vector.load %arg3[%get3A_12, %get3A_13, %get3A_14] : memref<1x8x1024xf32, #tpu.memory_space<vmem>>, vector<1x8x1024xf32>
    %get3A_16 = vector.shape_cast %get3A_15 : vector<1x8x1024xf32> to vector<8x1024xf32>
    %convert_element_type3A = arith.truncf %get3A_11 : vector<256x8xf32> to vector<256x8xbf16>
    %convert_element_type3A_17 = arith.extf %convert_element_type3A : vector<256x8xbf16> to vector<256x8xf32>
    %convert_element_type3A_18 = arith.truncf %get3A_16 : vector<8x1024xf32> to vector<8x1024xbf16>
    %convert_element_type3A_19 = arith.extf %convert_element_type3A_18 : vector<8x1024xbf16> to vector<8x1024xf32>
    %slice3A_20 = vector.extract_strided_slice %convert_element_type3A_17 {offsets = [0, 0], sizes = [256, 1], strides = [1, 1]} : vector<256x8xf32> to vector<256x1xf32>
    %slice3A_21 = vector.extract_strided_slice %convert_element_type3A_19 {offsets = [0, 0], sizes = [1, 1024], strides = [1, 1]} : vector<8x1024xf32> to vector<1x1024xf32>
    %mul3A_22 = vector.broadcast %slice3A_20 : vector<256x1xf32> to vector<256x1024xf32>
    %mul3A_23 = vector.broadcast %slice3A_21 : vector<1x1024xf32> to vector<256x1024xf32>
    %mul3A_24 = arith.mulf %mul3A_22, %mul3A_23 : vector<256x1024xf32>
    %slice3A_25 = vector.extract_strided_slice %convert_element_type3A_17 {offsets = [0, 1], sizes = [256, 1], strides = [1, 1]} : vector<256x8xf32> to vector<256x1xf32>
    %slice3A_26 = vector.extract_strided_slice %convert_element_type3A_19 {offsets = [1, 0], sizes = [1, 1024], strides = [1, 1]} : vector<8x1024xf32> to vector<1x1024xf32>
    %mul3A_27 = vector.broadcast %slice3A_25 : vector<256x1xf32> to vector<256x1024xf32>
    %mul3A_28 = vector.broadcast %slice3A_26 : vector<1x1024xf32> to vector<256x1024xf32>
    %mul3A_29 = arith.mulf %mul3A_27, %mul3A_28 : vector<256x1024xf32>
    %add3A = arith.addf %mul3A_24, %mul3A_29 : vector<256x1024xf32>
    %slice3A_30 = vector.extract_strided_slice %convert_element_type3A_17 {offsets = [0, 2], sizes = [256, 1], strides = [1, 1]} : vector<256x8xf32> to vector<256x1xf32>
    %slice3A_31 = vector.extract_strided_slice %convert_element_type3A_19 {offsets = [2, 0], sizes = [1, 1024], strides = [1, 1]} : vector<8x1024xf32> to vector<1x1024xf32>
    %mul3A_32 = vector.broadcast %slice3A_30 : vector<256x1xf32> to vector<256x1024xf32>
    %mul3A_33 = vector.broadcast %slice3A_31 : vector<1x1024xf32> to vector<256x1024xf32>
    %mul3A_34 = arith.mulf %mul3A_32, %mul3A_33 : vector<256x1024xf32>
    %add3A_35 = arith.addf %add3A, %mul3A_34 : vector<256x1024xf32>
    %get3A_36 = arith.constant 0 : index
    %get3A_37 = arith.constant 0 : index
    %get3A_38 = arith.constant 0 : index
    %get3A_39 = vector.load %arg4[%get3A_36, %get3A_37, %get3A_38] : memref<1x1x1024xf32, #tpu.memory_space<vmem>>, vector<1x1x1024xf32>
    %get3A_40 = vector.shape_cast %get3A_39 : vector<1x1x1024xf32> to vector<1x1024xf32>
    %add3A_41 = vector.broadcast %slice3A_6 : vector<256x1xf32> to vector<256x1024xf32>
    %add3A_42 = vector.broadcast %get3A_40 : vector<1x1024xf32> to vector<256x1024xf32>
    %add3A_43 = arith.addf %add3A_41, %add3A_42 : vector<256x1024xf32>
    %mul3A_44 = arith.constant 2.000000e+00 : f32
    %mul3A_45 = vector.broadcast %mul3A_44 : f32 to vector<256x1024xf32>
    %mul3A_46 = arith.mulf %mul3A_45, %add3A_35 : vector<256x1024xf32>
    %sub3A = arith.subf %add3A_43, %mul3A_46 : vector<256x1024xf32>
    %max3A = arith.constant 0.000000e+00 : f32
    %max3A_47 = vector.broadcast %max3A : f32 to vector<256x1024xf32>
    %max3A_48 = arith.maximumf %sub3A, %max3A_47 : vector<256x1024xf32>
    %iota3A = tpu.iota {dimensions = array<i32: 1>} : vector<256x1024xi32>
    %broadcast_in_dim3A = arith.constant 0.000000e+00 : f32
    %broadcast_in_dim3A_49 = vector.broadcast %broadcast_in_dim3A : f32 to vector<256x1024xf32>
    %reduce_min3A = arith.constant dense<0x7F800000> : vector<256xf32>
    %reduce_min3A_50 = vector.multi_reduction <minimumf>, %max3A_48, %reduce_min3A [1] : vector<256x1024xf32> to vector<256xf32>
    %broadcast_in_dim3A_51 = vector.shape_cast %reduce_min3A_50 : vector<256xf32> to vector<256x1xf32>
    %eq3A = vector.broadcast %broadcast_in_dim3A_51 : vector<256x1xf32> to vector<256x1024xf32>
    %eq3A_52 = arith.cmpf oeq, %max3A_48, %eq3A : vector<256x1024xf32>
    %jit3A = arith.constant 1024 : i32
    %broadcast_in_dim3A_53 = vector.broadcast %jit3A : i32 to vector<256x1024xi32>
    %select_n3A = arith.select %eq3A_52, %iota3A, %broadcast_in_dim3A_53 : vector<256x1024xi1>, vector<256x1024xi32>
    %reduce_min3A_54 = arith.constant dense<2147483647> : vector<256xi32>
    %reduce_min3A_55 = vector.multi_reduction <minsi>, %select_n3A, %reduce_min3A_54 [1] : vector<256x1024xi32> to vector<256xi32>
    %broadcast_in_dim3A_56 = vector.shape_cast %reduce_min3A_55 : vector<256xi32> to vector<256x1xi32>
    %eq3A_57 = vector.broadcast %broadcast_in_dim3A_56 : vector<256x1xi32> to vector<256x1024xi32>
    %eq3A_58 = arith.cmpi eq, %iota3A, %eq3A_57 : vector<256x1024xi32>
    %convert_element_type3A_59 = arith.extui %eq3A_58 : vector<256x1024xi1> to vector<256x1024xi32>
    %convert_element_type3A_60 = arith.sitofp %convert_element_type3A_59 : vector<256x1024xi32> to vector<256x1024xf32>
    %max3A_61 = arith.maximumf %broadcast_in_dim3A_49, %convert_element_type3A_60 : vector<256x1024xf32>
    %jit3A_62 = arith.constant 0x7F800000 : f32
    %broadcast_in_dim3A_63 = vector.broadcast %jit3A_62 : f32 to vector<256x1024xf32>
    %select_n3A_64 = arith.select %eq3A_58, %broadcast_in_dim3A_63, %max3A_48 : vector<256x1024xi1>, vector<256x1024xf32>
    %reduce_min3A_65 = arith.constant dense<0x7F800000> : vector<256xf32>
    %reduce_min3A_66 = vector.multi_reduction <minimumf>, %select_n3A_64, %reduce_min3A_65 [1] : vector<256x1024xf32> to vector<256xf32>
    %broadcast_in_dim3A_67 = vector.shape_cast %reduce_min3A_66 : vector<256xf32> to vector<256x1xf32>
    %eq3A_68 = vector.broadcast %broadcast_in_dim3A_67 : vector<256x1xf32> to vector<256x1024xf32>
    %eq3A_69 = arith.cmpf oeq, %select_n3A_64, %eq3A_68 : vector<256x1024xf32>
    %jit3A_70 = arith.constant 1024 : i32
    %broadcast_in_dim3A_71 = vector.broadcast %jit3A_70 : i32 to vector<256x1024xi32>
    %select_n3A_72 = arith.select %eq3A_69, %iota3A, %broadcast_in_dim3A_71 : vector<256x1024xi1>, vector<256x1024xi32>
    %reduce_min3A_73 = arith.constant dense<2147483647> : vector<256xi32>
    %reduce_min3A_74 = vector.multi_reduction <minsi>, %select_n3A_72, %reduce_min3A_73 [1] : vector<256x1024xi32> to vector<256xi32>
    %broadcast_in_dim3A_75 = vector.shape_cast %reduce_min3A_74 : vector<256xi32> to vector<256x1xi32>
    %eq3A_76 = vector.broadcast %broadcast_in_dim3A_75 : vector<256x1xi32> to vector<256x1024xi32>
    %eq3A_77 = arith.cmpi eq, %iota3A, %eq3A_76 : vector<256x1024xi32>
    %convert_element_type3A_78 = arith.extui %eq3A_77 : vector<256x1024xi1> to vector<256x1024xi32>
    %convert_element_type3A_79 = arith.sitofp %convert_element_type3A_78 : vector<256x1024xi32> to vector<256x1024xf32>
    %max3A_80 = arith.maximumf %max3A_61, %convert_element_type3A_79 : vector<256x1024xf32>
    %jit3A_81 = arith.constant 0x7F800000 : f32
    %broadcast_in_dim3A_82 = vector.broadcast %jit3A_81 : f32 to vector<256x1024xf32>
    %select_n3A_83 = arith.select %eq3A_77, %broadcast_in_dim3A_82, %select_n3A_64 : vector<256x1024xi1>, vector<256x1024xf32>
    %reduce_min3A_84 = arith.constant dense<0x7F800000> : vector<256xf32>
    %reduce_min3A_85 = vector.multi_reduction <minimumf>, %select_n3A_83, %reduce_min3A_84 [1] : vector<256x1024xf32> to vector<256xf32>
    %broadcast_in_dim3A_86 = vector.shape_cast %reduce_min3A_85 : vector<256xf32> to vector<256x1xf32>
    %eq3A_87 = vector.broadcast %broadcast_in_dim3A_86 : vector<256x1xf32> to vector<256x1024xf32>
    %eq3A_88 = arith.cmpf oeq, %select_n3A_83, %eq3A_87 : vector<256x1024xf32>
    %jit3A_89 = arith.constant 1024 : i32
    %broadcast_in_dim3A_90 = vector.broadcast %jit3A_89 : i32 to vector<256x1024xi32>
    %select_n3A_91 = arith.select %eq3A_88, %iota3A, %broadcast_in_dim3A_90 : vector<256x1024xi1>, vector<256x1024xi32>
    %reduce_min3A_92 = arith.constant dense<2147483647> : vector<256xi32>
    %reduce_min3A_93 = vector.multi_reduction <minsi>, %select_n3A_91, %reduce_min3A_92 [1] : vector<256x1024xi32> to vector<256xi32>
    %broadcast_in_dim3A_94 = vector.shape_cast %reduce_min3A_93 : vector<256xi32> to vector<256x1xi32>
    %eq3A_95 = vector.broadcast %broadcast_in_dim3A_94 : vector<256x1xi32> to vector<256x1024xi32>
    %eq3A_96 = arith.cmpi eq, %iota3A, %eq3A_95 : vector<256x1024xi32>
    %convert_element_type3A_97 = arith.extui %eq3A_96 : vector<256x1024xi1> to vector<256x1024xi32>
    %convert_element_type3A_98 = arith.sitofp %convert_element_type3A_97 : vector<256x1024xi32> to vector<256x1024xf32>
    %max3A_99 = arith.maximumf %max3A_80, %convert_element_type3A_98 : vector<256x1024xf32>
    %jit3A_100 = arith.constant 0x7F800000 : f32
    %broadcast_in_dim3A_101 = vector.broadcast %jit3A_100 : f32 to vector<256x1024xf32>
    %select_n3A_102 = arith.select %eq3A_96, %broadcast_in_dim3A_101, %select_n3A_83 : vector<256x1024xi1>, vector<256x1024xf32>
    %reduce_min3A_103 = arith.constant dense<0x7F800000> : vector<256xf32>
    %reduce_min3A_104 = vector.multi_reduction <minimumf>, %select_n3A_102, %reduce_min3A_103 [1] : vector<256x1024xf32> to vector<256xf32>
    %broadcast_in_dim3A_105 = vector.shape_cast %reduce_min3A_104 : vector<256xf32> to vector<256x1xf32>
    %eq3A_106 = vector.broadcast %broadcast_in_dim3A_105 : vector<256x1xf32> to vector<256x1024xf32>
    %eq3A_107 = arith.cmpf oeq, %select_n3A_102, %eq3A_106 : vector<256x1024xf32>
    %jit3A_108 = arith.constant 1024 : i32
    %broadcast_in_dim3A_109 = vector.broadcast %jit3A_108 : i32 to vector<256x1024xi32>
    %select_n3A_110 = arith.select %eq3A_107, %iota3A, %broadcast_in_dim3A_109 : vector<256x1024xi1>, vector<256x1024xi32>
    %reduce_min3A_111 = arith.constant dense<2147483647> : vector<256xi32>
    %reduce_min3A_112 = vector.multi_reduction <minsi>, %select_n3A_110, %reduce_min3A_111 [1] : vector<256x1024xi32> to vector<256xi32>
    %broadcast_in_dim3A_113 = vector.shape_cast %reduce_min3A_112 : vector<256xi32> to vector<256x1xi32>
    %eq3A_114 = vector.broadcast %broadcast_in_dim3A_113 : vector<256x1xi32> to vector<256x1024xi32>
    %eq3A_115 = arith.cmpi eq, %iota3A, %eq3A_114 : vector<256x1024xi32>
    %convert_element_type3A_116 = arith.extui %eq3A_115 : vector<256x1024xi1> to vector<256x1024xi32>
    %convert_element_type3A_117 = arith.sitofp %convert_element_type3A_116 : vector<256x1024xi32> to vector<256x1024xf32>
    %max3A_118 = arith.maximumf %max3A_99, %convert_element_type3A_117 : vector<256x1024xf32>
    %jit3A_119 = arith.constant 0x7F800000 : f32
    %broadcast_in_dim3A_120 = vector.broadcast %jit3A_119 : f32 to vector<256x1024xf32>
    %select_n3A_121 = arith.select %eq3A_115, %broadcast_in_dim3A_120, %select_n3A_102 : vector<256x1024xi1>, vector<256x1024xf32>
    %reduce_min3A_122 = arith.constant dense<0x7F800000> : vector<256xf32>
    %reduce_min3A_123 = vector.multi_reduction <minimumf>, %select_n3A_121, %reduce_min3A_122 [1] : vector<256x1024xf32> to vector<256xf32>
    %broadcast_in_dim3A_124 = vector.shape_cast %reduce_min3A_123 : vector<256xf32> to vector<256x1xf32>
    %eq3A_125 = vector.broadcast %broadcast_in_dim3A_124 : vector<256x1xf32> to vector<256x1024xf32>
    %eq3A_126 = arith.cmpf oeq, %select_n3A_121, %eq3A_125 : vector<256x1024xf32>
    %jit3A_127 = arith.constant 1024 : i32
    %broadcast_in_dim3A_128 = vector.broadcast %jit3A_127 : i32 to vector<256x1024xi32>
    %select_n3A_129 = arith.select %eq3A_126, %iota3A, %broadcast_in_dim3A_128 : vector<256x1024xi1>, vector<256x1024xi32>
    %reduce_min3A_130 = arith.constant dense<2147483647> : vector<256xi32>
    %reduce_min3A_131 = vector.multi_reduction <minsi>, %select_n3A_129, %reduce_min3A_130 [1] : vector<256x1024xi32> to vector<256xi32>
    %broadcast_in_dim3A_132 = vector.shape_cast %reduce_min3A_131 : vector<256xi32> to vector<256x1xi32>
    %eq3A_133 = vector.broadcast %broadcast_in_dim3A_132 : vector<256x1xi32> to vector<256x1024xi32>
    %eq3A_134 = arith.cmpi eq, %iota3A, %eq3A_133 : vector<256x1024xi32>
    %convert_element_type3A_135 = arith.extui %eq3A_134 : vector<256x1024xi1> to vector<256x1024xi32>
    %convert_element_type3A_136 = arith.sitofp %convert_element_type3A_135 : vector<256x1024xi32> to vector<256x1024xf32>
    %max3A_137 = arith.maximumf %max3A_118, %convert_element_type3A_136 : vector<256x1024xf32>
    %jit3A_138 = arith.constant 0x7F800000 : f32
    %broadcast_in_dim3A_139 = vector.broadcast %jit3A_138 : f32 to vector<256x1024xf32>
    %select_n3A_140 = arith.select %eq3A_134, %broadcast_in_dim3A_139, %select_n3A_121 : vector<256x1024xi1>, vector<256x1024xf32>
    %reduce_min3A_141 = arith.constant dense<0x7F800000> : vector<256xf32>
    %reduce_min3A_142 = vector.multi_reduction <minimumf>, %select_n3A_140, %reduce_min3A_141 [1] : vector<256x1024xf32> to vector<256xf32>
    %broadcast_in_dim3A_143 = vector.shape_cast %reduce_min3A_142 : vector<256xf32> to vector<256x1xf32>
    %eq3A_144 = vector.broadcast %broadcast_in_dim3A_143 : vector<256x1xf32> to vector<256x1024xf32>
    %eq3A_145 = arith.cmpf oeq, %select_n3A_140, %eq3A_144 : vector<256x1024xf32>
    %jit3A_146 = arith.constant 1024 : i32
    %broadcast_in_dim3A_147 = vector.broadcast %jit3A_146 : i32 to vector<256x1024xi32>
    %select_n3A_148 = arith.select %eq3A_145, %iota3A, %broadcast_in_dim3A_147 : vector<256x1024xi1>, vector<256x1024xi32>
    %reduce_min3A_149 = arith.constant dense<2147483647> : vector<256xi32>
    %reduce_min3A_150 = vector.multi_reduction <minsi>, %select_n3A_148, %reduce_min3A_149 [1] : vector<256x1024xi32> to vector<256xi32>
    %broadcast_in_dim3A_151 = vector.shape_cast %reduce_min3A_150 : vector<256xi32> to vector<256x1xi32>
    %eq3A_152 = vector.broadcast %broadcast_in_dim3A_151 : vector<256x1xi32> to vector<256x1024xi32>
    %eq3A_153 = arith.cmpi eq, %iota3A, %eq3A_152 : vector<256x1024xi32>
    %convert_element_type3A_154 = arith.extui %eq3A_153 : vector<256x1024xi1> to vector<256x1024xi32>
    %convert_element_type3A_155 = arith.sitofp %convert_element_type3A_154 : vector<256x1024xi32> to vector<256x1024xf32>
    %max3A_156 = arith.maximumf %max3A_137, %convert_element_type3A_155 : vector<256x1024xf32>
    %jit3A_157 = arith.constant 0x7F800000 : f32
    %broadcast_in_dim3A_158 = vector.broadcast %jit3A_157 : f32 to vector<256x1024xf32>
    %select_n3A_159 = arith.select %eq3A_153, %broadcast_in_dim3A_158, %select_n3A_140 : vector<256x1024xi1>, vector<256x1024xf32>
    %reduce_min3A_160 = arith.constant dense<0x7F800000> : vector<256xf32>
    %reduce_min3A_161 = vector.multi_reduction <minimumf>, %select_n3A_159, %reduce_min3A_160 [1] : vector<256x1024xf32> to vector<256xf32>
    %broadcast_in_dim3A_162 = vector.shape_cast %reduce_min3A_161 : vector<256xf32> to vector<256x1xf32>
    %eq3A_163 = vector.broadcast %broadcast_in_dim3A_162 : vector<256x1xf32> to vector<256x1024xf32>
    %eq3A_164 = arith.cmpf oeq, %select_n3A_159, %eq3A_163 : vector<256x1024xf32>
    %jit3A_165 = arith.constant 1024 : i32
    %broadcast_in_dim3A_166 = vector.broadcast %jit3A_165 : i32 to vector<256x1024xi32>
    %select_n3A_167 = arith.select %eq3A_164, %iota3A, %broadcast_in_dim3A_166 : vector<256x1024xi1>, vector<256x1024xi32>
    %reduce_min3A_168 = arith.constant dense<2147483647> : vector<256xi32>
    %reduce_min3A_169 = vector.multi_reduction <minsi>, %select_n3A_167, %reduce_min3A_168 [1] : vector<256x1024xi32> to vector<256xi32>
    %broadcast_in_dim3A_170 = vector.shape_cast %reduce_min3A_169 : vector<256xi32> to vector<256x1xi32>
    %eq3A_171 = vector.broadcast %broadcast_in_dim3A_170 : vector<256x1xi32> to vector<256x1024xi32>
    %eq3A_172 = arith.cmpi eq, %iota3A, %eq3A_171 : vector<256x1024xi32>
    %convert_element_type3A_173 = arith.extui %eq3A_172 : vector<256x1024xi1> to vector<256x1024xi32>
    %convert_element_type3A_174 = arith.sitofp %convert_element_type3A_173 : vector<256x1024xi32> to vector<256x1024xf32>
    %max3A_175 = arith.maximumf %max3A_156, %convert_element_type3A_174 : vector<256x1024xf32>
    %jit3A_176 = arith.constant 0x7F800000 : f32
    %broadcast_in_dim3A_177 = vector.broadcast %jit3A_176 : f32 to vector<256x1024xf32>
    %select_n3A_178 = arith.select %eq3A_172, %broadcast_in_dim3A_177, %select_n3A_159 : vector<256x1024xi1>, vector<256x1024xf32>
    %reduce_min3A_179 = arith.constant dense<0x7F800000> : vector<256xf32>
    %reduce_min3A_180 = vector.multi_reduction <minimumf>, %select_n3A_178, %reduce_min3A_179 [1] : vector<256x1024xf32> to vector<256xf32>
    %broadcast_in_dim3A_181 = vector.shape_cast %reduce_min3A_180 : vector<256xf32> to vector<256x1xf32>
    %eq3A_182 = vector.broadcast %broadcast_in_dim3A_181 : vector<256x1xf32> to vector<256x1024xf32>
    %eq3A_183 = arith.cmpf oeq, %select_n3A_178, %eq3A_182 : vector<256x1024xf32>
    %jit3A_184 = arith.constant 1024 : i32
    %broadcast_in_dim3A_185 = vector.broadcast %jit3A_184 : i32 to vector<256x1024xi32>
    %select_n3A_186 = arith.select %eq3A_183, %iota3A, %broadcast_in_dim3A_185 : vector<256x1024xi1>, vector<256x1024xi32>
    %reduce_min3A_187 = arith.constant dense<2147483647> : vector<256xi32>
    %reduce_min3A_188 = vector.multi_reduction <minsi>, %select_n3A_186, %reduce_min3A_187 [1] : vector<256x1024xi32> to vector<256xi32>
    %broadcast_in_dim3A_189 = vector.shape_cast %reduce_min3A_188 : vector<256xi32> to vector<256x1xi32>
    %eq3A_190 = vector.broadcast %broadcast_in_dim3A_189 : vector<256x1xi32> to vector<256x1024xi32>
    %eq3A_191 = arith.cmpi eq, %iota3A, %eq3A_190 : vector<256x1024xi32>
    %convert_element_type3A_192 = arith.extui %eq3A_191 : vector<256x1024xi1> to vector<256x1024xi32>
    %convert_element_type3A_193 = arith.sitofp %convert_element_type3A_192 : vector<256x1024xi32> to vector<256x1024xf32>
    %max3A_194 = arith.maximumf %max3A_175, %convert_element_type3A_193 : vector<256x1024xf32>
    %jit3A_195 = arith.constant 0x7F800000 : f32
    %broadcast_in_dim3A_196 = vector.broadcast %jit3A_195 : f32 to vector<256x1024xf32>
    %select_n3A_197 = arith.select %eq3A_191, %broadcast_in_dim3A_196, %select_n3A_178 : vector<256x1024xi1>, vector<256x1024xf32>
    %reduce_min3A_198 = arith.constant dense<0x7F800000> : vector<256xf32>
    %reduce_min3A_199 = vector.multi_reduction <minimumf>, %select_n3A_197, %reduce_min3A_198 [1] : vector<256x1024xf32> to vector<256xf32>
    %broadcast_in_dim3A_200 = vector.shape_cast %reduce_min3A_199 : vector<256xf32> to vector<256x1xf32>
    %eq3A_201 = vector.broadcast %broadcast_in_dim3A_200 : vector<256x1xf32> to vector<256x1024xf32>
    %eq3A_202 = arith.cmpf oeq, %select_n3A_197, %eq3A_201 : vector<256x1024xf32>
    %jit3A_203 = arith.constant 1024 : i32
    %broadcast_in_dim3A_204 = vector.broadcast %jit3A_203 : i32 to vector<256x1024xi32>
    %select_n3A_205 = arith.select %eq3A_202, %iota3A, %broadcast_in_dim3A_204 : vector<256x1024xi1>, vector<256x1024xi32>
    %reduce_min3A_206 = arith.constant dense<2147483647> : vector<256xi32>
    %reduce_min3A_207 = vector.multi_reduction <minsi>, %select_n3A_205, %reduce_min3A_206 [1] : vector<256x1024xi32> to vector<256xi32>
    %broadcast_in_dim3A_208 = vector.shape_cast %reduce_min3A_207 : vector<256xi32> to vector<256x1xi32>
    %eq3A_209 = vector.broadcast %broadcast_in_dim3A_208 : vector<256x1xi32> to vector<256x1024xi32>
    %eq3A_210 = arith.cmpi eq, %iota3A, %eq3A_209 : vector<256x1024xi32>
    %convert_element_type3A_211 = arith.extui %eq3A_210 : vector<256x1024xi1> to vector<256x1024xi32>
    %convert_element_type3A_212 = arith.sitofp %convert_element_type3A_211 : vector<256x1024xi32> to vector<256x1024xf32>
    %max3A_213 = arith.maximumf %max3A_194, %convert_element_type3A_212 : vector<256x1024xf32>
    %jit3A_214 = arith.constant 0x7F800000 : f32
    %broadcast_in_dim3A_215 = vector.broadcast %jit3A_214 : f32 to vector<256x1024xf32>
    %select_n3A_216 = arith.select %eq3A_210, %broadcast_in_dim3A_215, %select_n3A_197 : vector<256x1024xi1>, vector<256x1024xf32>
    %reduce_min3A_217 = arith.constant dense<0x7F800000> : vector<256xf32>
    %reduce_min3A_218 = vector.multi_reduction <minimumf>, %select_n3A_216, %reduce_min3A_217 [1] : vector<256x1024xf32> to vector<256xf32>
    %broadcast_in_dim3A_219 = vector.shape_cast %reduce_min3A_218 : vector<256xf32> to vector<256x1xf32>
    %eq3A_220 = vector.broadcast %broadcast_in_dim3A_219 : vector<256x1xf32> to vector<256x1024xf32>
    %eq3A_221 = arith.cmpf oeq, %select_n3A_216, %eq3A_220 : vector<256x1024xf32>
    %jit3A_222 = arith.constant 1024 : i32
    %broadcast_in_dim3A_223 = vector.broadcast %jit3A_222 : i32 to vector<256x1024xi32>
    %select_n3A_224 = arith.select %eq3A_221, %iota3A, %broadcast_in_dim3A_223 : vector<256x1024xi1>, vector<256x1024xi32>
    %reduce_min3A_225 = arith.constant dense<2147483647> : vector<256xi32>
    %reduce_min3A_226 = vector.multi_reduction <minsi>, %select_n3A_224, %reduce_min3A_225 [1] : vector<256x1024xi32> to vector<256xi32>
    %broadcast_in_dim3A_227 = vector.shape_cast %reduce_min3A_226 : vector<256xi32> to vector<256x1xi32>
    %eq3A_228 = vector.broadcast %broadcast_in_dim3A_227 : vector<256x1xi32> to vector<256x1024xi32>
    %eq3A_229 = arith.cmpi eq, %iota3A, %eq3A_228 : vector<256x1024xi32>
    %convert_element_type3A_230 = arith.extui %eq3A_229 : vector<256x1024xi1> to vector<256x1024xi32>
    %convert_element_type3A_231 = arith.sitofp %convert_element_type3A_230 : vector<256x1024xi32> to vector<256x1024xf32>
    %max3A_232 = arith.maximumf %max3A_213, %convert_element_type3A_231 : vector<256x1024xf32>
    %jit3A_233 = arith.constant 0x7F800000 : f32
    %broadcast_in_dim3A_234 = vector.broadcast %jit3A_233 : f32 to vector<256x1024xf32>
    %select_n3A_235 = arith.select %eq3A_229, %broadcast_in_dim3A_234, %select_n3A_216 : vector<256x1024xi1>, vector<256x1024xf32>
    %reduce_min3A_236 = arith.constant dense<0x7F800000> : vector<256xf32>
    %reduce_min3A_237 = vector.multi_reduction <minimumf>, %select_n3A_235, %reduce_min3A_236 [1] : vector<256x1024xf32> to vector<256xf32>
    %broadcast_in_dim3A_238 = vector.shape_cast %reduce_min3A_237 : vector<256xf32> to vector<256x1xf32>
    %eq3A_239 = vector.broadcast %broadcast_in_dim3A_238 : vector<256x1xf32> to vector<256x1024xf32>
    %eq3A_240 = arith.cmpf oeq, %select_n3A_235, %eq3A_239 : vector<256x1024xf32>
    %jit3A_241 = arith.constant 1024 : i32
    %broadcast_in_dim3A_242 = vector.broadcast %jit3A_241 : i32 to vector<256x1024xi32>
    %select_n3A_243 = arith.select %eq3A_240, %iota3A, %broadcast_in_dim3A_242 : vector<256x1024xi1>, vector<256x1024xi32>
    %reduce_min3A_244 = arith.constant dense<2147483647> : vector<256xi32>
    %reduce_min3A_245 = vector.multi_reduction <minsi>, %select_n3A_243, %reduce_min3A_244 [1] : vector<256x1024xi32> to vector<256xi32>
    %broadcast_in_dim3A_246 = vector.shape_cast %reduce_min3A_245 : vector<256xi32> to vector<256x1xi32>
    %eq3A_247 = vector.broadcast %broadcast_in_dim3A_246 : vector<256x1xi32> to vector<256x1024xi32>
    %eq3A_248 = arith.cmpi eq, %iota3A, %eq3A_247 : vector<256x1024xi32>
    %convert_element_type3A_249 = arith.extui %eq3A_248 : vector<256x1024xi1> to vector<256x1024xi32>
    %convert_element_type3A_250 = arith.sitofp %convert_element_type3A_249 : vector<256x1024xi32> to vector<256x1024xf32>
    %max3A_251 = arith.maximumf %max3A_232, %convert_element_type3A_250 : vector<256x1024xf32>
    %jit3A_252 = arith.constant 0x7F800000 : f32
    %broadcast_in_dim3A_253 = vector.broadcast %jit3A_252 : f32 to vector<256x1024xf32>
    %select_n3A_254 = arith.select %eq3A_248, %broadcast_in_dim3A_253, %select_n3A_235 : vector<256x1024xi1>, vector<256x1024xf32>
    %reduce_min3A_255 = arith.constant dense<0x7F800000> : vector<256xf32>
    %reduce_min3A_256 = vector.multi_reduction <minimumf>, %select_n3A_254, %reduce_min3A_255 [1] : vector<256x1024xf32> to vector<256xf32>
    %broadcast_in_dim3A_257 = vector.shape_cast %reduce_min3A_256 : vector<256xf32> to vector<256x1xf32>
    %eq3A_258 = vector.broadcast %broadcast_in_dim3A_257 : vector<256x1xf32> to vector<256x1024xf32>
    %eq3A_259 = arith.cmpf oeq, %select_n3A_254, %eq3A_258 : vector<256x1024xf32>
    %jit3A_260 = arith.constant 1024 : i32
    %broadcast_in_dim3A_261 = vector.broadcast %jit3A_260 : i32 to vector<256x1024xi32>
    %select_n3A_262 = arith.select %eq3A_259, %iota3A, %broadcast_in_dim3A_261 : vector<256x1024xi1>, vector<256x1024xi32>
    %reduce_min3A_263 = arith.constant dense<2147483647> : vector<256xi32>
    %reduce_min3A_264 = vector.multi_reduction <minsi>, %select_n3A_262, %reduce_min3A_263 [1] : vector<256x1024xi32> to vector<256xi32>
    %broadcast_in_dim3A_265 = vector.shape_cast %reduce_min3A_264 : vector<256xi32> to vector<256x1xi32>
    %eq3A_266 = vector.broadcast %broadcast_in_dim3A_265 : vector<256x1xi32> to vector<256x1024xi32>
    %eq3A_267 = arith.cmpi eq, %iota3A, %eq3A_266 : vector<256x1024xi32>
    %convert_element_type3A_268 = arith.extui %eq3A_267 : vector<256x1024xi1> to vector<256x1024xi32>
    %convert_element_type3A_269 = arith.sitofp %convert_element_type3A_268 : vector<256x1024xi32> to vector<256x1024xf32>
    %max3A_270 = arith.maximumf %max3A_251, %convert_element_type3A_269 : vector<256x1024xf32>
    %jit3A_271 = arith.constant 0x7F800000 : f32
    %broadcast_in_dim3A_272 = vector.broadcast %jit3A_271 : f32 to vector<256x1024xf32>
    %select_n3A_273 = arith.select %eq3A_267, %broadcast_in_dim3A_272, %select_n3A_254 : vector<256x1024xi1>, vector<256x1024xf32>
    %reduce_min3A_274 = arith.constant dense<0x7F800000> : vector<256xf32>
    %reduce_min3A_275 = vector.multi_reduction <minimumf>, %select_n3A_273, %reduce_min3A_274 [1] : vector<256x1024xf32> to vector<256xf32>
    %broadcast_in_dim3A_276 = vector.shape_cast %reduce_min3A_275 : vector<256xf32> to vector<256x1xf32>
    %eq3A_277 = vector.broadcast %broadcast_in_dim3A_276 : vector<256x1xf32> to vector<256x1024xf32>
    %eq3A_278 = arith.cmpf oeq, %select_n3A_273, %eq3A_277 : vector<256x1024xf32>
    %jit3A_279 = arith.constant 1024 : i32
    %broadcast_in_dim3A_280 = vector.broadcast %jit3A_279 : i32 to vector<256x1024xi32>
    %select_n3A_281 = arith.select %eq3A_278, %iota3A, %broadcast_in_dim3A_280 : vector<256x1024xi1>, vector<256x1024xi32>
    %reduce_min3A_282 = arith.constant dense<2147483647> : vector<256xi32>
    %reduce_min3A_283 = vector.multi_reduction <minsi>, %select_n3A_281, %reduce_min3A_282 [1] : vector<256x1024xi32> to vector<256xi32>
    %broadcast_in_dim3A_284 = vector.shape_cast %reduce_min3A_283 : vector<256xi32> to vector<256x1xi32>
    %eq3A_285 = vector.broadcast %broadcast_in_dim3A_284 : vector<256x1xi32> to vector<256x1024xi32>
    %eq3A_286 = arith.cmpi eq, %iota3A, %eq3A_285 : vector<256x1024xi32>
    %convert_element_type3A_287 = arith.extui %eq3A_286 : vector<256x1024xi1> to vector<256x1024xi32>
    %convert_element_type3A_288 = arith.sitofp %convert_element_type3A_287 : vector<256x1024xi32> to vector<256x1024xf32>
    %max3A_289 = arith.maximumf %max3A_270, %convert_element_type3A_288 : vector<256x1024xf32>
    %jit3A_290 = arith.constant 0x7F800000 : f32
    %broadcast_in_dim3A_291 = vector.broadcast %jit3A_290 : f32 to vector<256x1024xf32>
    %select_n3A_292 = arith.select %eq3A_286, %broadcast_in_dim3A_291, %select_n3A_273 : vector<256x1024xi1>, vector<256x1024xf32>
    %reduce_min3A_293 = arith.constant dense<0x7F800000> : vector<256xf32>
    %reduce_min3A_294 = vector.multi_reduction <minimumf>, %select_n3A_292, %reduce_min3A_293 [1] : vector<256x1024xf32> to vector<256xf32>
    %broadcast_in_dim3A_295 = vector.shape_cast %reduce_min3A_294 : vector<256xf32> to vector<256x1xf32>
    %eq3A_296 = vector.broadcast %broadcast_in_dim3A_295 : vector<256x1xf32> to vector<256x1024xf32>
    %eq3A_297 = arith.cmpf oeq, %select_n3A_292, %eq3A_296 : vector<256x1024xf32>
    %jit3A_298 = arith.constant 1024 : i32
    %broadcast_in_dim3A_299 = vector.broadcast %jit3A_298 : i32 to vector<256x1024xi32>
    %select_n3A_300 = arith.select %eq3A_297, %iota3A, %broadcast_in_dim3A_299 : vector<256x1024xi1>, vector<256x1024xi32>
    %reduce_min3A_301 = arith.constant dense<2147483647> : vector<256xi32>
    %reduce_min3A_302 = vector.multi_reduction <minsi>, %select_n3A_300, %reduce_min3A_301 [1] : vector<256x1024xi32> to vector<256xi32>
    %broadcast_in_dim3A_303 = vector.shape_cast %reduce_min3A_302 : vector<256xi32> to vector<256x1xi32>
    %eq3A_304 = vector.broadcast %broadcast_in_dim3A_303 : vector<256x1xi32> to vector<256x1024xi32>
    %eq3A_305 = arith.cmpi eq, %iota3A, %eq3A_304 : vector<256x1024xi32>
    %convert_element_type3A_306 = arith.extui %eq3A_305 : vector<256x1024xi1> to vector<256x1024xi32>
    %convert_element_type3A_307 = arith.sitofp %convert_element_type3A_306 : vector<256x1024xi32> to vector<256x1024xf32>
    %max3A_308 = arith.maximumf %max3A_289, %convert_element_type3A_307 : vector<256x1024xf32>
    %jit3A_309 = arith.constant 0x7F800000 : f32
    %broadcast_in_dim3A_310 = vector.broadcast %jit3A_309 : f32 to vector<256x1024xf32>
    %select_n3A_311 = arith.select %eq3A_305, %broadcast_in_dim3A_310, %select_n3A_292 : vector<256x1024xi1>, vector<256x1024xf32>
    %reduce_min3A_312 = arith.constant dense<0x7F800000> : vector<256xf32>
    %reduce_min3A_313 = vector.multi_reduction <minimumf>, %select_n3A_311, %reduce_min3A_312 [1] : vector<256x1024xf32> to vector<256xf32>
    %broadcast_in_dim3A_314 = vector.shape_cast %reduce_min3A_313 : vector<256xf32> to vector<256x1xf32>
    %eq3A_315 = vector.broadcast %broadcast_in_dim3A_314 : vector<256x1xf32> to vector<256x1024xf32>
    %eq3A_316 = arith.cmpf oeq, %select_n3A_311, %eq3A_315 : vector<256x1024xf32>
    %jit3A_317 = arith.constant 1024 : i32
    %broadcast_in_dim3A_318 = vector.broadcast %jit3A_317 : i32 to vector<256x1024xi32>
    %select_n3A_319 = arith.select %eq3A_316, %iota3A, %broadcast_in_dim3A_318 : vector<256x1024xi1>, vector<256x1024xi32>
    %reduce_min3A_320 = arith.constant dense<2147483647> : vector<256xi32>
    %reduce_min3A_321 = vector.multi_reduction <minsi>, %select_n3A_319, %reduce_min3A_320 [1] : vector<256x1024xi32> to vector<256xi32>
    %broadcast_in_dim3A_322 = vector.shape_cast %reduce_min3A_321 : vector<256xi32> to vector<256x1xi32>
    %eq3A_323 = vector.broadcast %broadcast_in_dim3A_322 : vector<256x1xi32> to vector<256x1024xi32>
    %eq3A_324 = arith.cmpi eq, %iota3A, %eq3A_323 : vector<256x1024xi32>
    %convert_element_type3A_325 = arith.extui %eq3A_324 : vector<256x1024xi1> to vector<256x1024xi32>
    %convert_element_type3A_326 = arith.sitofp %convert_element_type3A_325 : vector<256x1024xi32> to vector<256x1024xf32>
    %max3A_327 = arith.maximumf %max3A_308, %convert_element_type3A_326 : vector<256x1024xf32>
    %jit3A_328 = arith.constant 0x7F800000 : f32
    %broadcast_in_dim3A_329 = vector.broadcast %jit3A_328 : f32 to vector<256x1024xf32>
    %select_n3A_330 = arith.select %eq3A_324, %broadcast_in_dim3A_329, %select_n3A_311 : vector<256x1024xi1>, vector<256x1024xf32>
    %reduce_min3A_331 = arith.constant dense<0x7F800000> : vector<256xf32>
    %reduce_min3A_332 = vector.multi_reduction <minimumf>, %select_n3A_330, %reduce_min3A_331 [1] : vector<256x1024xf32> to vector<256xf32>
    %broadcast_in_dim3A_333 = vector.shape_cast %reduce_min3A_332 : vector<256xf32> to vector<256x1xf32>
    %eq3A_334 = vector.broadcast %broadcast_in_dim3A_333 : vector<256x1xf32> to vector<256x1024xf32>
    %eq3A_335 = arith.cmpf oeq, %select_n3A_330, %eq3A_334 : vector<256x1024xf32>
    %jit3A_336 = arith.constant 1024 : i32
    %broadcast_in_dim3A_337 = vector.broadcast %jit3A_336 : i32 to vector<256x1024xi32>
    %select_n3A_338 = arith.select %eq3A_335, %iota3A, %broadcast_in_dim3A_337 : vector<256x1024xi1>, vector<256x1024xi32>
    %reduce_min3A_339 = arith.constant dense<2147483647> : vector<256xi32>
    %reduce_min3A_340 = vector.multi_reduction <minsi>, %select_n3A_338, %reduce_min3A_339 [1] : vector<256x1024xi32> to vector<256xi32>
    %broadcast_in_dim3A_341 = vector.shape_cast %reduce_min3A_340 : vector<256xi32> to vector<256x1xi32>
    %eq3A_342 = vector.broadcast %broadcast_in_dim3A_341 : vector<256x1xi32> to vector<256x1024xi32>
    %eq3A_343 = arith.cmpi eq, %iota3A, %eq3A_342 : vector<256x1024xi32>
    %convert_element_type3A_344 = arith.extui %eq3A_343 : vector<256x1024xi1> to vector<256x1024xi32>
    %convert_element_type3A_345 = arith.sitofp %convert_element_type3A_344 : vector<256x1024xi32> to vector<256x1024xf32>
    %max3A_346 = arith.maximumf %max3A_327, %convert_element_type3A_345 : vector<256x1024xf32>
    %mul3A_347 = arith.constant 6.250000e-02 : f32
    %mul3A_348 = vector.broadcast %mul3A_347 : f32 to vector<256x1024xf32>
    %mul3A_349 = arith.mulf %max3A_346, %mul3A_348 : vector<256x1024xf32>
    %get3A_350 = arith.constant 0 : index
    %get3A_351 = arith.constant 0 : index
    %get3A_352 = arith.constant 0 : index
    %get3A_353 = vector.load %arg5[%get3A_350, %get3A_351, %get3A_352] : memref<1x1024x132xf32, #tpu.memory_space<vmem>>, vector<1x1024x132xf32>
    %get3A_354 = vector.shape_cast %get3A_353 : vector<1x1024x132xf32> to vector<1024x132xf32>
    %dot_general3A = arith.constant dense<0.000000e+00> : vector<256x132xf32>
    %dot_general3A_355 = tpu.matmul %mul3A_349, %get3A_354, %dot_general3A {dimension_numbers = #tpu.dot_dimension_numbers<[1], [0], [0], [1], [0, 0, 1, 1], [], []>, transpose_lhs_hint = false} : vector<256x1024xf32>, vector<1024x132xf32>, vector<256x132xf32> -> vector<256x132xf32>
    %slice3A_356 = vector.extract_strided_slice %dot_general3A_355 {offsets = [0, 0], sizes = [256, 128], strides = [1, 1]} : vector<256x132xf32> to vector<256x128xf32>
    %slice3A_357 = vector.extract_strided_slice %dot_general3A_355 {offsets = [0, 128], sizes = [256, 3], strides = [1, 1]} : vector<256x132xf32> to vector<256x3xf32>
    %slice3A_358 = vector.extract_strided_slice %dot_general3A_355 {offsets = [0, 131], sizes = [256, 1], strides = [1, 1]} : vector<256x132xf32> to vector<256x1xf32>
    %sub3A_359 = arith.subf %slice3A_5, %slice3A_357 : vector<256x3xf32>
    %mul3A_360 = arith.mulf %slice3A_5, %slice3A_357 : vector<256x3xf32>
    %reduce_sum3A = arith.constant dense<0.000000e+00> : vector<256xf32>
    %reduce_sum3A_361 = vector.multi_reduction <add>, %mul3A_360, %reduce_sum3A [1] : vector<256x3xf32> to vector<256xf32>
    %broadcast_in_dim3A_362 = vector.shape_cast %reduce_sum3A_361 : vector<256xf32> to vector<256x1xf32>
    %mul3A_363 = arith.constant 2.000000e+00 : f32
    %mul3A_364 = vector.broadcast %mul3A_363 : f32 to vector<256x1xf32>
    %mul3A_365 = arith.mulf %mul3A_364, %broadcast_in_dim3A_362 : vector<256x1xf32>
    %sub3A_366 = arith.subf %slice3A_6, %mul3A_365 : vector<256x1xf32>
    %add3A_367 = arith.addf %sub3A_366, %slice3A_358 : vector<256x1xf32>
    %concatenate3A = tpu.concatenate %slice3A_356, %sub3A_359, %add3A_367 in 1 : vector<256x128xf32>, vector<256x3xf32>, vector<256x1xf32> -> vector<256x132xf32>
    %get3A_368 = arith.constant 0 : index
    %get3A_369 = arith.constant 0 : index
    %get3A_370 = vector.load %arg6[%get3A_368, %get3A_369] : memref<128x256xf32, #tpu.memory_space<vmem>>, vector<128x256xf32>
    %dot_general3A_371 = arith.constant dense<0.000000e+00> : vector<256x256xf32>
    %dot_general3A_372 = tpu.matmul %slice3A, %get3A_370, %dot_general3A_371 {dimension_numbers = #tpu.dot_dimension_numbers<[1], [0], [0], [1], [0, 0, 1, 1], [], []>, transpose_lhs_hint = false} : vector<256x128xf32>, vector<128x256xf32>, vector<256x256xf32> -> vector<256x256xf32>
    %get3A_373 = arith.constant 0 : index
    %get3A_374 = arith.constant 0 : index
    %get3A_375 = vector.load %arg7[%get3A_373, %get3A_374] : memref<132x256xf32, #tpu.memory_space<vmem>>, vector<132x256xf32>
    %dot_general3A_376 = arith.constant dense<0.000000e+00> : vector<256x256xf32>
    %dot_general3A_377 = tpu.matmul %concatenate3A, %get3A_375, %dot_general3A_376 {dimension_numbers = #tpu.dot_dimension_numbers<[1], [0], [0], [1], [0, 0, 1, 1], [], []>, transpose_lhs_hint = false} : vector<256x132xf32>, vector<132x256xf32>, vector<256x256xf32> -> vector<256x256xf32>
    %add3A_378 = arith.addf %dot_general3A_372, %dot_general3A_377 : vector<256x256xf32>
    %ge3A = arith.constant 0.000000e+00 : f32
    %ge3A_379 = vector.broadcast %ge3A : f32 to vector<256x256xf32>
    %ge3A_380 = arith.cmpf oge, %add3A_378, %ge3A_379 : vector<256x256xf32>
    %mul3A_381 = arith.constant 2.000000e-01 : f32
    %mul3A_382 = vector.broadcast %mul3A_381 : f32 to vector<256x256xf32>
    %mul3A_383 = arith.mulf %mul3A_382, %add3A_378 : vector<256x256xf32>
    %select_n3A_384 = arith.select %ge3A_380, %add3A_378, %mul3A_383 : vector<256x256xi1>, vector<256x256xf32>
    %swap3A = arith.constant 0 : index
    %swap3A_385 = arith.constant 0 : index
    %swap3A_386 = arith.constant 0 : index
    %swap3A_387 = vector.load %arg8[%swap3A, %swap3A_385, %swap3A_386] : memref<1x256x256xf32, #tpu.memory_space<vmem>>, vector<1x256x256xf32>
    %swap3A_388 = vector.shape_cast %swap3A_387 : vector<1x256x256xf32> to vector<256x256xf32>
    %swap3A_389 = vector.shape_cast %select_n3A_384 : vector<256x256xf32> to vector<1x256x256xf32>
    tpu.vector_store %arg8[%swap3A, %swap3A_385, %swap3A_386], %swap3A_389 {strides = array<i32>} : memref<1x256x256xf32, #tpu.memory_space<vmem>>, vector<1x256x256xf32>,
    return
  }
  func.func @transform_0(%arg0: i32, %arg1: i32) -> (i32, i32, i32) {
    %c0_i32 = arith.constant 0 : i32
    %c0_i32_0 = arith.constant 0 : i32
    return %arg0, %arg1, %c0_i32 : i32, i32, i32
  }
  func.func @transform_1(%arg0: i32, %arg1: i32) -> (i32, i32, i32) {
    %c0_i32 = arith.constant 0 : i32
    %c0_i32_0 = arith.constant 0 : i32
    %c0_i32_1 = arith.constant 0 : i32
    return %arg0, %c0_i32, %c0_i32_0 : i32, i32, i32
  }
  func.func @transform_2(%arg0: i32, %arg1: i32) -> (i32, i32, i32) {
    %c0_i32 = arith.constant 0 : i32
    %c0_i32_0 = arith.constant 0 : i32
    %c0_i32_1 = arith.constant 0 : i32
    return %arg0, %c0_i32, %c0_i32_0 : i32, i32, i32
  }
  func.func @transform_3(%arg0: i32, %arg1: i32) -> (i32, i32, i32) {
    %c0_i32 = arith.constant 0 : i32
    %c0_i32_0 = arith.constant 0 : i32
    %c0_i32_1 = arith.constant 0 : i32
    return %arg0, %c0_i32, %c0_i32_0 : i32, i32, i32
  }
  func.func @transform_4(%arg0: i32, %arg1: i32) -> (i32, i32) {
    %c0_i32 = arith.constant 0 : i32
    %c0_i32_0 = arith.constant 0 : i32
    %c0_i32_1 = arith.constant 0 : i32
    return %c0_i32, %c0_i32_0 : i32, i32
  }
  func.func @transform_5(%arg0: i32, %arg1: i32) -> (i32, i32) {
    %c0_i32 = arith.constant 0 : i32
    %c0_i32_0 = arith.constant 0 : i32
    %c0_i32_1 = arith.constant 0 : i32
    return %c0_i32, %c0_i32_0 : i32, i32
  }
  func.func @transform_6(%arg0: i32, %arg1: i32) -> (i32, i32, i32) {
    %c0_i32 = arith.constant 0 : i32
    %c0_i32_0 = arith.constant 0 : i32
    return %arg0, %arg1, %c0_i32 : i32, i32, i32
  }
}

module attributes {stable_mosaic.version = 14 : i64} {
  func.func @_up_body(%arg0: i32, %arg1: i32, %arg2: memref<1x512x8xf32, #tpu.memory_space<vmem>>, %arg3: memref<1x8x1024xf32, #tpu.memory_space<vmem>>, %arg4: memref<1x1x1024xf32, #tpu.memory_space<vmem>>, %arg5: memref<1x1024x256xf32, #tpu.memory_space<vmem>>, %arg6: memref<1x512x128xf32, #tpu.memory_space<vmem>>, %arg7: memref<256x128xf32, #tpu.memory_space<vmem>>, %arg8: memref<128x128xf32, #tpu.memory_space<vmem>>, %arg9: memref<1x128xf32, #tpu.memory_space<vmem>>, %arg10: memref<1x512x128xf32, #tpu.memory_space<vmem>>) attributes {dimension_semantics = [#tpu.dimension_semantics<arbitrary>, #tpu.dimension_semantics<arbitrary>], iteration_bounds = array<i64: 2, 4>, scalar_prefetch = 0 : i64, scratch_operands = 0 : i64, tpu.core_type = #tpu.core_type<tc>, window_params = [{transform_indices = @transform_0, window_bounds = array<i64: 1, 512, 8>}, {transform_indices = @transform_1, window_bounds = array<i64: 1, 8, 1024>}, {transform_indices = @transform_2, window_bounds = array<i64: 1, 1, 1024>}, {transform_indices = @transform_3, window_bounds = array<i64: 1, 1024, 256>}, {transform_indices = @transform_4, window_bounds = array<i64: 1, 512, 128>}, {pipeline_mode = #tpu.pipeline_mode<synchronous>, transform_indices = @transform_5, window_bounds = array<i64: 256, 128>}, {pipeline_mode = #tpu.pipeline_mode<synchronous>, transform_indices = @transform_6, window_bounds = array<i64: 128, 128>}, {pipeline_mode = #tpu.pipeline_mode<synchronous>, transform_indices = @transform_7, window_bounds = array<i64: 1, 128>}, {transform_indices = @transform_8, window_bounds = array<i64: 1, 512, 128>}]} {
    %get3A = arith.constant 0 : index
    %get3A_0 = arith.constant 0 : index
    %get3A_1 = arith.constant 0 : index
    %get3A_2 = vector.load %arg2[%get3A, %get3A_0, %get3A_1] : memref<1x512x8xf32, #tpu.memory_space<vmem>>, vector<1x512x8xf32>
    %get3A_3 = vector.shape_cast %get3A_2 : vector<1x512x8xf32> to vector<512x8xf32>
    %get3A_4 = arith.constant 0 : index
    %get3A_5 = arith.constant 0 : index
    %get3A_6 = arith.constant 0 : index
    %get3A_7 = vector.load %arg3[%get3A_4, %get3A_5, %get3A_6] : memref<1x8x1024xf32, #tpu.memory_space<vmem>>, vector<1x8x1024xf32>
    %get3A_8 = vector.shape_cast %get3A_7 : vector<1x8x1024xf32> to vector<8x1024xf32>
    %slice3A = vector.extract_strided_slice %get3A_3 {offsets = [0, 0], sizes = [512, 1], strides = [1, 1]} : vector<512x8xf32> to vector<512x1xf32>
    %slice3A_9 = vector.extract_strided_slice %get3A_3 {offsets = [0, 0], sizes = [512, 1], strides = [1, 1]} : vector<512x8xf32> to vector<512x1xf32>
    %mul3A = arith.mulf %slice3A, %slice3A_9 : vector<512x1xf32>
    %slice3A_10 = vector.extract_strided_slice %get3A_3 {offsets = [0, 1], sizes = [512, 1], strides = [1, 1]} : vector<512x8xf32> to vector<512x1xf32>
    %slice3A_11 = vector.extract_strided_slice %get3A_3 {offsets = [0, 1], sizes = [512, 1], strides = [1, 1]} : vector<512x8xf32> to vector<512x1xf32>
    %mul3A_12 = arith.mulf %slice3A_10, %slice3A_11 : vector<512x1xf32>
    %add3A = arith.addf %mul3A, %mul3A_12 : vector<512x1xf32>
    %slice3A_13 = vector.extract_strided_slice %get3A_3 {offsets = [0, 2], sizes = [512, 1], strides = [1, 1]} : vector<512x8xf32> to vector<512x1xf32>
    %slice3A_14 = vector.extract_strided_slice %get3A_3 {offsets = [0, 2], sizes = [512, 1], strides = [1, 1]} : vector<512x8xf32> to vector<512x1xf32>
    %mul3A_15 = arith.mulf %slice3A_13, %slice3A_14 : vector<512x1xf32>
    %add3A_16 = arith.addf %add3A, %mul3A_15 : vector<512x1xf32>
    %convert_element_type3A = arith.truncf %get3A_3 : vector<512x8xf32> to vector<512x8xbf16>
    %convert_element_type3A_17 = arith.extf %convert_element_type3A : vector<512x8xbf16> to vector<512x8xf32>
    %convert_element_type3A_18 = arith.truncf %get3A_8 : vector<8x1024xf32> to vector<8x1024xbf16>
    %convert_element_type3A_19 = arith.extf %convert_element_type3A_18 : vector<8x1024xbf16> to vector<8x1024xf32>
    %slice3A_20 = vector.extract_strided_slice %convert_element_type3A_17 {offsets = [0, 0], sizes = [512, 1], strides = [1, 1]} : vector<512x8xf32> to vector<512x1xf32>
    %slice3A_21 = vector.extract_strided_slice %convert_element_type3A_19 {offsets = [0, 0], sizes = [1, 1024], strides = [1, 1]} : vector<8x1024xf32> to vector<1x1024xf32>
    %mul3A_22 = vector.broadcast %slice3A_20 : vector<512x1xf32> to vector<512x1024xf32>
    %mul3A_23 = vector.broadcast %slice3A_21 : vector<1x1024xf32> to vector<512x1024xf32>
    %mul3A_24 = arith.mulf %mul3A_22, %mul3A_23 : vector<512x1024xf32>
    %slice3A_25 = vector.extract_strided_slice %convert_element_type3A_17 {offsets = [0, 1], sizes = [512, 1], strides = [1, 1]} : vector<512x8xf32> to vector<512x1xf32>
    %slice3A_26 = vector.extract_strided_slice %convert_element_type3A_19 {offsets = [1, 0], sizes = [1, 1024], strides = [1, 1]} : vector<8x1024xf32> to vector<1x1024xf32>
    %mul3A_27 = vector.broadcast %slice3A_25 : vector<512x1xf32> to vector<512x1024xf32>
    %mul3A_28 = vector.broadcast %slice3A_26 : vector<1x1024xf32> to vector<512x1024xf32>
    %mul3A_29 = arith.mulf %mul3A_27, %mul3A_28 : vector<512x1024xf32>
    %add3A_30 = arith.addf %mul3A_24, %mul3A_29 : vector<512x1024xf32>
    %slice3A_31 = vector.extract_strided_slice %convert_element_type3A_17 {offsets = [0, 2], sizes = [512, 1], strides = [1, 1]} : vector<512x8xf32> to vector<512x1xf32>
    %slice3A_32 = vector.extract_strided_slice %convert_element_type3A_19 {offsets = [2, 0], sizes = [1, 1024], strides = [1, 1]} : vector<8x1024xf32> to vector<1x1024xf32>
    %mul3A_33 = vector.broadcast %slice3A_31 : vector<512x1xf32> to vector<512x1024xf32>
    %mul3A_34 = vector.broadcast %slice3A_32 : vector<1x1024xf32> to vector<512x1024xf32>
    %mul3A_35 = arith.mulf %mul3A_33, %mul3A_34 : vector<512x1024xf32>
    %add3A_36 = arith.addf %add3A_30, %mul3A_35 : vector<512x1024xf32>
    %get3A_37 = arith.constant 0 : index
    %get3A_38 = arith.constant 0 : index
    %get3A_39 = arith.constant 0 : index
    %get3A_40 = vector.load %arg4[%get3A_37, %get3A_38, %get3A_39] : memref<1x1x1024xf32, #tpu.memory_space<vmem>>, vector<1x1x1024xf32>
    %get3A_41 = vector.shape_cast %get3A_40 : vector<1x1x1024xf32> to vector<1x1024xf32>
    %add3A_42 = vector.broadcast %add3A_16 : vector<512x1xf32> to vector<512x1024xf32>
    %add3A_43 = vector.broadcast %get3A_41 : vector<1x1024xf32> to vector<512x1024xf32>
    %add3A_44 = arith.addf %add3A_42, %add3A_43 : vector<512x1024xf32>
    %mul3A_45 = arith.constant 2.000000e+00 : f32
    %mul3A_46 = vector.broadcast %mul3A_45 : f32 to vector<512x1024xf32>
    %mul3A_47 = arith.mulf %mul3A_46, %add3A_36 : vector<512x1024xf32>
    %sub3A = arith.subf %add3A_44, %mul3A_47 : vector<512x1024xf32>
    %max3A = arith.constant 0.000000e+00 : f32
    %max3A_48 = vector.broadcast %max3A : f32 to vector<512x1024xf32>
    %max3A_49 = arith.maximumf %sub3A, %max3A_48 : vector<512x1024xf32>
    %iota3A = tpu.iota {dimensions = array<i32: 1>} : vector<512x1024xi32>
    %broadcast_in_dim3A = arith.constant 0.000000e+00 : f32
    %broadcast_in_dim3A_50 = vector.broadcast %broadcast_in_dim3A : f32 to vector<512x1024xf32>
    %reduce_min3A = arith.constant dense<0x7F800000> : vector<512xf32>
    %reduce_min3A_51 = vector.multi_reduction <minimumf>, %max3A_49, %reduce_min3A [1] : vector<512x1024xf32> to vector<512xf32>
    %broadcast_in_dim3A_52 = vector.shape_cast %reduce_min3A_51 : vector<512xf32> to vector<512x1xf32>
    %eq3A = vector.broadcast %broadcast_in_dim3A_52 : vector<512x1xf32> to vector<512x1024xf32>
    %eq3A_53 = arith.cmpf oeq, %max3A_49, %eq3A : vector<512x1024xf32>
    %jit3A = arith.constant 1024 : i32
    %broadcast_in_dim3A_54 = vector.broadcast %jit3A : i32 to vector<512x1024xi32>
    %select_n3A = arith.select %eq3A_53, %iota3A, %broadcast_in_dim3A_54 : vector<512x1024xi1>, vector<512x1024xi32>
    %reduce_min3A_55 = arith.constant dense<2147483647> : vector<512xi32>
    %reduce_min3A_56 = vector.multi_reduction <minsi>, %select_n3A, %reduce_min3A_55 [1] : vector<512x1024xi32> to vector<512xi32>
    %broadcast_in_dim3A_57 = vector.shape_cast %reduce_min3A_56 : vector<512xi32> to vector<512x1xi32>
    %eq3A_58 = vector.broadcast %broadcast_in_dim3A_57 : vector<512x1xi32> to vector<512x1024xi32>
    %eq3A_59 = arith.cmpi eq, %iota3A, %eq3A_58 : vector<512x1024xi32>
    %convert_element_type3A_60 = arith.extui %eq3A_59 : vector<512x1024xi1> to vector<512x1024xi32>
    %convert_element_type3A_61 = arith.sitofp %convert_element_type3A_60 : vector<512x1024xi32> to vector<512x1024xf32>
    %max3A_62 = arith.maximumf %broadcast_in_dim3A_50, %convert_element_type3A_61 : vector<512x1024xf32>
    %jit3A_63 = arith.constant 0x7F800000 : f32
    %broadcast_in_dim3A_64 = vector.broadcast %jit3A_63 : f32 to vector<512x1024xf32>
    %select_n3A_65 = arith.select %eq3A_59, %broadcast_in_dim3A_64, %max3A_49 : vector<512x1024xi1>, vector<512x1024xf32>
    %reduce_min3A_66 = arith.constant dense<0x7F800000> : vector<512xf32>
    %reduce_min3A_67 = vector.multi_reduction <minimumf>, %select_n3A_65, %reduce_min3A_66 [1] : vector<512x1024xf32> to vector<512xf32>
    %broadcast_in_dim3A_68 = vector.shape_cast %reduce_min3A_67 : vector<512xf32> to vector<512x1xf32>
    %eq3A_69 = vector.broadcast %broadcast_in_dim3A_68 : vector<512x1xf32> to vector<512x1024xf32>
    %eq3A_70 = arith.cmpf oeq, %select_n3A_65, %eq3A_69 : vector<512x1024xf32>
    %jit3A_71 = arith.constant 1024 : i32
    %broadcast_in_dim3A_72 = vector.broadcast %jit3A_71 : i32 to vector<512x1024xi32>
    %select_n3A_73 = arith.select %eq3A_70, %iota3A, %broadcast_in_dim3A_72 : vector<512x1024xi1>, vector<512x1024xi32>
    %reduce_min3A_74 = arith.constant dense<2147483647> : vector<512xi32>
    %reduce_min3A_75 = vector.multi_reduction <minsi>, %select_n3A_73, %reduce_min3A_74 [1] : vector<512x1024xi32> to vector<512xi32>
    %broadcast_in_dim3A_76 = vector.shape_cast %reduce_min3A_75 : vector<512xi32> to vector<512x1xi32>
    %eq3A_77 = vector.broadcast %broadcast_in_dim3A_76 : vector<512x1xi32> to vector<512x1024xi32>
    %eq3A_78 = arith.cmpi eq, %iota3A, %eq3A_77 : vector<512x1024xi32>
    %convert_element_type3A_79 = arith.extui %eq3A_78 : vector<512x1024xi1> to vector<512x1024xi32>
    %convert_element_type3A_80 = arith.sitofp %convert_element_type3A_79 : vector<512x1024xi32> to vector<512x1024xf32>
    %max3A_81 = arith.maximumf %max3A_62, %convert_element_type3A_80 : vector<512x1024xf32>
    %jit3A_82 = arith.constant 0x7F800000 : f32
    %broadcast_in_dim3A_83 = vector.broadcast %jit3A_82 : f32 to vector<512x1024xf32>
    %select_n3A_84 = arith.select %eq3A_78, %broadcast_in_dim3A_83, %select_n3A_65 : vector<512x1024xi1>, vector<512x1024xf32>
    %reduce_min3A_85 = arith.constant dense<0x7F800000> : vector<512xf32>
    %reduce_min3A_86 = vector.multi_reduction <minimumf>, %select_n3A_84, %reduce_min3A_85 [1] : vector<512x1024xf32> to vector<512xf32>
    %broadcast_in_dim3A_87 = vector.shape_cast %reduce_min3A_86 : vector<512xf32> to vector<512x1xf32>
    %eq3A_88 = vector.broadcast %broadcast_in_dim3A_87 : vector<512x1xf32> to vector<512x1024xf32>
    %eq3A_89 = arith.cmpf oeq, %select_n3A_84, %eq3A_88 : vector<512x1024xf32>
    %jit3A_90 = arith.constant 1024 : i32
    %broadcast_in_dim3A_91 = vector.broadcast %jit3A_90 : i32 to vector<512x1024xi32>
    %select_n3A_92 = arith.select %eq3A_89, %iota3A, %broadcast_in_dim3A_91 : vector<512x1024xi1>, vector<512x1024xi32>
    %reduce_min3A_93 = arith.constant dense<2147483647> : vector<512xi32>
    %reduce_min3A_94 = vector.multi_reduction <minsi>, %select_n3A_92, %reduce_min3A_93 [1] : vector<512x1024xi32> to vector<512xi32>
    %broadcast_in_dim3A_95 = vector.shape_cast %reduce_min3A_94 : vector<512xi32> to vector<512x1xi32>
    %eq3A_96 = vector.broadcast %broadcast_in_dim3A_95 : vector<512x1xi32> to vector<512x1024xi32>
    %eq3A_97 = arith.cmpi eq, %iota3A, %eq3A_96 : vector<512x1024xi32>
    %convert_element_type3A_98 = arith.extui %eq3A_97 : vector<512x1024xi1> to vector<512x1024xi32>
    %convert_element_type3A_99 = arith.sitofp %convert_element_type3A_98 : vector<512x1024xi32> to vector<512x1024xf32>
    %max3A_100 = arith.maximumf %max3A_81, %convert_element_type3A_99 : vector<512x1024xf32>
    %add3A_101 = arith.constant 9.99999993E-9 : f32
    %add3A_102 = vector.broadcast %add3A_101 : f32 to vector<512x1024xf32>
    %add3A_103 = arith.addf %max3A_49, %add3A_102 : vector<512x1024xf32>
    %div3A = arith.divf %max3A_100, %add3A_103 : vector<512x1024xf32>
    %reduce_sum3A = arith.constant dense<0.000000e+00> : vector<512xf32>
    %reduce_sum3A_104 = vector.multi_reduction <add>, %div3A, %reduce_sum3A [1] : vector<512x1024xf32> to vector<512xf32>
    %broadcast_in_dim3A_105 = vector.shape_cast %reduce_sum3A_104 : vector<512xf32> to vector<512x1xf32>
    %div3A_106 = vector.broadcast %broadcast_in_dim3A_105 : vector<512x1xf32> to vector<512x1024xf32>
    %div3A_107 = arith.divf %div3A, %div3A_106 : vector<512x1024xf32>
    %get3A_108 = arith.constant 0 : index
    %get3A_109 = arith.constant 0 : index
    %get3A_110 = arith.constant 0 : index
    %get3A_111 = vector.load %arg5[%get3A_108, %get3A_109, %get3A_110] : memref<1x1024x256xf32, #tpu.memory_space<vmem>>, vector<1x1024x256xf32>
    %get3A_112 = vector.shape_cast %get3A_111 : vector<1x1024x256xf32> to vector<1024x256xf32>
    %dot_general3A = arith.constant dense<0.000000e+00> : vector<512x256xf32>
    %dot_general3A_113 = tpu.matmul %div3A_107, %get3A_112, %dot_general3A {dimension_numbers = #tpu.dot_dimension_numbers<[1], [0], [0], [1], [0, 0, 1, 1], [], []>, transpose_lhs_hint = false} : vector<512x1024xf32>, vector<1024x256xf32>, vector<512x256xf32> -> vector<512x256xf32>
    %get3A_114 = arith.constant 0 : index
    %get3A_115 = arith.constant 0 : index
    %get3A_116 = vector.load %arg7[%get3A_114, %get3A_115] : memref<256x128xf32, #tpu.memory_space<vmem>>, vector<256x128xf32>
    %dot_general3A_117 = arith.constant dense<0.000000e+00> : vector<512x128xf32>
    %dot_general3A_118 = tpu.matmul %dot_general3A_113, %get3A_116, %dot_general3A_117 {dimension_numbers = #tpu.dot_dimension_numbers<[1], [0], [0], [1], [0, 0, 1, 1], [], []>, transpose_lhs_hint = false} : vector<512x256xf32>, vector<256x128xf32>, vector<512x128xf32> -> vector<512x128xf32>
    %get3A_119 = arith.constant 0 : index
    %get3A_120 = arith.constant 0 : index
    %get3A_121 = arith.constant 0 : index
    %get3A_122 = vector.load %arg6[%get3A_119, %get3A_120, %get3A_121] : memref<1x512x128xf32, #tpu.memory_space<vmem>>, vector<1x512x128xf32>
    %get3A_123 = vector.shape_cast %get3A_122 : vector<1x512x128xf32> to vector<512x128xf32>
    %get3A_124 = arith.constant 0 : index
    %get3A_125 = arith.constant 0 : index
    %get3A_126 = vector.load %arg8[%get3A_124, %get3A_125] : memref<128x128xf32, #tpu.memory_space<vmem>>, vector<128x128xf32>
    %dot_general3A_127 = arith.constant dense<0.000000e+00> : vector<512x128xf32>
    %dot_general3A_128 = tpu.matmul %get3A_123, %get3A_126, %dot_general3A_127 {dimension_numbers = #tpu.dot_dimension_numbers<[1], [0], [0], [1], [0, 0, 1, 1], [], []>, transpose_lhs_hint = false} : vector<512x128xf32>, vector<128x128xf32>, vector<512x128xf32> -> vector<512x128xf32>
    %add3A_129 = arith.addf %dot_general3A_118, %dot_general3A_128 : vector<512x128xf32>
    %get3A_130 = arith.constant 0 : index
    %get3A_131 = arith.constant 0 : index
    %get3A_132 = vector.load %arg9[%get3A_130, %get3A_131] : memref<1x128xf32, #tpu.memory_space<vmem>>, vector<1x128xf32>
    %add3A_133 = vector.broadcast %get3A_132 : vector<1x128xf32> to vector<512x128xf32>
    %add3A_134 = arith.addf %add3A_129, %add3A_133 : vector<512x128xf32>
    %ge3A = arith.constant 0.000000e+00 : f32
    %ge3A_135 = vector.broadcast %ge3A : f32 to vector<512x128xf32>
    %ge3A_136 = arith.cmpf oge, %add3A_134, %ge3A_135 : vector<512x128xf32>
    %mul3A_137 = arith.constant 2.000000e-01 : f32
    %mul3A_138 = vector.broadcast %mul3A_137 : f32 to vector<512x128xf32>
    %mul3A_139 = arith.mulf %mul3A_138, %add3A_134 : vector<512x128xf32>
    %select_n3A_140 = arith.select %ge3A_136, %add3A_134, %mul3A_139 : vector<512x128xi1>, vector<512x128xf32>
    %swap3A = arith.constant 0 : index
    %swap3A_141 = arith.constant 0 : index
    %swap3A_142 = arith.constant 0 : index
    %swap3A_143 = vector.load %arg10[%swap3A, %swap3A_141, %swap3A_142] : memref<1x512x128xf32, #tpu.memory_space<vmem>>, vector<1x512x128xf32>
    %swap3A_144 = vector.shape_cast %swap3A_143 : vector<1x512x128xf32> to vector<512x128xf32>
    %swap3A_145 = vector.shape_cast %select_n3A_140 : vector<512x128xf32> to vector<1x512x128xf32>
    tpu.vector_store %arg10[%swap3A, %swap3A_141, %swap3A_142], %swap3A_145 {strides = array<i32>} : memref<1x512x128xf32, #tpu.memory_space<vmem>>, vector<1x512x128xf32>,
    return
  }
  func.func @transform_0(%arg0: i32, %arg1: i32) -> (i32, i32, i32) {
    %c0_i32 = arith.constant 0 : i32
    %c0_i32_0 = arith.constant 0 : i32
    return %arg0, %arg1, %c0_i32 : i32, i32, i32
  }
  func.func @transform_1(%arg0: i32, %arg1: i32) -> (i32, i32, i32) {
    %c0_i32 = arith.constant 0 : i32
    %c0_i32_0 = arith.constant 0 : i32
    %c0_i32_1 = arith.constant 0 : i32
    return %arg0, %c0_i32, %c0_i32_0 : i32, i32, i32
  }
  func.func @transform_2(%arg0: i32, %arg1: i32) -> (i32, i32, i32) {
    %c0_i32 = arith.constant 0 : i32
    %c0_i32_0 = arith.constant 0 : i32
    %c0_i32_1 = arith.constant 0 : i32
    return %arg0, %c0_i32, %c0_i32_0 : i32, i32, i32
  }
  func.func @transform_3(%arg0: i32, %arg1: i32) -> (i32, i32, i32) {
    %c0_i32 = arith.constant 0 : i32
    %c0_i32_0 = arith.constant 0 : i32
    %c0_i32_1 = arith.constant 0 : i32
    return %arg0, %c0_i32, %c0_i32_0 : i32, i32, i32
  }
  func.func @transform_4(%arg0: i32, %arg1: i32) -> (i32, i32, i32) {
    %c0_i32 = arith.constant 0 : i32
    %c0_i32_0 = arith.constant 0 : i32
    return %arg0, %arg1, %c0_i32 : i32, i32, i32
  }
  func.func @transform_5(%arg0: i32, %arg1: i32) -> (i32, i32) {
    %c0_i32 = arith.constant 0 : i32
    %c0_i32_0 = arith.constant 0 : i32
    %c0_i32_1 = arith.constant 0 : i32
    return %c0_i32, %c0_i32_0 : i32, i32
  }
  func.func @transform_6(%arg0: i32, %arg1: i32) -> (i32, i32) {
    %c0_i32 = arith.constant 0 : i32
    %c0_i32_0 = arith.constant 0 : i32
    %c0_i32_1 = arith.constant 0 : i32
    return %c0_i32, %c0_i32_0 : i32, i32
  }
  func.func @transform_7(%arg0: i32, %arg1: i32) -> (i32, i32) {
    %c0_i32 = arith.constant 0 : i32
    %c0_i32_0 = arith.constant 0 : i32
    %c0_i32_1 = arith.constant 0 : i32
    return %c0_i32, %c0_i32_0 : i32, i32
  }
  func.func @transform_8(%arg0: i32, %arg1: i32) -> (i32, i32, i32) {
    %c0_i32 = arith.constant 0 : i32
    %c0_i32_0 = arith.constant 0 : i32
    return %arg0, %arg1, %c0_i32 : i32, i32, i32
  }
}

module attributes {stable_mosaic.version = 14 : i64} {
  func.func @_conv_body(%arg0: i32, %arg1: i32, %arg2: memref<1x256x8xf32, #tpu.memory_space<vmem>>, %arg3: memref<1x8x2048xf32, #tpu.memory_space<vmem>>, %arg4: memref<1x1x2048xf32, #tpu.memory_space<vmem>>, %arg5: memref<1x2048x132xf32, #tpu.memory_space<vmem>>, %arg6: memref<128x128xf32, #tpu.memory_space<vmem>>, %arg7: memref<132x128xf32, #tpu.memory_space<vmem>>, %arg8: memref<1x256x2048xbf16, #tpu.memory_space<vmem>>, %arg9: memref<1x256x128xf32, #tpu.memory_space<vmem>>) attributes {dimension_semantics = [#tpu.dimension_semantics<arbitrary>, #tpu.dimension_semantics<arbitrary>], iteration_bounds = array<i64: 2, 8>, scalar_prefetch = 0 : i64, scratch_operands = 0 : i64, tpu.core_type = #tpu.core_type<tc>, window_params = [{transform_indices = @transform_0, window_bounds = array<i64: 1, 256, 8>}, {transform_indices = @transform_1, window_bounds = array<i64: 1, 8, 2048>}, {transform_indices = @transform_2, window_bounds = array<i64: 1, 1, 2048>}, {transform_indices = @transform_3, window_bounds = array<i64: 1, 2048, 132>}, {pipeline_mode = #tpu.pipeline_mode<synchronous>, transform_indices = @transform_4, window_bounds = array<i64: 128, 128>}, {pipeline_mode = #tpu.pipeline_mode<synchronous>, transform_indices = @transform_5, window_bounds = array<i64: 132, 128>}, {transform_indices = @transform_6, window_bounds = array<i64: 1, 256, 2048>}, {transform_indices = @transform_7, window_bounds = array<i64: 1, 256, 128>}]} {
    %mul3A = arith.constant 256 : i32
    %mul3A_0 = arith.muli %arg1, %mul3A : i32
    %get3A = arith.constant 0 : index
    %get3A_1 = arith.index_cast %mul3A_0 : i32 to index
    %get3A_2 = arith.constant 0 : index
    %get3A_3 = vector.load %arg5[%get3A, %get3A_1, %get3A_2] : memref<1x2048x132xf32, #tpu.memory_space<vmem>>, vector<1x256x132xf32>
    %get3A_4 = vector.shape_cast %get3A_3 : vector<1x256x132xf32> to vector<256x132xf32>
    %slice3A = vector.extract_strided_slice %get3A_4 {offsets = [0, 0], sizes = [256, 128], strides = [1, 1]} : vector<256x132xf32> to vector<256x128xf32>
    %slice3A_5 = vector.extract_strided_slice %get3A_4 {offsets = [0, 128], sizes = [256, 3], strides = [1, 1]} : vector<256x132xf32> to vector<256x3xf32>
    %slice3A_6 = vector.extract_strided_slice %get3A_4 {offsets = [0, 131], sizes = [256, 1], strides = [1, 1]} : vector<256x132xf32> to vector<256x1xf32>
    %get3A_7 = arith.constant 0 : index
    %get3A_8 = arith.constant 0 : index
    %get3A_9 = arith.constant 0 : index
    %get3A_10 = vector.load %arg8[%get3A_7, %get3A_8, %get3A_9] : memref<1x256x2048xbf16, #tpu.memory_space<vmem>>, vector<1x256x2048xbf16>
    %get3A_11 = vector.shape_cast %get3A_10 : vector<1x256x2048xbf16> to vector<256x2048xbf16>
    %convert_element_type3A = arith.extf %get3A_11 : vector<256x2048xbf16> to vector<256x2048xf32>
    %get3A_12 = arith.constant 0 : index
    %get3A_13 = arith.constant 0 : index
    %get3A_14 = arith.constant 0 : index
    %get3A_15 = vector.load %arg5[%get3A_12, %get3A_13, %get3A_14] : memref<1x2048x132xf32, #tpu.memory_space<vmem>>, vector<1x2048x132xf32>
    %get3A_16 = vector.shape_cast %get3A_15 : vector<1x2048x132xf32> to vector<2048x132xf32>
    %dot_general3A = arith.constant dense<0.000000e+00> : vector<256x132xf32>
    %dot_general3A_17 = tpu.matmul %convert_element_type3A, %get3A_16, %dot_general3A {dimension_numbers = #tpu.dot_dimension_numbers<[1], [0], [0], [1], [0, 0, 1, 1], [], []>, transpose_lhs_hint = false} : vector<256x2048xf32>, vector<2048x132xf32>, vector<256x132xf32> -> vector<256x132xf32>
    %slice3A_18 = vector.extract_strided_slice %dot_general3A_17 {offsets = [0, 0], sizes = [256, 128], strides = [1, 1]} : vector<256x132xf32> to vector<256x128xf32>
    %slice3A_19 = vector.extract_strided_slice %dot_general3A_17 {offsets = [0, 128], sizes = [256, 3], strides = [1, 1]} : vector<256x132xf32> to vector<256x3xf32>
    %slice3A_20 = vector.extract_strided_slice %dot_general3A_17 {offsets = [0, 131], sizes = [256, 1], strides = [1, 1]} : vector<256x132xf32> to vector<256x1xf32>
    %sub3A = arith.subf %slice3A_5, %slice3A_19 : vector<256x3xf32>
    %mul3A_21 = arith.mulf %slice3A_5, %slice3A_19 : vector<256x3xf32>
    %reduce_sum3A = arith.constant dense<0.000000e+00> : vector<256xf32>
    %reduce_sum3A_22 = vector.multi_reduction <add>, %mul3A_21, %reduce_sum3A [1] : vector<256x3xf32> to vector<256xf32>
    %broadcast_in_dim3A = vector.shape_cast %reduce_sum3A_22 : vector<256xf32> to vector<256x1xf32>
    %mul3A_23 = arith.constant 2.000000e+00 : f32
    %mul3A_24 = vector.broadcast %mul3A_23 : f32 to vector<256x1xf32>
    %mul3A_25 = arith.mulf %mul3A_24, %broadcast_in_dim3A : vector<256x1xf32>
    %sub3A_26 = arith.subf %slice3A_6, %mul3A_25 : vector<256x1xf32>
    %add3A = arith.addf %sub3A_26, %slice3A_20 : vector<256x1xf32>
    %concatenate3A = tpu.concatenate %slice3A_18, %sub3A, %add3A in 1 : vector<256x128xf32>, vector<256x3xf32>, vector<256x1xf32> -> vector<256x132xf32>
    %get3A_27 = arith.constant 0 : index
    %get3A_28 = arith.constant 0 : index
    %get3A_29 = vector.load %arg6[%get3A_27, %get3A_28] : memref<128x128xf32, #tpu.memory_space<vmem>>, vector<128x128xf32>
    %dot_general3A_30 = arith.constant dense<0.000000e+00> : vector<256x128xf32>
    %dot_general3A_31 = tpu.matmul %slice3A, %get3A_29, %dot_general3A_30 {dimension_numbers = #tpu.dot_dimension_numbers<[1], [0], [0], [1], [0, 0, 1, 1], [], []>, transpose_lhs_hint = false} : vector<256x128xf32>, vector<128x128xf32>, vector<256x128xf32> -> vector<256x128xf32>
    %get3A_32 = arith.constant 0 : index
    %get3A_33 = arith.constant 0 : index
    %get3A_34 = vector.load %arg7[%get3A_32, %get3A_33] : memref<132x128xf32, #tpu.memory_space<vmem>>, vector<132x128xf32>
    %dot_general3A_35 = arith.constant dense<0.000000e+00> : vector<256x128xf32>
    %dot_general3A_36 = tpu.matmul %concatenate3A, %get3A_34, %dot_general3A_35 {dimension_numbers = #tpu.dot_dimension_numbers<[1], [0], [0], [1], [0, 0, 1, 1], [], []>, transpose_lhs_hint = false} : vector<256x132xf32>, vector<132x128xf32>, vector<256x128xf32> -> vector<256x128xf32>
    %add3A_37 = arith.addf %dot_general3A_31, %dot_general3A_36 : vector<256x128xf32>
    %ge3A = arith.constant 0.000000e+00 : f32
    %ge3A_38 = vector.broadcast %ge3A : f32 to vector<256x128xf32>
    %ge3A_39 = arith.cmpf oge, %add3A_37, %ge3A_38 : vector<256x128xf32>
    %mul3A_40 = arith.constant 2.000000e-01 : f32
    %mul3A_41 = vector.broadcast %mul3A_40 : f32 to vector<256x128xf32>
    %mul3A_42 = arith.mulf %mul3A_41, %add3A_37 : vector<256x128xf32>
    %select_n3A = arith.select %ge3A_39, %add3A_37, %mul3A_42 : vector<256x128xi1>, vector<256x128xf32>
    %swap3A = arith.constant 0 : index
    %swap3A_43 = arith.constant 0 : index
    %swap3A_44 = arith.constant 0 : index
    %swap3A_45 = vector.load %arg9[%swap3A, %swap3A_43, %swap3A_44] : memref<1x256x128xf32, #tpu.memory_space<vmem>>, vector<1x256x128xf32>
    %swap3A_46 = vector.shape_cast %swap3A_45 : vector<1x256x128xf32> to vector<256x128xf32>
    %swap3A_47 = vector.shape_cast %select_n3A : vector<256x128xf32> to vector<1x256x128xf32>
    tpu.vector_store %arg9[%swap3A, %swap3A_43, %swap3A_44], %swap3A_47 {strides = array<i32>} : memref<1x256x128xf32, #tpu.memory_space<vmem>>, vector<1x256x128xf32>,
    return
  }
  func.func @transform_0(%arg0: i32, %arg1: i32) -> (i32, i32, i32) {
    %c0_i32 = arith.constant 0 : i32
    %c0_i32_0 = arith.constant 0 : i32
    return %arg0, %arg1, %c0_i32 : i32, i32, i32
  }
  func.func @transform_1(%arg0: i32, %arg1: i32) -> (i32, i32, i32) {
    %c0_i32 = arith.constant 0 : i32
    %c0_i32_0 = arith.constant 0 : i32
    %c0_i32_1 = arith.constant 0 : i32
    return %arg0, %c0_i32, %c0_i32_0 : i32, i32, i32
  }
  func.func @transform_2(%arg0: i32, %arg1: i32) -> (i32, i32, i32) {
    %c0_i32 = arith.constant 0 : i32
    %c0_i32_0 = arith.constant 0 : i32
    %c0_i32_1 = arith.constant 0 : i32
    return %arg0, %c0_i32, %c0_i32_0 : i32, i32, i32
  }
  func.func @transform_3(%arg0: i32, %arg1: i32) -> (i32, i32, i32) {
    %c0_i32 = arith.constant 0 : i32
    %c0_i32_0 = arith.constant 0 : i32
    %c0_i32_1 = arith.constant 0 : i32
    return %arg0, %c0_i32, %c0_i32_0 : i32, i32, i32
  }
  func.func @transform_4(%arg0: i32, %arg1: i32) -> (i32, i32) {
    %c0_i32 = arith.constant 0 : i32
    %c0_i32_0 = arith.constant 0 : i32
    %c0_i32_1 = arith.constant 0 : i32
    return %c0_i32, %c0_i32_0 : i32, i32
  }
  func.func @transform_5(%arg0: i32, %arg1: i32) -> (i32, i32) {
    %c0_i32 = arith.constant 0 : i32
    %c0_i32_0 = arith.constant 0 : i32
    %c0_i32_1 = arith.constant 0 : i32
    return %c0_i32, %c0_i32_0 : i32, i32
  }
  func.func @transform_6(%arg0: i32, %arg1: i32) -> (i32, i32, i32) {
    %c0_i32 = arith.constant 0 : i32
    %c0_i32_0 = arith.constant 0 : i32
    return %arg0, %arg1, %c0_i32 : i32, i32, i32
  }
  func.func @transform_7(%arg0: i32, %arg1: i32) -> (i32, i32, i32) {
    %c0_i32 = arith.constant 0 : i32
    %c0_i32_0 = arith.constant 0 : i32
    return %arg0, %arg1, %c0_i32 : i32, i32, i32
  }
}

module attributes {stable_mosaic.version = 14 : i64} {
  func.func @_up_body(%arg0: i32, %arg1: i32, %arg2: memref<1x512x8xf32, #tpu.memory_space<vmem>>, %arg3: memref<1x8x2048xf32, #tpu.memory_space<vmem>>, %arg4: memref<1x1x2048xf32, #tpu.memory_space<vmem>>, %arg5: memref<1x2048x128xf32, #tpu.memory_space<vmem>>, %arg6: memref<1x512x64xf32, #tpu.memory_space<vmem>>, %arg7: memref<128x64xf32, #tpu.memory_space<vmem>>, %arg8: memref<64x64xf32, #tpu.memory_space<vmem>>, %arg9: memref<1x64xf32, #tpu.memory_space<vmem>>, %arg10: memref<1x512x64xf32, #tpu.memory_space<vmem>>) attributes {dimension_semantics = [#tpu.dimension_semantics<arbitrary>, #tpu.dimension_semantics<arbitrary>], iteration_bounds = array<i64: 2, 8>, scalar_prefetch = 0 : i64, scratch_operands = 0 : i64, tpu.core_type = #tpu.core_type<tc>, window_params = [{transform_indices = @transform_0, window_bounds = array<i64: 1, 512, 8>}, {transform_indices = @transform_1, window_bounds = array<i64: 1, 8, 2048>}, {transform_indices = @transform_2, window_bounds = array<i64: 1, 1, 2048>}, {transform_indices = @transform_3, window_bounds = array<i64: 1, 2048, 128>}, {transform_indices = @transform_4, window_bounds = array<i64: 1, 512, 64>}, {pipeline_mode = #tpu.pipeline_mode<synchronous>, transform_indices = @transform_5, window_bounds = array<i64: 128, 64>}, {pipeline_mode = #tpu.pipeline_mode<synchronous>, transform_indices = @transform_6, window_bounds = array<i64: 64, 64>}, {pipeline_mode = #tpu.pipeline_mode<synchronous>, transform_indices = @transform_7, window_bounds = array<i64: 1, 64>}, {transform_indices = @transform_8, window_bounds = array<i64: 1, 512, 64>}]} {
    %get3A = arith.constant 0 : index
    %get3A_0 = arith.constant 0 : index
    %get3A_1 = arith.constant 0 : index
    %get3A_2 = vector.load %arg2[%get3A, %get3A_0, %get3A_1] : memref<1x512x8xf32, #tpu.memory_space<vmem>>, vector<1x512x8xf32>
    %get3A_3 = vector.shape_cast %get3A_2 : vector<1x512x8xf32> to vector<512x8xf32>
    %get3A_4 = arith.constant 0 : index
    %get3A_5 = arith.constant 0 : index
    %get3A_6 = arith.constant 0 : index
    %get3A_7 = vector.load %arg3[%get3A_4, %get3A_5, %get3A_6] : memref<1x8x2048xf32, #tpu.memory_space<vmem>>, vector<1x8x2048xf32>
    %get3A_8 = vector.shape_cast %get3A_7 : vector<1x8x2048xf32> to vector<8x2048xf32>
    %slice3A = vector.extract_strided_slice %get3A_3 {offsets = [0, 0], sizes = [512, 1], strides = [1, 1]} : vector<512x8xf32> to vector<512x1xf32>
    %slice3A_9 = vector.extract_strided_slice %get3A_3 {offsets = [0, 0], sizes = [512, 1], strides = [1, 1]} : vector<512x8xf32> to vector<512x1xf32>
    %mul3A = arith.mulf %slice3A, %slice3A_9 : vector<512x1xf32>
    %slice3A_10 = vector.extract_strided_slice %get3A_3 {offsets = [0, 1], sizes = [512, 1], strides = [1, 1]} : vector<512x8xf32> to vector<512x1xf32>
    %slice3A_11 = vector.extract_strided_slice %get3A_3 {offsets = [0, 1], sizes = [512, 1], strides = [1, 1]} : vector<512x8xf32> to vector<512x1xf32>
    %mul3A_12 = arith.mulf %slice3A_10, %slice3A_11 : vector<512x1xf32>
    %add3A = arith.addf %mul3A, %mul3A_12 : vector<512x1xf32>
    %slice3A_13 = vector.extract_strided_slice %get3A_3 {offsets = [0, 2], sizes = [512, 1], strides = [1, 1]} : vector<512x8xf32> to vector<512x1xf32>
    %slice3A_14 = vector.extract_strided_slice %get3A_3 {offsets = [0, 2], sizes = [512, 1], strides = [1, 1]} : vector<512x8xf32> to vector<512x1xf32>
    %mul3A_15 = arith.mulf %slice3A_13, %slice3A_14 : vector<512x1xf32>
    %add3A_16 = arith.addf %add3A, %mul3A_15 : vector<512x1xf32>
    %convert_element_type3A = arith.truncf %get3A_3 : vector<512x8xf32> to vector<512x8xbf16>
    %convert_element_type3A_17 = arith.extf %convert_element_type3A : vector<512x8xbf16> to vector<512x8xf32>
    %convert_element_type3A_18 = arith.truncf %get3A_8 : vector<8x2048xf32> to vector<8x2048xbf16>
    %convert_element_type3A_19 = arith.extf %convert_element_type3A_18 : vector<8x2048xbf16> to vector<8x2048xf32>
    %slice3A_20 = vector.extract_strided_slice %convert_element_type3A_17 {offsets = [0, 0], sizes = [512, 1], strides = [1, 1]} : vector<512x8xf32> to vector<512x1xf32>
    %slice3A_21 = vector.extract_strided_slice %convert_element_type3A_19 {offsets = [0, 0], sizes = [1, 2048], strides = [1, 1]} : vector<8x2048xf32> to vector<1x2048xf32>
    %mul3A_22 = vector.broadcast %slice3A_20 : vector<512x1xf32> to vector<512x2048xf32>
    %mul3A_23 = vector.broadcast %slice3A_21 : vector<1x2048xf32> to vector<512x2048xf32>
    %mul3A_24 = arith.mulf %mul3A_22, %mul3A_23 : vector<512x2048xf32>
    %slice3A_25 = vector.extract_strided_slice %convert_element_type3A_17 {offsets = [0, 1], sizes = [512, 1], strides = [1, 1]} : vector<512x8xf32> to vector<512x1xf32>
    %slice3A_26 = vector.extract_strided_slice %convert_element_type3A_19 {offsets = [1, 0], sizes = [1, 2048], strides = [1, 1]} : vector<8x2048xf32> to vector<1x2048xf32>
    %mul3A_27 = vector.broadcast %slice3A_25 : vector<512x1xf32> to vector<512x2048xf32>
    %mul3A_28 = vector.broadcast %slice3A_26 : vector<1x2048xf32> to vector<512x2048xf32>
    %mul3A_29 = arith.mulf %mul3A_27, %mul3A_28 : vector<512x2048xf32>
    %add3A_30 = arith.addf %mul3A_24, %mul3A_29 : vector<512x2048xf32>
    %slice3A_31 = vector.extract_strided_slice %convert_element_type3A_17 {offsets = [0, 2], sizes = [512, 1], strides = [1, 1]} : vector<512x8xf32> to vector<512x1xf32>
    %slice3A_32 = vector.extract_strided_slice %convert_element_type3A_19 {offsets = [2, 0], sizes = [1, 2048], strides = [1, 1]} : vector<8x2048xf32> to vector<1x2048xf32>
    %mul3A_33 = vector.broadcast %slice3A_31 : vector<512x1xf32> to vector<512x2048xf32>
    %mul3A_34 = vector.broadcast %slice3A_32 : vector<1x2048xf32> to vector<512x2048xf32>
    %mul3A_35 = arith.mulf %mul3A_33, %mul3A_34 : vector<512x2048xf32>
    %add3A_36 = arith.addf %add3A_30, %mul3A_35 : vector<512x2048xf32>
    %get3A_37 = arith.constant 0 : index
    %get3A_38 = arith.constant 0 : index
    %get3A_39 = arith.constant 0 : index
    %get3A_40 = vector.load %arg4[%get3A_37, %get3A_38, %get3A_39] : memref<1x1x2048xf32, #tpu.memory_space<vmem>>, vector<1x1x2048xf32>
    %get3A_41 = vector.shape_cast %get3A_40 : vector<1x1x2048xf32> to vector<1x2048xf32>
    %add3A_42 = vector.broadcast %add3A_16 : vector<512x1xf32> to vector<512x2048xf32>
    %add3A_43 = vector.broadcast %get3A_41 : vector<1x2048xf32> to vector<512x2048xf32>
    %add3A_44 = arith.addf %add3A_42, %add3A_43 : vector<512x2048xf32>
    %mul3A_45 = arith.constant 2.000000e+00 : f32
    %mul3A_46 = vector.broadcast %mul3A_45 : f32 to vector<512x2048xf32>
    %mul3A_47 = arith.mulf %mul3A_46, %add3A_36 : vector<512x2048xf32>
    %sub3A = arith.subf %add3A_44, %mul3A_47 : vector<512x2048xf32>
    %max3A = arith.constant 0.000000e+00 : f32
    %max3A_48 = vector.broadcast %max3A : f32 to vector<512x2048xf32>
    %max3A_49 = arith.maximumf %sub3A, %max3A_48 : vector<512x2048xf32>
    %iota3A = tpu.iota {dimensions = array<i32: 1>} : vector<512x2048xi32>
    %broadcast_in_dim3A = arith.constant 0.000000e+00 : f32
    %broadcast_in_dim3A_50 = vector.broadcast %broadcast_in_dim3A : f32 to vector<512x2048xf32>
    %reduce_min3A = arith.constant dense<0x7F800000> : vector<512xf32>
    %reduce_min3A_51 = vector.multi_reduction <minimumf>, %max3A_49, %reduce_min3A [1] : vector<512x2048xf32> to vector<512xf32>
    %broadcast_in_dim3A_52 = vector.shape_cast %reduce_min3A_51 : vector<512xf32> to vector<512x1xf32>
    %eq3A = vector.broadcast %broadcast_in_dim3A_52 : vector<512x1xf32> to vector<512x2048xf32>
    %eq3A_53 = arith.cmpf oeq, %max3A_49, %eq3A : vector<512x2048xf32>
    %jit3A = arith.constant 2048 : i32
    %broadcast_in_dim3A_54 = vector.broadcast %jit3A : i32 to vector<512x2048xi32>
    %select_n3A = arith.select %eq3A_53, %iota3A, %broadcast_in_dim3A_54 : vector<512x2048xi1>, vector<512x2048xi32>
    %reduce_min3A_55 = arith.constant dense<2147483647> : vector<512xi32>
    %reduce_min3A_56 = vector.multi_reduction <minsi>, %select_n3A, %reduce_min3A_55 [1] : vector<512x2048xi32> to vector<512xi32>
    %broadcast_in_dim3A_57 = vector.shape_cast %reduce_min3A_56 : vector<512xi32> to vector<512x1xi32>
    %eq3A_58 = vector.broadcast %broadcast_in_dim3A_57 : vector<512x1xi32> to vector<512x2048xi32>
    %eq3A_59 = arith.cmpi eq, %iota3A, %eq3A_58 : vector<512x2048xi32>
    %convert_element_type3A_60 = arith.extui %eq3A_59 : vector<512x2048xi1> to vector<512x2048xi32>
    %convert_element_type3A_61 = arith.sitofp %convert_element_type3A_60 : vector<512x2048xi32> to vector<512x2048xf32>
    %max3A_62 = arith.maximumf %broadcast_in_dim3A_50, %convert_element_type3A_61 : vector<512x2048xf32>
    %jit3A_63 = arith.constant 0x7F800000 : f32
    %broadcast_in_dim3A_64 = vector.broadcast %jit3A_63 : f32 to vector<512x2048xf32>
    %select_n3A_65 = arith.select %eq3A_59, %broadcast_in_dim3A_64, %max3A_49 : vector<512x2048xi1>, vector<512x2048xf32>
    %reduce_min3A_66 = arith.constant dense<0x7F800000> : vector<512xf32>
    %reduce_min3A_67 = vector.multi_reduction <minimumf>, %select_n3A_65, %reduce_min3A_66 [1] : vector<512x2048xf32> to vector<512xf32>
    %broadcast_in_dim3A_68 = vector.shape_cast %reduce_min3A_67 : vector<512xf32> to vector<512x1xf32>
    %eq3A_69 = vector.broadcast %broadcast_in_dim3A_68 : vector<512x1xf32> to vector<512x2048xf32>
    %eq3A_70 = arith.cmpf oeq, %select_n3A_65, %eq3A_69 : vector<512x2048xf32>
    %jit3A_71 = arith.constant 2048 : i32
    %broadcast_in_dim3A_72 = vector.broadcast %jit3A_71 : i32 to vector<512x2048xi32>
    %select_n3A_73 = arith.select %eq3A_70, %iota3A, %broadcast_in_dim3A_72 : vector<512x2048xi1>, vector<512x2048xi32>
    %reduce_min3A_74 = arith.constant dense<2147483647> : vector<512xi32>
    %reduce_min3A_75 = vector.multi_reduction <minsi>, %select_n3A_73, %reduce_min3A_74 [1] : vector<512x2048xi32> to vector<512xi32>
    %broadcast_in_dim3A_76 = vector.shape_cast %reduce_min3A_75 : vector<512xi32> to vector<512x1xi32>
    %eq3A_77 = vector.broadcast %broadcast_in_dim3A_76 : vector<512x1xi32> to vector<512x2048xi32>
    %eq3A_78 = arith.cmpi eq, %iota3A, %eq3A_77 : vector<512x2048xi32>
    %convert_element_type3A_79 = arith.extui %eq3A_78 : vector<512x2048xi1> to vector<512x2048xi32>
    %convert_element_type3A_80 = arith.sitofp %convert_element_type3A_79 : vector<512x2048xi32> to vector<512x2048xf32>
    %max3A_81 = arith.maximumf %max3A_62, %convert_element_type3A_80 : vector<512x2048xf32>
    %jit3A_82 = arith.constant 0x7F800000 : f32
    %broadcast_in_dim3A_83 = vector.broadcast %jit3A_82 : f32 to vector<512x2048xf32>
    %select_n3A_84 = arith.select %eq3A_78, %broadcast_in_dim3A_83, %select_n3A_65 : vector<512x2048xi1>, vector<512x2048xf32>
    %reduce_min3A_85 = arith.constant dense<0x7F800000> : vector<512xf32>
    %reduce_min3A_86 = vector.multi_reduction <minimumf>, %select_n3A_84, %reduce_min3A_85 [1] : vector<512x2048xf32> to vector<512xf32>
    %broadcast_in_dim3A_87 = vector.shape_cast %reduce_min3A_86 : vector<512xf32> to vector<512x1xf32>
    %eq3A_88 = vector.broadcast %broadcast_in_dim3A_87 : vector<512x1xf32> to vector<512x2048xf32>
    %eq3A_89 = arith.cmpf oeq, %select_n3A_84, %eq3A_88 : vector<512x2048xf32>
    %jit3A_90 = arith.constant 2048 : i32
    %broadcast_in_dim3A_91 = vector.broadcast %jit3A_90 : i32 to vector<512x2048xi32>
    %select_n3A_92 = arith.select %eq3A_89, %iota3A, %broadcast_in_dim3A_91 : vector<512x2048xi1>, vector<512x2048xi32>
    %reduce_min3A_93 = arith.constant dense<2147483647> : vector<512xi32>
    %reduce_min3A_94 = vector.multi_reduction <minsi>, %select_n3A_92, %reduce_min3A_93 [1] : vector<512x2048xi32> to vector<512xi32>
    %broadcast_in_dim3A_95 = vector.shape_cast %reduce_min3A_94 : vector<512xi32> to vector<512x1xi32>
    %eq3A_96 = vector.broadcast %broadcast_in_dim3A_95 : vector<512x1xi32> to vector<512x2048xi32>
    %eq3A_97 = arith.cmpi eq, %iota3A, %eq3A_96 : vector<512x2048xi32>
    %convert_element_type3A_98 = arith.extui %eq3A_97 : vector<512x2048xi1> to vector<512x2048xi32>
    %convert_element_type3A_99 = arith.sitofp %convert_element_type3A_98 : vector<512x2048xi32> to vector<512x2048xf32>
    %max3A_100 = arith.maximumf %max3A_81, %convert_element_type3A_99 : vector<512x2048xf32>
    %add3A_101 = arith.constant 9.99999993E-9 : f32
    %add3A_102 = vector.broadcast %add3A_101 : f32 to vector<512x2048xf32>
    %add3A_103 = arith.addf %max3A_49, %add3A_102 : vector<512x2048xf32>
    %div3A = arith.divf %max3A_100, %add3A_103 : vector<512x2048xf32>
    %reduce_sum3A = arith.constant dense<0.000000e+00> : vector<512xf32>
    %reduce_sum3A_104 = vector.multi_reduction <add>, %div3A, %reduce_sum3A [1] : vector<512x2048xf32> to vector<512xf32>
    %broadcast_in_dim3A_105 = vector.shape_cast %reduce_sum3A_104 : vector<512xf32> to vector<512x1xf32>
    %div3A_106 = vector.broadcast %broadcast_in_dim3A_105 : vector<512x1xf32> to vector<512x2048xf32>
    %div3A_107 = arith.divf %div3A, %div3A_106 : vector<512x2048xf32>
    %get3A_108 = arith.constant 0 : index
    %get3A_109 = arith.constant 0 : index
    %get3A_110 = arith.constant 0 : index
    %get3A_111 = vector.load %arg5[%get3A_108, %get3A_109, %get3A_110] : memref<1x2048x128xf32, #tpu.memory_space<vmem>>, vector<1x2048x128xf32>
    %get3A_112 = vector.shape_cast %get3A_111 : vector<1x2048x128xf32> to vector<2048x128xf32>
    %dot_general3A = arith.constant dense<0.000000e+00> : vector<512x128xf32>
    %dot_general3A_113 = tpu.matmul %div3A_107, %get3A_112, %dot_general3A {dimension_numbers = #tpu.dot_dimension_numbers<[1], [0], [0], [1], [0, 0, 1, 1], [], []>, transpose_lhs_hint = false} : vector<512x2048xf32>, vector<2048x128xf32>, vector<512x128xf32> -> vector<512x128xf32>
    %get3A_114 = arith.constant 0 : index
    %get3A_115 = arith.constant 0 : index
    %get3A_116 = vector.load %arg7[%get3A_114, %get3A_115] : memref<128x64xf32, #tpu.memory_space<vmem>>, vector<128x64xf32>
    %dot_general3A_117 = arith.constant dense<0.000000e+00> : vector<512x64xf32>
    %dot_general3A_118 = tpu.matmul %dot_general3A_113, %get3A_116, %dot_general3A_117 {dimension_numbers = #tpu.dot_dimension_numbers<[1], [0], [0], [1], [0, 0, 1, 1], [], []>, transpose_lhs_hint = false} : vector<512x128xf32>, vector<128x64xf32>, vector<512x64xf32> -> vector<512x64xf32>
    %get3A_119 = arith.constant 0 : index
    %get3A_120 = arith.constant 0 : index
    %get3A_121 = arith.constant 0 : index
    %get3A_122 = vector.load %arg6[%get3A_119, %get3A_120, %get3A_121] : memref<1x512x64xf32, #tpu.memory_space<vmem>>, vector<1x512x64xf32>
    %get3A_123 = vector.shape_cast %get3A_122 : vector<1x512x64xf32> to vector<512x64xf32>
    %get3A_124 = arith.constant 0 : index
    %get3A_125 = arith.constant 0 : index
    %get3A_126 = vector.load %arg8[%get3A_124, %get3A_125] : memref<64x64xf32, #tpu.memory_space<vmem>>, vector<64x64xf32>
    %dot_general3A_127 = arith.constant dense<0.000000e+00> : vector<512x64xf32>
    %dot_general3A_128 = tpu.matmul %get3A_123, %get3A_126, %dot_general3A_127 {dimension_numbers = #tpu.dot_dimension_numbers<[1], [0], [0], [1], [0, 0, 1, 1], [], []>, transpose_lhs_hint = false} : vector<512x64xf32>, vector<64x64xf32>, vector<512x64xf32> -> vector<512x64xf32>
    %add3A_129 = arith.addf %dot_general3A_118, %dot_general3A_128 : vector<512x64xf32>
    %get3A_130 = arith.constant 0 : index
    %get3A_131 = arith.constant 0 : index
    %get3A_132 = vector.load %arg9[%get3A_130, %get3A_131] : memref<1x64xf32, #tpu.memory_space<vmem>>, vector<1x64xf32>
    %add3A_133 = vector.broadcast %get3A_132 : vector<1x64xf32> to vector<512x64xf32>
    %add3A_134 = arith.addf %add3A_129, %add3A_133 : vector<512x64xf32>
    %ge3A = arith.constant 0.000000e+00 : f32
    %ge3A_135 = vector.broadcast %ge3A : f32 to vector<512x64xf32>
    %ge3A_136 = arith.cmpf oge, %add3A_134, %ge3A_135 : vector<512x64xf32>
    %mul3A_137 = arith.constant 2.000000e-01 : f32
    %mul3A_138 = vector.broadcast %mul3A_137 : f32 to vector<512x64xf32>
    %mul3A_139 = arith.mulf %mul3A_138, %add3A_134 : vector<512x64xf32>
    %select_n3A_140 = arith.select %ge3A_136, %add3A_134, %mul3A_139 : vector<512x64xi1>, vector<512x64xf32>
    %swap3A = arith.constant 0 : index
    %swap3A_141 = arith.constant 0 : index
    %swap3A_142 = arith.constant 0 : index
    %swap3A_143 = vector.load %arg10[%swap3A, %swap3A_141, %swap3A_142] : memref<1x512x64xf32, #tpu.memory_space<vmem>>, vector<1x512x64xf32>
    %swap3A_144 = vector.shape_cast %swap3A_143 : vector<1x512x64xf32> to vector<512x64xf32>
    %swap3A_145 = vector.shape_cast %select_n3A_140 : vector<512x64xf32> to vector<1x512x64xf32>
    tpu.vector_store %arg10[%swap3A, %swap3A_141, %swap3A_142], %swap3A_145 {strides = array<i32>} : memref<1x512x64xf32, #tpu.memory_space<vmem>>, vector<1x512x64xf32>,
    return
  }
  func.func @transform_0(%arg0: i32, %arg1: i32) -> (i32, i32, i32) {
    %c0_i32 = arith.constant 0 : i32
    %c0_i32_0 = arith.constant 0 : i32
    return %arg0, %arg1, %c0_i32 : i32, i32, i32
  }
  func.func @transform_1(%arg0: i32, %arg1: i32) -> (i32, i32, i32) {
    %c0_i32 = arith.constant 0 : i32
    %c0_i32_0 = arith.constant 0 : i32
    %c0_i32_1 = arith.constant 0 : i32
    return %arg0, %c0_i32, %c0_i32_0 : i32, i32, i32
  }
  func.func @transform_2(%arg0: i32, %arg1: i32) -> (i32, i32, i32) {
    %c0_i32 = arith.constant 0 : i32
    %c0_i32_0 = arith.constant 0 : i32
    %c0_i32_1 = arith.constant 0 : i32
    return %arg0, %c0_i32, %c0_i32_0 : i32, i32, i32
  }
  func.func @transform_3(%arg0: i32, %arg1: i32) -> (i32, i32, i32) {
    %c0_i32 = arith.constant 0 : i32
    %c0_i32_0 = arith.constant 0 : i32
    %c0_i32_1 = arith.constant 0 : i32
    return %arg0, %c0_i32, %c0_i32_0 : i32, i32, i32
  }
  func.func @transform_4(%arg0: i32, %arg1: i32) -> (i32, i32, i32) {
    %c0_i32 = arith.constant 0 : i32
    %c0_i32_0 = arith.constant 0 : i32
    return %arg0, %arg1, %c0_i32 : i32, i32, i32
  }
  func.func @transform_5(%arg0: i32, %arg1: i32) -> (i32, i32) {
    %c0_i32 = arith.constant 0 : i32
    %c0_i32_0 = arith.constant 0 : i32
    %c0_i32_1 = arith.constant 0 : i32
    return %c0_i32, %c0_i32_0 : i32, i32
  }
  func.func @transform_6(%arg0: i32, %arg1: i32) -> (i32, i32) {
    %c0_i32 = arith.constant 0 : i32
    %c0_i32_0 = arith.constant 0 : i32
    %c0_i32_1 = arith.constant 0 : i32
    return %c0_i32, %c0_i32_0 : i32, i32
  }
  func.func @transform_7(%arg0: i32, %arg1: i32) -> (i32, i32) {
    %c0_i32 = arith.constant 0 : i32
    %c0_i32_0 = arith.constant 0 : i32
    %c0_i32_1 = arith.constant 0 : i32
    return %c0_i32, %c0_i32_0 : i32, i32
  }
  func.func @transform_8(%arg0: i32, %arg1: i32) -> (i32, i32, i32) {
    %c0_i32 = arith.constant 0 : i32
    %c0_i32_0 = arith.constant 0 : i32
    return %arg0, %arg1, %c0_i32 : i32, i32, i32
  }
}

module attributes {stable_mosaic.version = 14 : i64} {
  func.func @_conv_body(%arg0: i32, %arg1: i32, %arg2: memref<1x256x8xf32, #tpu.memory_space<vmem>>, %arg3: memref<1x8x4096xf32, #tpu.memory_space<vmem>>, %arg4: memref<1x1x4096xf32, #tpu.memory_space<vmem>>, %arg5: memref<1x4096x68xf32, #tpu.memory_space<vmem>>, %arg6: memref<64x64xf32, #tpu.memory_space<vmem>>, %arg7: memref<68x64xf32, #tpu.memory_space<vmem>>, %arg8: memref<1x256x4096xbf16, #tpu.memory_space<vmem>>, %arg9: memref<1x256x64xf32, #tpu.memory_space<vmem>>) attributes {dimension_semantics = [#tpu.dimension_semantics<arbitrary>, #tpu.dimension_semantics<arbitrary>], iteration_bounds = array<i64: 2, 16>, scalar_prefetch = 0 : i64, scratch_operands = 0 : i64, tpu.core_type = #tpu.core_type<tc>, window_params = [{transform_indices = @transform_0, window_bounds = array<i64: 1, 256, 8>}, {transform_indices = @transform_1, window_bounds = array<i64: 1, 8, 4096>}, {transform_indices = @transform_2, window_bounds = array<i64: 1, 1, 4096>}, {transform_indices = @transform_3, window_bounds = array<i64: 1, 4096, 68>}, {pipeline_mode = #tpu.pipeline_mode<synchronous>, transform_indices = @transform_4, window_bounds = array<i64: 64, 64>}, {pipeline_mode = #tpu.pipeline_mode<synchronous>, transform_indices = @transform_5, window_bounds = array<i64: 68, 64>}, {transform_indices = @transform_6, window_bounds = array<i64: 1, 256, 4096>}, {transform_indices = @transform_7, window_bounds = array<i64: 1, 256, 64>}]} {
    %mul3A = arith.constant 256 : i32
    %mul3A_0 = arith.muli %arg1, %mul3A : i32
    %get3A = arith.constant 0 : index
    %get3A_1 = arith.index_cast %mul3A_0 : i32 to index
    %get3A_2 = arith.constant 0 : index
    %get3A_3 = vector.load %arg5[%get3A, %get3A_1, %get3A_2] : memref<1x4096x68xf32, #tpu.memory_space<vmem>>, vector<1x256x68xf32>
    %get3A_4 = vector.shape_cast %get3A_3 : vector<1x256x68xf32> to vector<256x68xf32>
    %slice3A = vector.extract_strided_slice %get3A_4 {offsets = [0, 0], sizes = [256, 64], strides = [1, 1]} : vector<256x68xf32> to vector<256x64xf32>
    %slice3A_5 = vector.extract_strided_slice %get3A_4 {offsets = [0, 64], sizes = [256, 3], strides = [1, 1]} : vector<256x68xf32> to vector<256x3xf32>
    %slice3A_6 = vector.extract_strided_slice %get3A_4 {offsets = [0, 67], sizes = [256, 1], strides = [1, 1]} : vector<256x68xf32> to vector<256x1xf32>
    %get3A_7 = arith.constant 0 : index
    %get3A_8 = arith.constant 0 : index
    %get3A_9 = arith.constant 0 : index
    %get3A_10 = vector.load %arg8[%get3A_7, %get3A_8, %get3A_9] : memref<1x256x4096xbf16, #tpu.memory_space<vmem>>, vector<1x256x4096xbf16>
    %get3A_11 = vector.shape_cast %get3A_10 : vector<1x256x4096xbf16> to vector<256x4096xbf16>
    %convert_element_type3A = arith.extf %get3A_11 : vector<256x4096xbf16> to vector<256x4096xf32>
    %get3A_12 = arith.constant 0 : index
    %get3A_13 = arith.constant 0 : index
    %get3A_14 = arith.constant 0 : index
    %get3A_15 = vector.load %arg5[%get3A_12, %get3A_13, %get3A_14] : memref<1x4096x68xf32, #tpu.memory_space<vmem>>, vector<1x4096x68xf32>
    %get3A_16 = vector.shape_cast %get3A_15 : vector<1x4096x68xf32> to vector<4096x68xf32>
    %dot_general3A = arith.constant dense<0.000000e+00> : vector<256x68xf32>
    %dot_general3A_17 = tpu.matmul %convert_element_type3A, %get3A_16, %dot_general3A {dimension_numbers = #tpu.dot_dimension_numbers<[1], [0], [0], [1], [0, 0, 1, 1], [], []>, transpose_lhs_hint = false} : vector<256x4096xf32>, vector<4096x68xf32>, vector<256x68xf32> -> vector<256x68xf32>
    %slice3A_18 = vector.extract_strided_slice %dot_general3A_17 {offsets = [0, 0], sizes = [256, 64], strides = [1, 1]} : vector<256x68xf32> to vector<256x64xf32>
    %slice3A_19 = vector.extract_strided_slice %dot_general3A_17 {offsets = [0, 64], sizes = [256, 3], strides = [1, 1]} : vector<256x68xf32> to vector<256x3xf32>
    %slice3A_20 = vector.extract_strided_slice %dot_general3A_17 {offsets = [0, 67], sizes = [256, 1], strides = [1, 1]} : vector<256x68xf32> to vector<256x1xf32>
    %sub3A = arith.subf %slice3A_5, %slice3A_19 : vector<256x3xf32>
    %mul3A_21 = arith.mulf %slice3A_5, %slice3A_19 : vector<256x3xf32>
    %reduce_sum3A = arith.constant dense<0.000000e+00> : vector<256xf32>
    %reduce_sum3A_22 = vector.multi_reduction <add>, %mul3A_21, %reduce_sum3A [1] : vector<256x3xf32> to vector<256xf32>
    %broadcast_in_dim3A = vector.shape_cast %reduce_sum3A_22 : vector<256xf32> to vector<256x1xf32>
    %mul3A_23 = arith.constant 2.000000e+00 : f32
    %mul3A_24 = vector.broadcast %mul3A_23 : f32 to vector<256x1xf32>
    %mul3A_25 = arith.mulf %mul3A_24, %broadcast_in_dim3A : vector<256x1xf32>
    %sub3A_26 = arith.subf %slice3A_6, %mul3A_25 : vector<256x1xf32>
    %add3A = arith.addf %sub3A_26, %slice3A_20 : vector<256x1xf32>
    %concatenate3A = tpu.concatenate %slice3A_18, %sub3A, %add3A in 1 : vector<256x64xf32>, vector<256x3xf32>, vector<256x1xf32> -> vector<256x68xf32>
    %get3A_27 = arith.constant 0 : index
    %get3A_28 = arith.constant 0 : index
    %get3A_29 = vector.load %arg6[%get3A_27, %get3A_28] : memref<64x64xf32, #tpu.memory_space<vmem>>, vector<64x64xf32>
    %dot_general3A_30 = arith.constant dense<0.000000e+00> : vector<256x64xf32>
    %dot_general3A_31 = tpu.matmul %slice3A, %get3A_29, %dot_general3A_30 {dimension_numbers = #tpu.dot_dimension_numbers<[1], [0], [0], [1], [0, 0, 1, 1], [], []>, transpose_lhs_hint = false} : vector<256x64xf32>, vector<64x64xf32>, vector<256x64xf32> -> vector<256x64xf32>
    %get3A_32 = arith.constant 0 : index
    %get3A_33 = arith.constant 0 : index
    %get3A_34 = vector.load %arg7[%get3A_32, %get3A_33] : memref<68x64xf32, #tpu.memory_space<vmem>>, vector<68x64xf32>
    %dot_general3A_35 = arith.constant dense<0.000000e+00> : vector<256x64xf32>
    %dot_general3A_36 = tpu.matmul %concatenate3A, %get3A_34, %dot_general3A_35 {dimension_numbers = #tpu.dot_dimension_numbers<[1], [0], [0], [1], [0, 0, 1, 1], [], []>, transpose_lhs_hint = false} : vector<256x68xf32>, vector<68x64xf32>, vector<256x64xf32> -> vector<256x64xf32>
    %add3A_37 = arith.addf %dot_general3A_31, %dot_general3A_36 : vector<256x64xf32>
    %ge3A = arith.constant 0.000000e+00 : f32
    %ge3A_38 = vector.broadcast %ge3A : f32 to vector<256x64xf32>
    %ge3A_39 = arith.cmpf oge, %add3A_37, %ge3A_38 : vector<256x64xf32>
    %mul3A_40 = arith.constant 2.000000e-01 : f32
    %mul3A_41 = vector.broadcast %mul3A_40 : f32 to vector<256x64xf32>
    %mul3A_42 = arith.mulf %mul3A_41, %add3A_37 : vector<256x64xf32>
    %select_n3A = arith.select %ge3A_39, %add3A_37, %mul3A_42 : vector<256x64xi1>, vector<256x64xf32>
    %swap3A = arith.constant 0 : index
    %swap3A_43 = arith.constant 0 : index
    %swap3A_44 = arith.constant 0 : index
    %swap3A_45 = vector.load %arg9[%swap3A, %swap3A_43, %swap3A_44] : memref<1x256x64xf32, #tpu.memory_space<vmem>>, vector<1x256x64xf32>
    %swap3A_46 = vector.shape_cast %swap3A_45 : vector<1x256x64xf32> to vector<256x64xf32>
    %swap3A_47 = vector.shape_cast %select_n3A : vector<256x64xf32> to vector<1x256x64xf32>
    tpu.vector_store %arg9[%swap3A, %swap3A_43, %swap3A_44], %swap3A_47 {strides = array<i32>} : memref<1x256x64xf32, #tpu.memory_space<vmem>>, vector<1x256x64xf32>,
    return
  }
  func.func @transform_0(%arg0: i32, %arg1: i32) -> (i32, i32, i32) {
    %c0_i32 = arith.constant 0 : i32
    %c0_i32_0 = arith.constant 0 : i32
    return %arg0, %arg1, %c0_i32 : i32, i32, i32
  }
  func.func @transform_1(%arg0: i32, %arg1: i32) -> (i32, i32, i32) {
    %c0_i32 = arith.constant 0 : i32
    %c0_i32_0 = arith.constant 0 : i32
    %c0_i32_1 = arith.constant 0 : i32
    return %arg0, %c0_i32, %c0_i32_0 : i32, i32, i32
  }
  func.func @transform_2(%arg0: i32, %arg1: i32) -> (i32, i32, i32) {
    %c0_i32 = arith.constant 0 : i32
    %c0_i32_0 = arith.constant 0 : i32
    %c0_i32_1 = arith.constant 0 : i32
    return %arg0, %c0_i32, %c0_i32_0 : i32, i32, i32
  }
  func.func @transform_3(%arg0: i32, %arg1: i32) -> (i32, i32, i32) {
    %c0_i32 = arith.constant 0 : i32
    %c0_i32_0 = arith.constant 0 : i32
    %c0_i32_1 = arith.constant 0 : i32
    return %arg0, %c0_i32, %c0_i32_0 : i32, i32, i32
  }
  func.func @transform_4(%arg0: i32, %arg1: i32) -> (i32, i32) {
    %c0_i32 = arith.constant 0 : i32
    %c0_i32_0 = arith.constant 0 : i32
    %c0_i32_1 = arith.constant 0 : i32
    return %c0_i32, %c0_i32_0 : i32, i32
  }
  func.func @transform_5(%arg0: i32, %arg1: i32) -> (i32, i32) {
    %c0_i32 = arith.constant 0 : i32
    %c0_i32_0 = arith.constant 0 : i32
    %c0_i32_1 = arith.constant 0 : i32
    return %c0_i32, %c0_i32_0 : i32, i32
  }
  func.func @transform_6(%arg0: i32, %arg1: i32) -> (i32, i32, i32) {
    %c0_i32 = arith.constant 0 : i32
    %c0_i32_0 = arith.constant 0 : i32
    return %arg0, %arg1, %c0_i32 : i32, i32, i32
  }
  func.func @transform_7(%arg0: i32, %arg1: i32) -> (i32, i32, i32) {
    %c0_i32 = arith.constant 0 : i32
    %c0_i32_0 = arith.constant 0 : i32
    return %arg0, %arg1, %c0_i32 : i32, i32, i32
  }
}

module attributes {stable_mosaic.version = 14 : i64} {
  func.func @_proj_kernel(%arg0: memref<8192x64xf32, #tpu.memory_space<vmem>>, %arg1: memref<64x128xf32, #tpu.memory_space<vmem>>, %arg2: memref<1x128xf32, #tpu.memory_space<vmem>>, %arg3: memref<8192x128xf32, #tpu.memory_space<vmem>>) attributes {dimension_semantics = [], scalar_prefetch = 0 : i64, scratch_operands = 0 : i64, tpu.core_type = #tpu.core_type<tc>} {
    %get3A = arith.constant 0 : index
    %get3A_0 = arith.constant 0 : index
    %get3A_1 = vector.load %arg0[%get3A, %get3A_0] : memref<8192x64xf32, #tpu.memory_space<vmem>>, vector<8192x64xf32>
    %get3A_2 = arith.constant 0 : index
    %get3A_3 = arith.constant 0 : index
    %get3A_4 = vector.load %arg1[%get3A_2, %get3A_3] : memref<64x128xf32, #tpu.memory_space<vmem>>, vector<64x128xf32>
    %dot_general3A = arith.constant dense<0.000000e+00> : vector<8192x128xf32>
    %dot_general3A_5 = tpu.matmul %get3A_1, %get3A_4, %dot_general3A {dimension_numbers = #tpu.dot_dimension_numbers<[1], [0], [0], [1], [0, 0, 1, 1], [], []>, transpose_lhs_hint = false} : vector<8192x64xf32>, vector<64x128xf32>, vector<8192x128xf32> -> vector<8192x128xf32>
    %get3A_6 = arith.constant 0 : index
    %get3A_7 = arith.constant 0 : index
    %get3A_8 = vector.load %arg2[%get3A_6, %get3A_7] : memref<1x128xf32, #tpu.memory_space<vmem>>, vector<1x128xf32>
    %add3A = vector.broadcast %get3A_8 : vector<1x128xf32> to vector<8192x128xf32>
    %add3A_9 = arith.addf %dot_general3A_5, %add3A : vector<8192x128xf32>
    %swap3A = arith.constant 0 : index
    %swap3A_10 = arith.constant 0 : index
    %swap3A_11 = vector.load %arg3[%swap3A, %swap3A_10] : memref<8192x128xf32, #tpu.memory_space<vmem>>, vector<8192x128xf32>
    tpu.vector_store %arg3[%swap3A, %swap3A_10], %add3A_9 {strides = array<i32>} : memref<8192x128xf32, #tpu.memory_space<vmem>>, vector<8192x128xf32>,
    return
  }
}

</mosaic_0001>

<sc_bundles>
// kernel: gather_offload_async_start.1
scs
__scs_entry_jumppad:
0x0: {  	(pc) =	sbr.rel $0x88, $3  }
0x1: {  	(tag) =	ssettag $0x0;
	lr =	simm.s32 $0x1  }
0x2: {  	[smem:$0x3F8F] =	sst lr;
	_ =	strace $0xD0000000  }
0x3: {  	_ = 	snop  }
0x4: {  	_ = 	snop  }
0x5: {  	_ = 	snop  }
0x6: {  	_ = 	snop  }
0x7: {  	_ = 	snop  }
__scs_overlays_trampoline_lowered:
0x8: {  	[smem:$0x3F9E] =	sst s0  }
0x9: {  	[smem:$0x3F9F] =	sst s1  }
0xa: {  	[smem:$0x3FA0] =	sst s2  }
0xb: {  	[smem:$0x3FA1] =	sst s3  }
0xc: {  	[smem:$0x3FA2] =	sst s4  }
0xd: {  	[smem:$0x3FA3] =	sst s5  }
0xe: {  	[smem:$0x3FA4] =	sst s6  }
0xf: {  	[smem:$0x3FA5] =	sst s7  }
0x10: {  	[smem:$0x3FA6] =	sst s8  }
0x11: {  	[smem:$0x3FA7] =	sst s9;
	s0 =	simm.s32 @!p0 $0x0  }
0x12: {  	s1 =	sld [smem:$0x3F8D];
	s0 =	simm.s32 @p0 $0x1  }
0x13: {  	[smem:$0x3FA8] =	sst s0;
	s0 =	simm.s32 @!p1 $0x0  }
0x14: {  	s2 =	sld [smem:$0x3F8C];
	s0 =	simm.s32 @p1 $0x1  }
0x15: {  	[smem:$0x3FA9] =	sst s0;
	s0 =	simm.s32 @!p2 $0x0  }
0x16: {  	s3 =	sld [smem:$0x3FDB];
	s0 =	simm.s32 @p2 $0x1  }
0x17: {  	s4 =	simm.s32 $0x1BF5;
	[smem:$0x3FAB] =	sst s0  }
0x18: {  	s0 =	sld [smem:$0x3F8E];
	_ =	swait.ge [sflag:s4], $0x0  }
0x19: {  	s7 =	sld [smem:$0x3F8F]  }
0x1a: {  	s8 =	sadd.s32 $0xFFFFE003, lr  }
0x1b: {  	s9 =	sadd.s32 $0xFFFFFEF7, lr;
	s5 =	simm.s32 $0xFFFFFFFF;
	p2 =	slt.u32 s8, $0xFFFFF086  }
0x1c: {  	p1 =	slt.u32 s9, $0xF7A;
	s5 =	simm.s32 @!p2 $0x0  }
0x1d: {  	s5 =	simm.s32 @p1 $0x1;
	p0 =	seq.s32 s7, s2  }
0x1e: {  	s7 =	smul.u32 @!p0 $0xF7A, s2;
	p2 =	seq.s32 @!p0 s5, $0x0  }
0x1f: {  	s9 =	smul.u32 $0xF7A, s1;
	s8 =	simm.s32 @!p0 $0x1BF5;
	p2 =	por !p2, p0  }
0x20: {  	[sflag:s8] =	ssyncset.s32 @!p0 $0xFFFFF086;
	s6 =	sadd.s32 @!p0 s3, s7;
	s7 =	simm.s32 @!p0 $0x108  }
0x21: {  	s3 =	sadd.s32 s3, s9;
	s6 =	sadd.s32 @!p0 $0x88, s6;
	s7 =	simm.s32 @p2 $0x1082  }
0x22: {  	[simem:s7], [sflag:s8] =	dma.local @!p0 [hbm:s6], $0xF7A  }
0x23: {  	s9 =	sor.u32 $0xD0000000, s2;
	s6 =	simm.s32 $0x108;
	_ =	swait.ge @!p0 [sflag:s8], $0x0  }
0x24: {  	s3 =	sadd.s32 $0x88, s3;
	s6 =	simm.s32 @!p1 $0x1082;
	[sflag:s4] =	ssyncset.s32 $0xFFFFF086  }
0x25: {  	[simem:s6], [sflag:s4] =	dma.local [hbm:s3], $0xF7A  }
0x26: {  	[smem:$0x3F8F] =	sst s1;
	(tag) =	ssettag s2;
	_ =	strace s9  }
0x27: {  	s1 =	sld [smem:$0x3F9F]  }
0x28: {  	s2 =	sld [smem:$0x3FA0]  }
0x29: {  	s4 =	sld [smem:$0x3FA2]  }
0x2a: {  	p0 =	seq.s32 s5, $0x0;
	s5 =	sld [smem:$0x3FA3]  }
0x2b: {  	s6 =	sld [smem:$0x3FA4]  }
0x2c: {  	s7 =	sld [smem:$0x3FA5]  }
0x2d: {  	s3 =	simm.s32 $0x108;
	s8 =	sld [smem:$0x3FA6]  }
0x2e: {  	s3 =	simm.s32 @!p0 $0x1082;
	s9 =	sld [smem:$0x3FA7]  }
0x2f: {  	lr =	sadd.s32 s0, s3;
	s0 =	sld [smem:$0x3F9E]  }
0x30: {  	s3 =	sld [smem:$0x3FA1]  }
0x31: {  	[smem:$0x3FAA] =	sst s10  }
0x32: {  	s10 =	sld [smem:$0x3FA8];
	_ =	sdelay $0x3  }
0x33: {  	p0 =	seq.s32 s10, $0x1;
	s10 =	sld [smem:$0x3FAA];
	_ =	sdelay $0x3  }
0x34: {  	[smem:$0x3FAA] =	sst s10  }
0x35: {  	s10 =	sld [smem:$0x3FA9];
	_ =	sdelay $0x3  }
0x36: {  	p1 =	seq.s32 s10, $0x1;
	s10 =	sld [smem:$0x3FAA];
	_ =	sdelay $0x3  }
0x37: {  	[smem:$0x3FAA] =	sst s10  }
0x38: {  	s10 =	sld [smem:$0x3FAB]  }
0x39: {  	_ = 	snop;
	(pc) =	sbr.ind lr, $3  }
0x3a: {  	_ = 	snop  }
0x3b: {  	_ = 	snop  }
0x3c: {  	p2 =	seq.s32 s10, $0x1;
	s10 =	sld [smem:$0x3FAA]  }
0x3d: {  	_ =	shalt  }
0x3e: {  	_ =	shalt  }
0x3f: {  	_ =	shalt  }
0x40: {  	_ =	shalt  }
0x41: {  	_ =	shalt  }
0x42: {  	_ =	shalt  }
0x43: {  	_ =	shalt  }
0x44: {  	_ =	shalt  }
0x45: {  	_ =	shalt  }
0x46: {  	_ =	shalt  }
0x47: {  	_ =	shalt  }
0x48: {  	_ =	shalt  }
0x49: {  	_ =	shalt  }
0x4a: {  	_ =	shalt  }
0x4b: {  	_ =	shalt  }
0x4c: {  	_ =	shalt  }
0x4d: {  	_ =	shalt  }
0x4e: {  	_ =	shalt  }
0x4f: {  	_ =	shalt  }
0x50: {  	_ =	shalt  }
0x51: {  	_ =	shalt  }
0x52: {  	_ =	shalt  }
0x53: {  	_ =	shalt  }
0x54: {  	_ =	shalt  }
0x55: {  	_ =	shalt  }
0x56: {  	_ =	shalt  }
0x57: {  	_ =	shalt  }
0x58: {  	_ =	shalt  }
0x59: {  	_ =	shalt  }
0x5a: {  	_ =	shalt  }
0x5b: {  	_ =	shalt  }
0x5c: {  	_ =	shalt  }
0x5d: {  	_ =	shalt  }
0x5e: {  	_ =	shalt  }
0x5f: {  	_ =	shalt  }
0x60: {  	_ =	shalt  }
0x61: {  	_ =	shalt  }
0x62: {  	_ =	shalt  }
0x63: {  	_ =	shalt  }
0x64: {  	_ =	shalt  }
0x65: {  	_ =	shalt  }
0x66: {  	_ =	shalt  }
0x67: {  	_ =	shalt  }
0x68: {  	_ =	shalt  }
0x69: {  	_ =	shalt  }
0x6a: {  	_ =	shalt  }
0x6b: {  	_ =	shalt  }
0x6c: {  	_ =	shalt  }
0x6d: {  	_ =	shalt  }
0x6e: {  	_ =	shalt  }
0x6f: {  	_ =	shalt  }
0x70: {  	_ =	shalt  }
0x71: {  	_ =	shalt  }
0x72: {  	_ =	shalt  }
0x73: {  	_ =	shalt  }
0x74: {  	_ =	shalt  }
0x75: {  	_ =	shalt  }
0x76: {  	_ =	shalt  }
0x77: {  	_ =	shalt  }
0x78: {  	_ =	shalt  }
0x79: {  	_ =	shalt  }
0x7a: {  	_ =	shalt  }
0x7b: {  	_ =	shalt  }
0x7c: {  	_ =	shalt  }
0x7d: {  	_ =	shalt  }
0x7e: {  	_ =	shalt  }
0x7f: {  	_ =	shalt  }
0x80: {  	_ =	shalt  }
0x81: {  	_ =	shalt  }
0x82: {  	_ =	shalt  }
0x83: {  	_ =	shalt  }
0x84: {  	_ =	shalt  }
0x85: {  	_ =	shalt  }
0x86: {  	_ =	shalt  }
0x87: {  	_ =	shalt  }
.Lfunc_end0:
.L_simem_size_0:
called_computation.1_lowered:
.L_overlay_start_0:
0x88: {  	s2 =	sld [smem:$0x3FD9]  }
0x89: {  	s3 =	sld [smem:$0x3FFE];
	_ =	sdelay $0x1  }
0x8a: {  	s1 =	srdreg.scid  }
0x8b: {  	s0 =	sand.u32 $0x1, s1  }
0x8c: {  	s16 =	sshll.u32 s0, $0xA;
	s2 =	sadd.s32 s3, s2  }
0x8d: {  	s2 =	sadd.s32 s2, s16  }
0x8e: {  	[smem:$0x3FB6] =	sst s2  }
0x8f: {  	_ = 	snop  }
0x90: {  	(tm) =	ssettm $0x1  }
0x91: {  	s17 =	sld [smem:$0x3FFB];
	_ =	sdelay $0x3  }
0x92: {  	_ =	strace s17  }
0x93: {  	s2 =	sld [smem:$0x3FFC];
	_ =	sdelay $0x3  }
0x94: {  	_ =	strace s2  }
0x95: {  	s2 =	sld [smem:$0x3FFD];
	_ =	sdelay $0x3  }
0x96: {  	_ =	strace s2  }
0x97: {  	_ =	strace $0x8FFFFFFF  }
0x98: {  	s18 =	sld [smem:$0x3FDB];
	_ =	sdelay $0x1  }
0x99: {  	s19 =	simm.s32 $_scs_section_size  }
0x9a: {  	s4 =	simm.s32 $_size__tile_overlayer_lowered;
	s5 =	simm.s32 $_tile_overlayer_lowered  }
0x9b: {  	s22 =	simm.s32 $0x1BFF;
	s21 =	sshll.u32 s5, $0x1;
	s2 =	sadd.s32 s19, s18  }
0x9c: {  	s6 =	simm.s32 $0x0;
	s20 =	sshll.u32 s4, $0x1;
	s4 =	sadd.s32 s21, s2  }
0x9d: {  	[timem:s6], [sflag:s22] =	dma.local [hbm:s4], s20  }
0x9e: {  	_ =	swait.ge [sflag:s22], s20  }
0x9f: {  	s3 =	ssub.s32 $0x0, s20;
	[sflag:s22] =	ssyncset.done $0x0  }
0xa0: {  	[sflag:s22] =	ssyncadd.s32 s3;
	_ =	sdelay $0x1  }
0xa1: {  	s23 =	simm.s32 $0x1B8B  }
0xa2: {  	_ =	swait.ge [sflag:s23], $0x1  }
0xa3: {  	[sflag:s23] =	ssyncset.done $0x0  }
0xa4: {  	s25 =	simm.s32 $0x1B8E;
	s24 =	sld [smem:$0x3FFE];
	[sflag:s23] =	ssyncadd.s32 $0xFFFFFFFF  }
0xa5: {  	s26 =	simm.s32 $execute0_lowered;
	[smem:$0x3FD2] =	sst s25  }
0xa6: {  	s4 =	sshll.u32 s26, $0x1;
	_ =	strace $0x80000049;
	[dreg:$0x1] =	wrdreg $0xFFFFFFFF  }
0xa7: {  	s28 =	simm.s32 $_size_execute0_lowered;
	s2 =	sadd.s32 s2, s4;
	[dreg:$0x0] =	wrdreg $0x0  }
0xa8: {  	s4 =	sshll.u32 s28, $0x1;
	[dreg:$0x2] =	wrdreg s2  }
0xa9: {  	[dreg:$0x3] =	wrdreg s4  }
0xaa: {  	[dreg:$0x4] =	wrdreg $0xC0  }
0xab: {  	_ =	task [dreg:s6], $0x5FFFF  }
0xac: {  	[dreg:$0x1] =	wrdreg $0xFFFFFFFF  }
0xad: {  	[dreg:$0x0] =	wrdreg $0x60  }
0xae: {  	[dreg:$0x2] =	wrdreg s24  }
0xaf: {  	[dreg:$0x3] =	wrdreg $0x9  }
0xb0: {  	_ =	task.clear_ibuf [dreg:s6], $0x4FFFF;
	_ =	strace $0x90000049  }
0xb1: {  	s29 =	simm.s32 $0x9;
	_ =	strace $0x8000004B  }
0xb2: {  	_ =	swait.ge [sflag:s29], $0x1  }
0xb3: {  	[sflag:s29] =	ssyncadd.s32 $0xFFFFFFFF  }
0xb4: {  	_ =	strace $0x9000004B  }
0xb5: {  	_ =	sfence  }
0xb6: {  	s30 =	sld [smem:$0x0];
	_ =	sdelay $0x2  }
0xb7: {  	s31 =	sshll.u32 s1, $0xD;
	s1 =	sshrl.u32 s1, $0x2  }
0xb8: {  	s3 =	sand.u32 $0x4000, s31;
	s1 =	sadd.s32 s1, s30  }
0xb9: {  	s0 =	sor.u32 s3, s0;
	s1 =	sshll.u32 s1, $0x11  }
0xba: {  	s0 =	sor.u32 s1, s0  }
0xbb: {  	s0 =	sadd.s32 $0x8F2B, s0  }
0xbc: {  	[sflag:s0] =	ssyncadd.remote.s32 $0x1  }
0xbd: {  	_ =	sfence.sel $0xFFFF  }
0xbe: {  	[dreg:$0x0] =	wrdreg $0xFFFFFFFF;
	(pc) =	sbr.abs _section_cstart, $3  }
0xbf: {  	[dreg:$0x1] =	wrdreg $0xFFFFFFFF  }
0xc0: {  	_ =	task.clear_ibuf [dreg:s6], $0x2FFFF;
	_ =	strace $0x9FFFFFFF  }
0xc1: {  	(tm) =	ssettm $0x7FFFFFFF  }
tec
execute0_lowered:
.L_overlay_start_1:
0x0: {  	(tag) =	ssettag $0x1  }
0x1: {  	s7 =	rddreg [dreg:$0x0]  }
0x2: {  	s0 =	rddreg [dreg:$0x1];
	_ =	strace $0x8000004A  }
0x3: {  	s1 =	srdreg.scid;
	s4 =	simm.s32 $0x1;
	s9 =	simm.s32 $0x3  }
0x4: {  	s12 =	simm.s32 $0x0;
	s10 =	simm.s32 $0x0;
	s5 =	sshll.u32 s1, $0x4  }
.Ltmp0:
0x5: {  	s1 =	stileid.u32;
	s5 =	sand.u32 $0x10, s5;
	(pc) =	sbr.rel .LBB2_1-.Ltmp0, $4  }
0x6: {  	s2 =	sadd.s32 $0x283A00, s7;
	s3 =	sadd.s32 $0x3800, s7;
	s6 =	sor.u32 s1, s5  }
0x7: {  	[sflag:s4] =	ssyncpa.u1 $0x0;
	s5 =	simm.s32 $0x2;
	s6 =	sshll.u32 s6, $0x6  }
0x8: {  	s7 =	sadd.s32 $0x293A00, s7;
	[sflag:s5] =	ssyncpa.u1 $0x0;
	s8 =	sadd.s32 $0x40, s6  }
0x9: {  	vm0 =	vmmov $0xff;
	vm1 =	vcmask $0x3F20;
	[sflag:s9] =	ssyncpa.u1 $0x0;
	s9 =	simm.s32 $0x40;
	s11 =	smov.u32 s6  }
.LBB2_9:
0xa: {  	p0 =	seq.s32 s10, $0x2  }
.Ltmp1:
0xb: {  	_ = 	snop;
	(pc) =	sbr.rel @p0 .LBB2_11-.Ltmp1, $1  }
0xc: {  	_ =	sdelay $0x3  }
.LBB2_10:
0xd: {  	s12 =	sadd.s32 $0x40, s11  }
0xe: {  	s13 =	smov.u32 s6;
	p0 =	slt.s32 s12, s8  }
0xf: {  	s13 =	smov.u32 @p0 s12  }
0x10: {  	s10 =	sadd.s32 $0x1, s10;
	s12 =	smov.u32 s11;
	s11 =	smov.u32 s13  }
.LBB2_1:
0x11: {  	p0 =	sne.s32 s10, $0x0  }
.Ltmp2:
0x12: {  	_ = 	snop;
	(pc) =	sbr.rel @!p0 .LBB2_2-.Ltmp2, $1  }
0x13: {  	_ =	sdelay $0x3  }
0x14: {  	s13 =	sand.u32 $0x1, s10  }
0x15: {  	p0 =	seq.s32 s13, $0x0  }
.Ltmp3:
0x16: {  	_ = 	snop;
	(pc) =	sbr.rel @p0 .LBB2_9-.Ltmp3, $1  }
0x17: {  	_ =	sdelay $0x3  }
0x18: {  	_ =	swait.ge [sflag:s5], $0x40  }
0x19: {  	[sflag:s5] =	ssyncset.done $0x0  }
0x1a: {  	s13 =	simm.s32 $0x0;
	[sflag:s5] =	ssyncadd.s32 $0xFFFFFFC0  }
0x1b: {  	v0 =	vld.msk [tilespmem:s13+$0x40 ss:$0x1], $0xffff;
	_ =	sdelay $0x4  }
0x1c: {  	v1 =	vshll.u32 v0, $0x6  }
0x1d: {  	vm2 =	veq.s32 v0, $0x80000000;
	v0 =	vshll.u32 v0, $0x12;
	v1 =	vand.u32 $0x3FF80, v1  }
0x1e: {  	v0 =	vand.u32 $0x40000, v0;
	v1 =	vsel vm2, $0xFFFFFF80, v1  }
0x1f: {  	v0 =	vsel vm2, $0xFFFC0000, v0;
	v2 =	vand.u32 $0xFFFFFC00, v1  }
0x20: {  	v1 =	vand.u32 $0x380, v1;
	v0 =	vadd.s32 v0, v2  }
0x21: {  	v0 =	vor.u32 v1, v0  }
0x22: {  	v0 =	vshrl.u32 v0, $0x3;
	_ =	sdelay $0x3  }
0x23: {  	s13 =	simm.s32 $0x2080  }
0x24: {  	[tilespmem:s13], [sflag:$0x1] =	stream.indirect_vreg.gather [hbm:s2], $0x80, v0, vm0, $0x38;
	[tilespmem:$0x4080] =	vst v63  }
0x25: {  	s14 =	simm.s32 $0x2480;
	s31 =	simm.s32 $0x10  }
0x26: {  	[tilespmem:s14], [sflag:$0x1] =	stream.indirect_vreg.gather [hbm:s2], $0x80, v0, vm1, $0x38;
	[tilespmem:$0x4080] =	vst v63  }
0x27: {  	s14 =	simm.s32 $0x80;
	v0 =	vld.msk [tilespmem:s31+$0x40 ss:$0x1], $0xffff  }
.LBB2_5:
0x28: {  	p0 =	sne.s32 s14, $0xC0;
	_ =	sdelay $0x4  }
0x29: {  	v1 =	vshll.u32 v0, $0x6  }
0x2a: {  	vm2 =	veq.s32 v0, $0x80000000;
	v0 =	vshll.u32 v0, $0x12;
	v1 =	vand.u32 $0x3FF80, v1  }
0x2b: {  	v0 =	vand.u32 $0x40000, v0;
	v1 =	vsel vm2, $0xFFFFFF80, v1  }
0x2c: {  	v0 =	vsel vm2, $0xFFFC0000, v0;
	v2 =	vand.u32 $0xFFFFFC00, v1  }
0x2d: {  	v1 =	vand.u32 $0x380, v1;
	v0 =	vadd.s32 v0, v2  }
0x2e: {  	v0 =	vor.u32 v1, v0  }
0x2f: {  	v0 =	vshrl.u32 v0, $0x3;
	_ =	sdelay $0x3  }
.Ltmp4:
0x30: {  	s13 =	sadd.s32 $0x800, s13;
	(pc) =	sbr.rel @p0 .LBB2_5-.Ltmp4, $4  }
0x31: {  	[tilespmem:s13], [sflag:$0x1] =	stream.indirect_vreg.gather [hbm:s2], $0x80, v0, vm0, $0x38;
	[tilespmem:$0x4080] =	vst v63  }
0x32: {  	s15 =	sshra.s32 s14, $0x2;
	s16 =	sadd.s32 $0x400, s13  }
0x33: {  	[tilespmem:s16], [sflag:$0x1] =	stream.indirect_vreg.gather [hbm:s2], $0x80, v0, vm1, $0x38;
	[tilespmem:$0x4080] =	vst v63  }
0x34: {  	s14 =	sadd.s32 $0x40, s14;
	v0 =	vld.msk [tilespmem:s15+$0x40 ss:$0x1], $0xffff  }
0x35: {  	_ =	sdelay $0x3  }
0x36: {  	v1 =	vshll.u32 v0, $0x6  }
0x37: {  	vm2 =	veq.s32 v0, $0x80000000;
	v63 =	vshll.u32 v0, $0x12;
	v1 =	vand.u32 $0x3FF80, v1  }
0x38: {  	v0 =	vand.u32 $0x40000, v63;
	v1 =	vsel vm2, $0xFFFFFF80, v1  }
0x39: {  	v0 =	vsel vm2, $0xFFFC0000, v0;
	v2 =	vand.u32 $0xFFFFFC00, v1  }
0x3a: {  	v1 =	vand.u32 $0x380, v1;
	v0 =	vadd.s32 v0, v2  }
0x3b: {  	v0 =	vor.u32 v1, v0  }
0x3c: {  	v0 =	vshrl.u32 v0, $0x3;
	_ =	sdelay $0x3  }
0x3d: {  	s13 =	sadd.s32 $0x800, s13  }
0x3e: {  	[tilespmem:s13], [sflag:$0x1] =	stream.indirect_vreg.gather [hbm:s2], $0x80, v0, vm0, $0x38;
	[tilespmem:$0x4080] =	vst v63  }
0x3f: {  	s13 =	sadd.s32 $0x400, s13  }
0x40: {  	[tilespmem:s13], [sflag:$0x1] =	stream.indirect_vreg.gather [hbm:s2], $0x80, v0, vm1, $0x38;
	[tilespmem:$0x4080] =	vst v63  }
0x41: {  	s12 =	sshll.u32 s12, $0x4;
	s14 =	simm.s32 $0x80;
	_ =	swait.ge [sflag:s4], $0x2000  }
0x42: {  	s15 =	simm.s32 $0x2480;
	s12 =	sadd.s32 s12, s7;
	[sflag:s4] =	ssyncset.done $0x0  }
0x43: {  	s16 =	sadd.s32 $0x0, s12;
	s13 =	simm.s32 $0x2080;
	[sflag:s4] =	ssyncadd.s32 $0xFFFFE000  }
.LBB2_7:
0x44: {  	[hbm:s16] =	stream.linear.scatter [tilespmem:s13], [sflag:$0x3], $0x400, $0x38;
	[tilespmem:$0x4080] =	vst v63  }
0x45: {  	s16 =	smov.u32 s14;
	s13 =	smov.u32 s15;
	p0 =	sne.s32 s14, $0x380  }
.Ltmp5:
0x46: {  	s14 =	sadd.s32 $0x80, s14;
	(pc) =	sbr.rel @p0 .LBB2_7-.Ltmp5, $2  }
0x47: {  	_ =	sdelay $0x2  }
0x48: {  	s15 =	sadd.s32 $0x400, s15;
	s16 =	sadd.s32 s16, s12  }
.Ltmp6:
0x49: {  	(pc) =	sbr.rel .LBB2_9-.Ltmp6, $2  }
0x4a: {  	_ =	sdelay $0x2  }
0x4b: {  	[hbm:s16] =	stream.linear.scatter [tilespmem:s13], [sflag:$0x3], $0x400, $0x38;
	[tilespmem:$0x4080] =	vst v63  }
.LBB2_2:
.Ltmp7:
0x4c: {  	(pc) =	sbr.rel .LBB2_10-.Ltmp7, $4  }
0x4d: {  	_ = 	snop  }
0x4e: {  	s12 =	sshrl.u32 s11, $0x3  }
0x4f: {  	s13 =	sand.u32 $0x7, s11;
	s12 =	sadd.s32 s3, s12  }
0x50: {  	[tilespmem:s9], [sflag:$0x2] =	stream.linear.gather [hbm4b:s12+s13], $0x40, $0x38;
	[tilespmem:$0x4080] =	vst v63  }
.LBB2_11:
0x51: {  	s2 =	simm.s32 $0x3  }
0x52: {  	_ =	swait.ge [sflag:s2], $0x2000  }
0x53: {  	[sflag:s2] =	ssyncset.done $0x0  }
0x54: {  	[sflag:s2] =	ssyncadd.s32 $0xFFFFE000  }
0x55: {  	_ =	sfence.sel $0x180000  }
0x56: {  	s3 =	simm.s32 $0x2;
	[bflag:$0x0] =	sbarrier.arrive $0xFFFF  }
0x57: {  	[sflag:s3] =	ssyncpa.u1 $0x1  }
0x58: {  	s31 =	simm.s32 $0x1;
	[sflag:s2] =	ssyncpa.u1 $0x1  }
0x59: {  	[sflag:s31] =	ssyncpa.u1 $0x1  }
0x5a: {  	p0 =	sne.s32 s1, $0x0;
	_ =	strace $0x9000004A  }
0x5b: {  	s0 =	sadd.s32 @!p0 $0x100000, s0;
	[bflag:$0x2] =	sbarrier.arrive $0xFFFF  }
0x5c: {  	[sflag:s0] =	ssyncadd.tile.s32 @!p0 $0x1;
	_ =	shalt  }
.Lfunc_end2:
_tile_overlayer_lowered:
.L_overlay_start_2:
0x5d: {  	(tag) =	ssettag $0x2  }
0x5e: {  	s0 =	rddreg [dreg:$0x0];
	s2 =	stileid.u32  }
0x5f: {  	s1 =	rddreg [dreg:$0x1];
	p0 =	sne.s32 s2, $0x0  }
0x60: {  	s3 =	rddreg [dreg:$0x2];
	[bflag:$0x3] =	sbarrier.arrive $0xFFFF;
	s2 =	simm.s32 @!p0 $0x1C01  }
0x61: {  	[timem:s3], [sflag:s2] =	dma.local @!p0 [hbm:s0], s1  }
0x62: {  	s0 =	simm.s32 @!p0 $0x1  }
0x63: {  	_ =	swait.ge @!p0 [sflag:s0], s1  }
0x64: {  	s1 =	ssub.s32 @!p0 $0x0, s1;
	[sflag:s0] =	ssyncset.done @!p0 $0x0  }
0x65: {  	[sflag:s0] =	ssyncadd.s32 @!p0 s1  }
0x66: {  	[bflag:$0x3] =	sbarrier.arrive $0xFFFF  }
0x67: {  	_ =	shalt  }

// kernel: gather_offload_async_start
scs
__scs_entry_jumppad:
0x0: {  	(pc) =	sbr.rel $0x88, $3  }
0x1: {  	(tag) =	ssettag $0x0;
	lr =	simm.s32 $0x1  }
0x2: {  	[smem:$0x3F8F] =	sst lr;
	_ =	strace $0xD0000000  }
0x3: {  	_ = 	snop  }
0x4: {  	_ = 	snop  }
0x5: {  	_ = 	snop  }
0x6: {  	_ = 	snop  }
0x7: {  	_ = 	snop  }
__scs_overlays_trampoline_lowered:
0x8: {  	[smem:$0x3F9E] =	sst s0  }
0x9: {  	[smem:$0x3F9F] =	sst s1  }
0xa: {  	[smem:$0x3FA0] =	sst s2  }
0xb: {  	[smem:$0x3FA1] =	sst s3  }
0xc: {  	[smem:$0x3FA2] =	sst s4  }
0xd: {  	[smem:$0x3FA3] =	sst s5  }
0xe: {  	[smem:$0x3FA4] =	sst s6  }
0xf: {  	[smem:$0x3FA5] =	sst s7  }
0x10: {  	[smem:$0x3FA6] =	sst s8  }
0x11: {  	[smem:$0x3FA7] =	sst s9;
	s0 =	simm.s32 @!p0 $0x0  }
0x12: {  	s1 =	sld [smem:$0x3F8D];
	s0 =	simm.s32 @p0 $0x1  }
0x13: {  	[smem:$0x3FA8] =	sst s0;
	s0 =	simm.s32 @!p1 $0x0  }
0x14: {  	s2 =	sld [smem:$0x3F8C];
	s0 =	simm.s32 @p1 $0x1  }
0x15: {  	[smem:$0x3FA9] =	sst s0;
	s0 =	simm.s32 @!p2 $0x0  }
0x16: {  	s3 =	sld [smem:$0x3FDB];
	s0 =	simm.s32 @p2 $0x1  }
0x17: {  	s4 =	simm.s32 $0x1BF5;
	[smem:$0x3FAB] =	sst s0  }
0x18: {  	s0 =	sld [smem:$0x3F8E];
	_ =	swait.ge [sflag:s4], $0x0  }
0x19: {  	s7 =	sld [smem:$0x3F8F]  }
0x1a: {  	s8 =	sadd.s32 $0xFFFFE003, lr  }
0x1b: {  	s9 =	sadd.s32 $0xFFFFFEF7, lr;
	s5 =	simm.s32 $0xFFFFFFFF;
	p2 =	slt.u32 s8, $0xFFFFF086  }
0x1c: {  	p1 =	slt.u32 s9, $0xF7A;
	s5 =	simm.s32 @!p2 $0x0  }
0x1d: {  	s5 =	simm.s32 @p1 $0x1;
	p0 =	seq.s32 s7, s2  }
0x1e: {  	s7 =	smul.u32 @!p0 $0xF7A, s2;
	p2 =	seq.s32 @!p0 s5, $0x0  }
0x1f: {  	s9 =	smul.u32 $0xF7A, s1;
	s8 =	simm.s32 @!p0 $0x1BF5;
	p2 =	por !p2, p0  }
0x20: {  	[sflag:s8] =	ssyncset.s32 @!p0 $0xFFFFF086;
	s6 =	sadd.s32 @!p0 s3, s7;
	s7 =	simm.s32 @!p0 $0x108  }
0x21: {  	s3 =	sadd.s32 s3, s9;
	s6 =	sadd.s32 @!p0 $0x88, s6;
	s7 =	simm.s32 @p2 $0x1082  }
0x22: {  	[simem:s7], [sflag:s8] =	dma.local @!p0 [hbm:s6], $0xF7A  }
0x23: {  	s9 =	sor.u32 $0xD0000000, s2;
	s6 =	simm.s32 $0x108;
	_ =	swait.ge @!p0 [sflag:s8], $0x0  }
0x24: {  	s3 =	sadd.s32 $0x88, s3;
	s6 =	simm.s32 @!p1 $0x1082;
	[sflag:s4] =	ssyncset.s32 $0xFFFFF086  }
0x25: {  	[simem:s6], [sflag:s4] =	dma.local [hbm:s3], $0xF7A  }
0x26: {  	[smem:$0x3F8F] =	sst s1;
	(tag) =	ssettag s2;
	_ =	strace s9  }
0x27: {  	s1 =	sld [smem:$0x3F9F]  }
0x28: {  	s2 =	sld [smem:$0x3FA0]  }
0x29: {  	s4 =	sld [smem:$0x3FA2]  }
0x2a: {  	p0 =	seq.s32 s5, $0x0;
	s5 =	sld [smem:$0x3FA3]  }
0x2b: {  	s6 =	sld [smem:$0x3FA4]  }
0x2c: {  	s7 =	sld [smem:$0x3FA5]  }
0x2d: {  	s3 =	simm.s32 $0x108;
	s8 =	sld [smem:$0x3FA6]  }
0x2e: {  	s3 =	simm.s32 @!p0 $0x1082;
	s9 =	sld [smem:$0x3FA7]  }
0x2f: {  	lr =	sadd.s32 s0, s3;
	s0 =	sld [smem:$0x3F9E]  }
0x30: {  	s3 =	sld [smem:$0x3FA1]  }
0x31: {  	[smem:$0x3FAA] =	sst s10  }
0x32: {  	s10 =	sld [smem:$0x3FA8];
	_ =	sdelay $0x3  }
0x33: {  	p0 =	seq.s32 s10, $0x1;
	s10 =	sld [smem:$0x3FAA];
	_ =	sdelay $0x3  }
0x34: {  	[smem:$0x3FAA] =	sst s10  }
0x35: {  	s10 =	sld [smem:$0x3FA9];
	_ =	sdelay $0x3  }
0x36: {  	p1 =	seq.s32 s10, $0x1;
	s10 =	sld [smem:$0x3FAA];
	_ =	sdelay $0x3  }
0x37: {  	[smem:$0x3FAA] =	sst s10  }
0x38: {  	s10 =	sld [smem:$0x3FAB]  }
0x39: {  	_ = 	snop;
	(pc) =	sbr.ind lr, $3  }
0x3a: {  	_ = 	snop  }
0x3b: {  	_ = 	snop  }
0x3c: {  	p2 =	seq.s32 s10, $0x1;
	s10 =	sld [smem:$0x3FAA]  }
0x3d: {  	_ =	shalt  }
0x3e: {  	_ =	shalt  }
0x3f: {  	_ =	shalt  }
0x40: {  	_ =	shalt  }
0x41: {  	_ =	shalt  }
0x42: {  	_ =	shalt  }
0x43: {  	_ =	shalt  }
0x44: {  	_ =	shalt  }
0x45: {  	_ =	shalt  }
0x46: {  	_ =	shalt  }
0x47: {  	_ =	shalt  }
0x48: {  	_ =	shalt  }
0x49: {  	_ =	shalt  }
0x4a: {  	_ =	shalt  }
0x4b: {  	_ =	shalt  }
0x4c: {  	_ =	shalt  }
0x4d: {  	_ =	shalt  }
0x4e: {  	_ =	shalt  }
0x4f: {  	_ =	shalt  }
0x50: {  	_ =	shalt  }
0x51: {  	_ =	shalt  }
0x52: {  	_ =	shalt  }
0x53: {  	_ =	shalt  }
0x54: {  	_ =	shalt  }
0x55: {  	_ =	shalt  }
0x56: {  	_ =	shalt  }
0x57: {  	_ =	shalt  }
0x58: {  	_ =	shalt  }
0x59: {  	_ =	shalt  }
0x5a: {  	_ =	shalt  }
0x5b: {  	_ =	shalt  }
0x5c: {  	_ =	shalt  }
0x5d: {  	_ =	shalt  }
0x5e: {  	_ =	shalt  }
0x5f: {  	_ =	shalt  }
0x60: {  	_ =	shalt  }
0x61: {  	_ =	shalt  }
0x62: {  	_ =	shalt  }
0x63: {  	_ =	shalt  }
0x64: {  	_ =	shalt  }
0x65: {  	_ =	shalt  }
0x66: {  	_ =	shalt  }
0x67: {  	_ =	shalt  }
0x68: {  	_ =	shalt  }
0x69: {  	_ =	shalt  }
0x6a: {  	_ =	shalt  }
0x6b: {  	_ =	shalt  }
0x6c: {  	_ =	shalt  }
0x6d: {  	_ =	shalt  }
0x6e: {  	_ =	shalt  }
0x6f: {  	_ =	shalt  }
0x70: {  	_ =	shalt  }
0x71: {  	_ =	shalt  }
0x72: {  	_ =	shalt  }
0x73: {  	_ =	shalt  }
0x74: {  	_ =	shalt  }
0x75: {  	_ =	shalt  }
0x76: {  	_ =	shalt  }
0x77: {  	_ =	shalt  }
0x78: {  	_ =	shalt  }
0x79: {  	_ =	shalt  }
0x7a: {  	_ =	shalt  }
0x7b: {  	_ =	shalt  }
0x7c: {  	_ =	shalt  }
0x7d: {  	_ =	shalt  }
0x7e: {  	_ =	shalt  }
0x7f: {  	_ =	shalt  }
0x80: {  	_ =	shalt  }
0x81: {  	_ =	shalt  }
0x82: {  	_ =	shalt  }
0x83: {  	_ =	shalt  }
0x84: {  	_ =	shalt  }
0x85: {  	_ =	shalt  }
0x86: {  	_ =	shalt  }
0x87: {  	_ =	shalt  }
.Lfunc_end0:
.L_simem_size_0:
called_computation_lowered:
.L_overlay_start_0:
0x88: {  	s2 =	sld [smem:$0x3FD9]  }
0x89: {  	s3 =	sld [smem:$0x3FFE];
	_ =	sdelay $0x1  }
0x8a: {  	s1 =	srdreg.scid  }
0x8b: {  	s0 =	sand.u32 $0x1, s1  }
0x8c: {  	s17 =	sshll.u32 s0, $0xA;
	s2 =	sadd.s32 s3, s2  }
0x8d: {  	s2 =	sadd.s32 s2, s17  }
0x8e: {  	[smem:$0x3FB6] =	sst s2  }
0x8f: {  	_ = 	snop  }
0x90: {  	s2 =	sld [smem:$0x3FD0];
	(tm) =	ssettm $0x1  }
0x91: {  	s18 =	sld [smem:$0x3FFB];
	_ =	sdelay $0x3  }
0x92: {  	_ =	strace s18  }
0x93: {  	s3 =	sld [smem:$0x3FFC];
	_ =	sdelay $0x3  }
0x94: {  	_ =	strace s3  }
0x95: {  	s3 =	sld [smem:$0x3FFD];
	_ =	sdelay $0x3  }
0x96: {  	_ =	strace s3  }
0x97: {  	_ =	strace $0x8FFFFFFF  }
0x98: {  	s19 =	sld [smem:$0x3FDB];
	_ =	sdelay $0x1  }
0x99: {  	s4 =	simm.s32 $_scs_section_size  }
0x9a: {  	s5 =	simm.s32 $_size__tile_overlayer_lowered;
	s6 =	simm.s32 $_tile_overlayer_lowered  }
0x9b: {  	s22 =	simm.s32 $0x1BFF;
	s21 =	sshll.u32 s6, $0x1;
	s3 =	sadd.s32 s4, s19  }
0x9c: {  	s7 =	simm.s32 $0x0;
	s20 =	sshll.u32 s5, $0x1;
	s5 =	sadd.s32 s21, s3  }
0x9d: {  	[timem:s7], [sflag:s22] =	dma.local [hbm:s5], s20  }
0x9e: {  	_ =	swait.ge [sflag:s22], s20  }
0x9f: {  	s4 =	ssub.s32 $0x0, s20;
	[sflag:s22] =	ssyncset.done $0x0  }
0xa0: {  	[sflag:s22] =	ssyncadd.s32 s4;
	_ =	sdelay $0x1  }
0xa1: {  	s23 =	simm.s32 $0x1B8B  }
0xa2: {  	_ =	swait.ge [sflag:s23], $0x1  }
0xa3: {  	[sflag:s23] =	ssyncset.done $0x0  }
0xa4: {  	s25 =	simm.s32 $0x1B8E;
	s24 =	sld [smem:$0x3FFE];
	[sflag:s23] =	ssyncadd.s32 $0xFFFFFFFF  }
0xa5: {  	s26 =	simm.s32 $execute0_lowered;
	[smem:$0x3FD2] =	sst s25  }
0xa6: {  	s5 =	sshll.u32 s26, $0x1;
	_ =	strace $0x80000046;
	[dreg:$0x1] =	wrdreg $0xFFFFFFFF  }
0xa7: {  	s28 =	simm.s32 $_size_execute0_lowered;
	s3 =	sadd.s32 s3, s5;
	[dreg:$0x0] =	wrdreg $0x0  }
0xa8: {  	s5 =	sshll.u32 s28, $0x1;
	[dreg:$0x2] =	wrdreg s3  }
0xa9: {  	[dreg:$0x3] =	wrdreg s5  }
0xaa: {  	[dreg:$0x4] =	wrdreg $0xC0  }
0xab: {  	_ =	task [dreg:s7], $0x5FFFF  }
0xac: {  	[dreg:$0x1] =	wrdreg $0xFFFFFFFF  }
0xad: {  	[dreg:$0x0] =	wrdreg $0x60  }
0xae: {  	[dreg:$0x2] =	wrdreg s2  }
0xaf: {  	[dreg:$0x3] =	wrdreg s24  }
0xb0: {  	[dreg:$0x4] =	wrdreg $0x9  }
0xb1: {  	_ =	task.clear_ibuf [dreg:s7], $0x5FFFF;
	_ =	strace $0x90000046  }
0xb2: {  	s29 =	simm.s32 $0x9;
	_ =	strace $0x80000048  }
0xb3: {  	_ =	swait.ge [sflag:s29], $0x1  }
0xb4: {  	[sflag:s29] =	ssyncadd.s32 $0xFFFFFFFF  }
0xb5: {  	_ =	strace $0x90000048  }
0xb6: {  	_ =	sfence  }
0xb7: {  	s30 =	sld [smem:$0x0];
	_ =	sdelay $0x2  }
0xb8: {  	s31 =	sshll.u32 s1, $0xD;
	s1 =	sshrl.u32 s1, $0x2  }
0xb9: {  	s3 =	sand.u32 $0x4000, s31;
	s1 =	sadd.s32 s1, s30  }
0xba: {  	s0 =	sor.u32 s3, s0;
	s1 =	sshll.u32 s1, $0x11  }
0xbb: {  	s0 =	sor.u32 s1, s0  }
0xbc: {  	s0 =	sadd.s32 $0x8F2B, s0  }
0xbd: {  	[sflag:s0] =	ssyncadd.remote.s32 $0x1  }
0xbe: {  	_ =	sfence.sel $0xFFFF  }
0xbf: {  	[dreg:$0x0] =	wrdreg $0xFFFFFFFF;
	(pc) =	sbr.abs _section_cstart, $3  }
0xc0: {  	[dreg:$0x1] =	wrdreg $0xFFFFFFFF  }
0xc1: {  	_ =	task.clear_ibuf [dreg:s7], $0x2FFFF;
	_ =	strace $0x9FFFFFFF  }
0xc2: {  	(tm) =	ssettm $0x7FFFFFFF  }
0xc3: {  	_ =	shalt  }
tec
execute0_lowered:
.L_overlay_start_1:
0x0: {  	(tag) =	ssettag $0x1  }
0x1: {  	s2 =	rddreg [dreg:$0x0]  }
0x2: {  	s7 =	rddreg [dreg:$0x1]  }
0x3: {  	s0 =	rddreg [dreg:$0x2]  }
0x4: {  	s1 =	srdreg.scid;
	_ =	strace $0x80000047;
	s4 =	simm.s32 $0x1  }
0x5: {  	s9 =	simm.s32 $0x3;
	s12 =	simm.s32 $0x0;
	s5 =	sshll.u32 s1, $0x4  }
.Ltmp0:
0x6: {  	s1 =	stileid.u32;
	s5 =	sand.u32 $0x10, s5;
	(pc) =	sbr.rel .LBB2_1-.Ltmp0, $4  }
0x7: {  	s10 =	simm.s32 $0x0;
	s3 =	sadd.s32 $0x3600, s7;
	s6 =	sor.u32 s1, s5  }
0x8: {  	[sflag:s4] =	ssyncpa.u1 $0x0;
	s5 =	simm.s32 $0x2;
	s6 =	sshll.u32 s6, $0x7  }
0x9: {  	s7 =	sadd.s32 $0x203A00, s7;
	[sflag:s5] =	ssyncpa.u1 $0x0;
	s8 =	sadd.s32 $0x80, s6  }
0xa: {  	vm0 =	vmmov $0xff;
	vm1 =	vcmask $0x3F20;
	[sflag:s9] =	ssyncpa.u1 $0x0;
	s9 =	simm.s32 $0x80;
	s11 =	smov.u32 s6  }
.LBB2_9:
0xb: {  	p0 =	seq.s32 s10, $0x2  }
.Ltmp1:
0xc: {  	_ = 	snop;
	(pc) =	sbr.rel @p0 .LBB2_11-.Ltmp1, $1  }
0xd: {  	_ =	sdelay $0x3  }
.LBB2_10:
0xe: {  	s12 =	sadd.s32 $0x80, s11  }
0xf: {  	s13 =	smov.u32 s6;
	p0 =	slt.s32 s12, s8  }
0x10: {  	s13 =	smov.u32 @p0 s12  }
0x11: {  	s10 =	sadd.s32 $0x1, s10;
	s12 =	smov.u32 s11;
	s11 =	smov.u32 s13  }
.LBB2_1:
0x12: {  	p0 =	sne.s32 s10, $0x0  }
.Ltmp2:
0x13: {  	_ = 	snop;
	(pc) =	sbr.rel @!p0 .LBB2_2-.Ltmp2, $1  }
0x14: {  	_ =	sdelay $0x3  }
0x15: {  	s13 =	sand.u32 $0x1, s10  }
0x16: {  	p0 =	seq.s32 s13, $0x0  }
.Ltmp3:
0x17: {  	_ = 	snop;
	(pc) =	sbr.rel @p0 .LBB2_9-.Ltmp3, $1  }
0x18: {  	_ =	sdelay $0x3  }
0x19: {  	_ =	swait.ge [sflag:s5], $0x80  }
0x1a: {  	[sflag:s5] =	ssyncset.done $0x0  }
0x1b: {  	s13 =	simm.s32 $0x0;
	[sflag:s5] =	ssyncadd.s32 $0xFFFFFF80  }
0x1c: {  	v0 =	vld.msk [tilespmem:s13+$0x80 ss:$0x1], $0xffff;
	_ =	sdelay $0x4  }
0x1d: {  	v1 =	vshll.u32 v0, $0x6  }
0x1e: {  	vm2 =	veq.s32 v0, $0x80000000;
	v0 =	vshll.u32 v0, $0x13;
	v1 =	vand.u32 $0x7FF80, v1  }
0x1f: {  	v0 =	vand.u32 $0x80000, v0;
	v1 =	vsel vm2, $0xFFFFFF80, v1  }
0x20: {  	v0 =	vsel vm2, $0xFFF80000, v0;
	v2 =	vand.u32 $0xFFFFFC00, v1  }
0x21: {  	v1 =	vand.u32 $0x380, v1;
	v0 =	vadd.s32 v0, v2  }
0x22: {  	v0 =	vor.u32 v1, v0  }
0x23: {  	v0 =	vshrl.u32 v0, $0x3;
	_ =	sdelay $0x3  }
0x24: {  	s13 =	simm.s32 $0x4100  }
0x25: {  	[tilespmem:s13], [sflag:$0x1] =	stream.indirect_vreg.gather [hbm:s2], $0x80, v0, vm0, $0x38;
	[tilespmem:$0x8100] =	vst v63  }
0x26: {  	s14 =	simm.s32 $0x4500;
	s31 =	simm.s32 $0x10  }
0x27: {  	[tilespmem:s14], [sflag:$0x1] =	stream.indirect_vreg.gather [hbm:s2], $0x80, v0, vm1, $0x38;
	[tilespmem:$0x8100] =	vst v63  }
0x28: {  	s14 =	simm.s32 $0x80;
	v0 =	vld.msk [tilespmem:s31+$0x80 ss:$0x1], $0xffff  }
.LBB2_5:
0x29: {  	p0 =	sne.s32 s14, $0x1C0;
	_ =	sdelay $0x4  }
0x2a: {  	v1 =	vshll.u32 v0, $0x6  }
0x2b: {  	vm2 =	veq.s32 v0, $0x80000000;
	v0 =	vshll.u32 v0, $0x13;
	v1 =	vand.u32 $0x7FF80, v1  }
0x2c: {  	v0 =	vand.u32 $0x80000, v0;
	v1 =	vsel vm2, $0xFFFFFF80, v1  }
0x2d: {  	v0 =	vsel vm2, $0xFFF80000, v0;
	v2 =	vand.u32 $0xFFFFFC00, v1  }
0x2e: {  	v1 =	vand.u32 $0x380, v1;
	v0 =	vadd.s32 v0, v2  }
0x2f: {  	v0 =	vor.u32 v1, v0  }
0x30: {  	v0 =	vshrl.u32 v0, $0x3;
	_ =	sdelay $0x3  }
.Ltmp4:
0x31: {  	s13 =	sadd.s32 $0x800, s13;
	(pc) =	sbr.rel @p0 .LBB2_5-.Ltmp4, $4  }
0x32: {  	[tilespmem:s13], [sflag:$0x1] =	stream.indirect_vreg.gather [hbm:s2], $0x80, v0, vm0, $0x38;
	[tilespmem:$0x8100] =	vst v63  }
0x33: {  	s15 =	sshra.s32 s14, $0x2;
	s16 =	sadd.s32 $0x400, s13  }
0x34: {  	[tilespmem:s16], [sflag:$0x1] =	stream.indirect_vreg.gather [hbm:s2], $0x80, v0, vm1, $0x38;
	[tilespmem:$0x8100] =	vst v63  }
0x35: {  	s14 =	sadd.s32 $0x40, s14;
	v0 =	vld.msk [tilespmem:s15+$0x80 ss:$0x1], $0xffff  }
0x36: {  	_ =	sdelay $0x3  }
0x37: {  	v1 =	vshll.u32 v0, $0x6  }
0x38: {  	vm2 =	veq.s32 v0, $0x80000000;
	v63 =	vshll.u32 v0, $0x13;
	v1 =	vand.u32 $0x7FF80, v1  }
0x39: {  	v0 =	vand.u32 $0x80000, v63;
	v1 =	vsel vm2, $0xFFFFFF80, v1  }
0x3a: {  	v0 =	vsel vm2, $0xFFF80000, v0;
	v2 =	vand.u32 $0xFFFFFC00, v1  }
0x3b: {  	v1 =	vand.u32 $0x380, v1;
	v0 =	vadd.s32 v0, v2  }
0x3c: {  	v0 =	vor.u32 v1, v0  }
0x3d: {  	v0 =	vshrl.u32 v0, $0x3;
	_ =	sdelay $0x3  }
0x3e: {  	s13 =	sadd.s32 $0x800, s13  }
0x3f: {  	[tilespmem:s13], [sflag:$0x1] =	stream.indirect_vreg.gather [hbm:s2], $0x80, v0, vm0, $0x38;
	[tilespmem:$0x8100] =	vst v63  }
0x40: {  	s13 =	sadd.s32 $0x400, s13  }
0x41: {  	[tilespmem:s13], [sflag:$0x1] =	stream.indirect_vreg.gather [hbm:s2], $0x80, v0, vm1, $0x38;
	[tilespmem:$0x8100] =	vst v63  }
0x42: {  	s12 =	sshll.u32 s12, $0x4;
	s14 =	simm.s32 $0x80;
	_ =	swait.ge [sflag:s4], $0x4000  }
0x43: {  	s15 =	simm.s32 $0x4500;
	s12 =	sadd.s32 s12, s7;
	[sflag:s4] =	ssyncset.done $0x0  }
0x44: {  	s16 =	sadd.s32 $0x0, s12;
	s13 =	simm.s32 $0x4100;
	[sflag:s4] =	ssyncadd.s32 $0xFFFFC000  }
.LBB2_7:
0x45: {  	[hbm:s16] =	stream.linear.scatter [tilespmem:s13], [sflag:$0x3], $0x400, $0x38;
	[tilespmem:$0x8100] =	vst v63  }
0x46: {  	s16 =	smov.u32 s14;
	s13 =	smov.u32 s15;
	p0 =	sne.s32 s14, $0x780  }
.Ltmp5:
0x47: {  	s14 =	sadd.s32 $0x80, s14;
	(pc) =	sbr.rel @p0 .LBB2_7-.Ltmp5, $2  }
0x48: {  	_ =	sdelay $0x2  }
0x49: {  	s15 =	sadd.s32 $0x400, s15;
	s16 =	sadd.s32 s16, s12  }
.Ltmp6:
0x4a: {  	(pc) =	sbr.rel .LBB2_9-.Ltmp6, $2  }
0x4b: {  	_ =	sdelay $0x2  }
0x4c: {  	[hbm:s16] =	stream.linear.scatter [tilespmem:s13], [sflag:$0x3], $0x400, $0x38;
	[tilespmem:$0x8100] =	vst v63  }
.LBB2_2:
.Ltmp7:
0x4d: {  	(pc) =	sbr.rel .LBB2_10-.Ltmp7, $4  }
0x4e: {  	_ = 	snop  }
0x4f: {  	s12 =	sshrl.u32 s11, $0x3  }
0x50: {  	s13 =	sand.u32 $0x7, s11;
	s12 =	sadd.s32 s3, s12  }
0x51: {  	[tilespmem:s9], [sflag:$0x2] =	stream.linear.gather [hbm4b:s12+s13], $0x80, $0x38;
	[tilespmem:$0x8100] =	vst v63  }
.LBB2_11:
0x52: {  	s2 =	simm.s32 $0x3  }
0x53: {  	_ =	swait.ge [sflag:s2], $0x4000  }
0x54: {  	[sflag:s2] =	ssyncset.done $0x0  }
0x55: {  	[sflag:s2] =	ssyncadd.s32 $0xFFFFC000  }
0x56: {  	_ =	sfence.sel $0x180000  }
0x57: {  	s3 =	simm.s32 $0x2;
	[bflag:$0x0] =	sbarrier.arrive $0xFFFF  }
0x58: {  	[sflag:s3] =	ssyncpa.u1 $0x1  }
0x59: {  	s31 =	simm.s32 $0x1;
	[sflag:s2] =	ssyncpa.u1 $0x1  }
0x5a: {  	[sflag:s31] =	ssyncpa.u1 $0x1  }
0x5b: {  	p0 =	sne.s32 s1, $0x0;
	_ =	strace $0x90000047  }
0x5c: {  	s0 =	sadd.s32 @!p0 $0x100000, s0;
	[bflag:$0x2] =	sbarrier.arrive $0xFFFF  }
0x5d: {  	[sflag:s0] =	ssyncadd.tile.s32 @!p0 $0x1;
	_ =	shalt  }
.Lfunc_end2:
_tile_overlayer_lowered:
.L_overlay_start_2:
0x5e: {  	(tag) =	ssettag $0x2  }
0x5f: {  	s0 =	rddreg [dreg:$0x0];
	s2 =	stileid.u32  }
0x60: {  	s1 =	rddreg [dreg:$0x1];
	p0 =	sne.s32 s2, $0x0  }
0x61: {  	s3 =	rddreg [dreg:$0x2];
	[bflag:$0x3] =	sbarrier.arrive $0xFFFF;
	s2 =	simm.s32 @!p0 $0x1C01  }
0x62: {  	[timem:s3], [sflag:s2] =	dma.local @!p0 [hbm:s0], s1  }
0x63: {  	s0 =	simm.s32 @!p0 $0x1  }
0x64: {  	_ =	swait.ge @!p0 [sflag:s0], s1  }
0x65: {  	s1 =	ssub.s32 @!p0 $0x0, s1;
	[sflag:s0] =	ssyncset.done @!p0 $0x0  }
0x66: {  	[sflag:s0] =	ssyncadd.s32 @!p0 s1  }
0x67: {  	[bflag:$0x3] =	sbarrier.arrive $0xFFFF  }
0x68: {  	_ =	shalt  }

</sc_bundles>
